<compile_context>
chip_gen: v7x
topology: tpu7x:2x2x1
jax: 0.10.2.dev20260603
libtpu: 0.0.44.dev20260713+nightly
codegen_flags: <defaults>
</compile_context>

<pallas_src>
import functools

import jax
import jax.numpy as jnp
from jax import lax
from jax.experimental import pallas as pl
from jax.experimental.pallas import tpu as pltpu
from jax.experimental.pallas import tpu_sc as plsc

N = 16777216
NBINS = 31
NEDGES = NBINS + 1
NC, NS, L = 2, 16, 16
NW = NC * NS
PER_TILE = N // NW
CHUNK = 16384
NCHUNK = PER_TILE // CHUNK
VPC = CHUNK // L
UNROLL = 8
NBUF = 2

_mesh = plsc.VectorSubcoreMesh(
    core_axis_name="c", subcore_axis_name="s", num_cores=NC, num_subcores=NS)


def _wid():
    return lax.axis_index("s") * NC + lax.axis_index("c")


def _in_dma(values, buf, base, chunk_idx, parity, sem):
    return pltpu.make_async_copy(
        values.at[pl.ds(base + chunk_idx * CHUNK, CHUNK)],
        buf.at[pl.ds(parity * CHUNK, CHUNK)],
        sem)


@functools.partial(
    pl.kernel,
    out_type=(
        jax.ShapeDtypeStruct((NW, L), jnp.float32),
        jax.ShapeDtypeStruct((NW, L), jnp.float32),
        jax.ShapeDtypeStruct((NW, L), jnp.float32),
        jax.ShapeDtypeStruct((NW, L), jnp.float32),
        jax.ShapeDtypeStruct((NW, L), jnp.int32),
    ),
    mesh=_mesh,
    scratch_types=(
        pltpu.VMEM((NBUF * CHUNK,), jnp.float32),
        pltpu.VMEM((4 * L,), jnp.float32),
        pltpu.VMEM((L,), jnp.int32),
        pltpu.SemaphoreType.DMA,
        pltpu.SemaphoreType.DMA,
        pltpu.SemaphoreType.DMA,
        pltpu.SemaphoreType.DMA,
    ),
    compiler_params=pltpu.CompilerParams(use_tc_tiling_on_sc=False),
)
def _pass1(values, pmin, pmax, psum, pss, pnnz, buf, stf, sti,
           sem0, sem1, sem2, sem3):
    wid = _wid()
    base = wid * PER_TILE
    sems = (sem0, sem1, sem2, sem3)

    for c in range(NBUF):
        _in_dma(values, buf, base, c, c, sems[c]).start()

    zf = jnp.zeros((L,), jnp.float32)
    zi = jnp.zeros((L,), jnp.int32)
    onei = jnp.ones((L,), jnp.int32)
    acc0 = (jnp.full((L,), jnp.inf, jnp.float32),
            jnp.full((L,), -jnp.inf, jnp.float32),
            zf, zi, zf, zf)

    def chunk_compute(parity, acc):
        mnv, mxv, ssv, nzv, sv, cv = acc

        def inner(i, ic):
            mn_, mx_, ss_, nz_, cs_ = ic
            vs = [buf[pl.ds(parity * CHUNK + (i * UNROLL + u) * L, L)]
                  for u in range(UNROLL)]
            for v in vs:
                mn_ = jnp.minimum(mn_, v)
                mx_ = jnp.maximum(mx_, v)
                cs_ = cs_ + v
                ss_ = ss_ + v * v
                nz_ = nz_ + jnp.where(v != zf, onei, zi)
            return (mn_, mx_, ss_, nz_, cs_)

        mnv, mxv, ssv, nzv, csum = lax.fori_loop(
            0, VPC // UNROLL, inner, (mnv, mxv, ssv, nzv, zf))
        y = csum - cv
        t = sv + y
        cv = (t - sv) - y
        return (mnv, mxv, ssv, nzv, t, cv)

    def outer(g, acc):
        for p in range(NBUF):
            _in_dma(values, buf, base, 0, p, sems[p]).wait()
            acc = chunk_compute(p, acc)
            nxt = NBUF * g + p + NBUF

            @pl.when(nxt < NCHUNK)
            def _():
                _in_dma(values, buf, base, nxt, p, sems[p]).start()
        return acc

    mnv, mxv, ssv, nzv, sv, cv = lax.fori_loop(
        0, NCHUNK // NBUF, outer, acc0)

    stf[pl.ds(0 * L, L)] = mnv
    stf[pl.ds(1 * L, L)] = mxv
    stf[pl.ds(2 * L, L)] = sv
    stf[pl.ds(3 * L, L)] = ssv
    sti[...] = nzv
    pltpu.sync_copy(stf.at[pl.ds(0 * L, L)], pmin.at[wid])
    pltpu.sync_copy(stf.at[pl.ds(1 * L, L)], pmax.at[wid])
    pltpu.sync_copy(stf.at[pl.ds(2 * L, L)], psum.at[wid])
    pltpu.sync_copy(stf.at[pl.ds(3 * L, L)], pss.at[wid])
    pltpu.sync_copy(sti, pnnz.at[wid])


@functools.partial(
    pl.kernel,
    out_type=(
        jax.ShapeDtypeStruct((L,), jnp.float32),
        jax.ShapeDtypeStruct((L,), jnp.int32),
        jax.ShapeDtypeStruct((NEDGES,), jnp.float32),
        jax.ShapeDtypeStruct((NW, NBINS, L), jnp.int32),
    ),
    mesh=_mesh,
    scratch_types=(
        pltpu.VMEM((NBUF * CHUNK,), jnp.float32),
        pltpu.VMEM((4, NW, L), jnp.float32),
        pltpu.VMEM((NW, L), jnp.int32),
        pltpu.VMEM((NBINS + 1, L), jnp.int32),
        pltpu.VMEM((NEDGES,), jnp.float32),
        pltpu.VMEM((L,), jnp.float32),
        pltpu.VMEM((L,), jnp.int32),
        pltpu.SemaphoreType.DMA,
        pltpu.SemaphoreType.DMA,
        pltpu.SemaphoreType.DMA,
        pltpu.SemaphoreType.DMA,
    ),
    compiler_params=pltpu.CompilerParams(
        use_tc_tiling_on_sc=False, needs_layout_passes=False),
)
def _pass2(values, pmin, pmax, psum, pss, pnnz,
           stats_o, nnz_o, edges_o, phist_o,
           buf, pf, pi, hist, ebuf, sbuf, nbuf,
           sem0, sem1, sem2, sem3):
    wid = _wid()
    base = wid * PER_TILE
    sems = (sem0, sem1, sem2, sem3)

    for c in range(NBUF):
        _in_dma(values, buf, base, c, c, sems[c]).start()

    pltpu.sync_copy(pmin, pf.at[0])
    pltpu.sync_copy(pmax, pf.at[1])
    pltpu.sync_copy(psum, pf.at[2])
    pltpu.sync_copy(pss, pf.at[3])
    pltpu.sync_copy(pnnz, pi)

    mnv = pf[0, 0]
    mxv = pf[1, 0]
    sv = pf[2, 0]
    cv = jnp.zeros((L,), jnp.float32)
    ssv = pf[3, 0]
    nzv = pi[0]
    for i in range(1, NW):
        mnv = jnp.minimum(mnv, pf[0, i])
        mxv = jnp.maximum(mxv, pf[1, i])
        y = pf[2, i] - cv
        t = sv + y
        cv = (t - sv) - y
        sv = t
        ssv = ssv + pf[3, i]
        nzv = nzv + pi[i]

    mn = jnp.min(mnv)
    mx = jnp.max(mxv)
    s = jnp.sum(sv)
    ss = jnp.sum(ssv)
    nz = jnp.sum(nzv)

    width = mx - mn
    deg = width == 0.0
    lo = jnp.where(deg, mn - 0.5, mn)
    hi = jnp.where(deg, mx + 0.5, mx)
    lo_v = jnp.full((L,), lo, jnp.float32)
    w_v = jnp.full((L,), hi - lo, jnp.float32)
    step_v = w_v / jnp.float32(NBINS)
    scale_v = jnp.float32(NBINS) / w_v

    li = jnp.arange(L, dtype=jnp.int32)

    @pl.when(wid == 0)
    def _():
        lif = li.astype(jnp.float32)
        ebuf[pl.ds(0, L)] = lo_v + lif * step_v
        ebuf[pl.ds(L, L)] = lo_v + (lif + jnp.float32(L)) * step_v
        sbuf[...] = jnp.where(
            li == 0, mn, jnp.where(li == 1, mx,
                                   jnp.where(li == 2, s,
                                             jnp.where(li == 3, ss, 0.0))))
        nbuf[...] = jnp.where(li == 0, nz, 0)
        pltpu.sync_copy(ebuf, edges_o)
        pltpu.sync_copy(sbuf, stats_o)
        pltpu.sync_copy(nbuf, nnz_o)

    zi = jnp.zeros((L,), jnp.int32)
    for b in range(NBINS + 1):
        hist[b] = zi
    ones = jnp.ones((L,), jnp.int32)

    def chunk_compute(parity):
        def inner(i, carry):
            vs = [buf[pl.ds(parity * CHUNK + (i * UNROLL + u) * L, L)]
                  for u in range(UNROLL)]
            idxs = [((v - lo_v) * scale_v).astype(jnp.int32) for v in vs]
            for idx in idxs:
                plsc.addupdate_scatter(hist, [idx, li], ones)
            return carry

        lax.fori_loop(0, VPC // UNROLL, inner, 0)

    def outer(g, carry):
        for p in range(NBUF):
            _in_dma(values, buf, base, 0, p, sems[p]).wait()
            chunk_compute(p)
            nxt = NBUF * g + p + NBUF

            @pl.when(nxt < NCHUNK)
            def _():
                _in_dma(values, buf, base, nxt, p, sems[p]).start()
        return carry

    lax.fori_loop(0, NCHUNK // NBUF, outer, 0)

    hist[NBINS - 1] = hist[NBINS - 1] + hist[NBINS]
    pltpu.sync_copy(hist.at[pl.ds(0, NBINS)], phist_o.at[wid])


def kernel(values, num_bins):
    del num_bins
    pmin, pmax, psum, pss, pnnz = _pass1(values)
    stats, nnzv, edges, phist = _pass2(values, pmin, pmax, psum, pss, pnnz)
    mn = stats[0]
    mx = stats[1]
    s = stats[2]
    ss = stats[3]
    nonzero = nnzv[0]
    num = jnp.asarray(N, dtype=jnp.int32)
    counts = jnp.sum(phist, axis=(0, 2), dtype=jnp.int32)
    return (mn, mx, num, nonzero, s, ss, edges, counts)

# --- scband reference (transcript-rebuilt; emitter-appended) ---
"""Pipeline reference for scband-summary-stats-34282428957035 (READ-ONLY COPY).

The authoritative reference and input builder live on the scoring server;
editing this copy changes nothing except your own understanding.
"""

import jax, jax.numpy as jnp
import numpy as np

TILE_SIZE = 1024

NUM_BINS_STATIC = 31


def _histogram_counts(a, bin_edges):
    # Faithful port of _single_shard_histogram_array (single shard, no psum).
    a = a.ravel()
    num_bins = bin_edges.shape[0] - 1
    orig_len = a.shape[0]
    padded_len = (orig_len + TILE_SIZE - 1) // TILE_SIZE * TILE_SIZE
    pad_len = padded_len - orig_len
    if pad_len > 0:
        a = jnp.pad(a, (0, pad_len))
    left_edges = bin_edges[:-1][:, None]
    right_edges = bin_edges[1:][:, None]
    is_last_bin = (jnp.arange(num_bins) == num_bins - 1)[:, None]

    def _body(tile_index, running_counts):
        start = tile_index * TILE_SIZE
        tile = jax.lax.dynamic_slice_in_dim(a, start, TILE_SIZE, axis=0)
        valid = start + jnp.arange(TILE_SIZE) < orig_len
        tile_exp = tile[None, :]
        in_bin = (tile_exp >= left_edges) & ((tile_exp < right_edges) | (is_last_bin & (tile_exp <= right_edges)))
        return running_counts + (in_bin & valid[None, :]).sum(axis=1, dtype=jnp.int32)

    return jax.lax.fori_loop(0, padded_len // TILE_SIZE, _body,
                             jnp.zeros((num_bins,), dtype=jnp.int32))


def setup_inputs(seed: int = 0) -> dict:
    key = jax.random.key(seed)
    values = jax.random.normal(key, (16777216,), dtype=jnp.float32)
    return {"values": values, "num_bins": 31}


def reference(values, num_bins):
    # SummaryStats.from_sharded_array(values, num_bins=num_bins, include_histogram=True)
    arr = values.ravel()
    mn = arr.min()
    mx = arr.max()
    nonzero_count = jnp.count_nonzero(arr)
    num = jnp.asarray(arr.size, dtype=nonzero_count.dtype)
    s = arr.sum()
    ss = (arr ** 2).sum()
    edges = jnp.histogram_bin_edges(jnp.stack([mn, mx]), bins=NUM_BINS_STATIC)
    edges = edges + jnp.zeros((), edges.dtype) * num_bins
    counts = _histogram_counts(arr, edges)
    return (mn, mx, num, nonzero_count, s, ss, edges, counts)

if __name__ == "__main__":
    import jax
    _d = setup_inputs()
    print(jax.jit(kernel)(*tuple(_d.values())))

</pallas_src>

<mosaic_0001>
#map = affine_map<(d0, d1) -> (0)>
#map1 = affine_map<(d0, d1) -> (0, 0)>
#map2 = affine_map<(d0, d1) -> (0, 0, 0)>
module attributes {stable_mosaic.version = 14 : i64} {
  func.func @_pass2(%arg0: i32, %arg1: i32, %arg2: memref<16777216xf32, #tpu.memory_space<hbm>>, %arg3: memref<32x16xf32, #tpu.memory_space<hbm>>, %arg4: memref<32x16xf32, #tpu.memory_space<hbm>>, %arg5: memref<32x16xf32, #tpu.memory_space<hbm>>, %arg6: memref<32x16xf32, #tpu.memory_space<hbm>>, %arg7: memref<32x16xi32, #tpu.memory_space<hbm>>, %arg8: memref<16xf32, #tpu.memory_space<hbm>>, %arg9: memref<16xi32, #tpu.memory_space<hbm>>, %arg10: memref<32xf32, #tpu.memory_space<hbm>>, %arg11: memref<32x31x16xi32, #tpu.memory_space<hbm>>, %arg12: memref<32768xf32, #tpu.memory_space<vmem>>, %arg13: memref<4x32x16xf32, #tpu.memory_space<vmem>>, %arg14: memref<32x16xi32, #tpu.memory_space<vmem>>, %arg15: memref<32x16xi32, #tpu.memory_space<vmem>>, %arg16: memref<32xf32, #tpu.memory_space<vmem>>, %arg17: memref<16xf32, #tpu.memory_space<vmem>>, %arg18: memref<16xi32, #tpu.memory_space<vmem>>, %arg19: memref<!tpu.dma_semaphore, #tpu.memory_space<semaphore_mem>>, %arg20: memref<!tpu.dma_semaphore, #tpu.memory_space<semaphore_mem>>, %arg21: memref<!tpu.dma_semaphore, #tpu.memory_space<semaphore_mem>>, %arg22: memref<!tpu.dma_semaphore, #tpu.memory_space<semaphore_mem>>) attributes {dimension_semantics = [#tpu.dimension_semantics<core_parallel>, #tpu.dimension_semantics<subcore_parallel>], iteration_bounds = array<i64: 2, 16>, scalar_prefetch = 0 : i64, scratch_operands = 11 : i64, tpu.core_type = #tpu.core_type<sc_vector_subcore>, window_params = [{transform_indices = #map}, {transform_indices = #map1}, {transform_indices = #map1}, {transform_indices = #map1}, {transform_indices = #map1}, {transform_indices = #map1}, {transform_indices = #map}, {transform_indices = #map}, {transform_indices = #map}, {transform_indices = #map2}]} {
    %mul3A = arith.constant 2 : i32
    %mul3A_0 = arith.muli %arg1, %mul3A : i32
    %add3A = arith.addi %mul3A_0, %arg0 : i32
    %mul3A_1 = arith.constant 524288 : i32
    %mul3A_2 = arith.muli %add3A, %mul3A_1 : i32
    %add3A_3 = arith.constant 0 : i32
    %add3A_4 = arith.addi %mul3A_2, %add3A_3 : i32
    %dma_start3A = arith.constant 0 : i32
    %dma_start3A_5 = tpu.memref_slice %arg12[%dma_start3A] : memref<32768xf32, #tpu.memory_space<vmem>> -> memref<16384xf32, #tpu.memory_space<vmem>>
    %dma_start3A_6 = tpu.memref_slice %arg2[%add3A_4] : memref<16777216xf32, #tpu.memory_space<hbm>> -> memref<16384xf32, #tpu.memory_space<hbm>>
    %dma_start3A_7 = arith.constant 0 : i32
    %dma_start3A_8 = tpu.memref_slice %arg12[%dma_start3A_7] : memref<32768xf32, #tpu.memory_space<vmem>> -> memref<16384xf32, #tpu.memory_space<vmem>>
    %dma_start3A_9 = tpu.memref_slice %arg2[%add3A_4] : memref<16777216xf32, #tpu.memory_space<hbm>> -> memref<16384xf32, #tpu.memory_space<hbm>>
    tpu.enqueue_dma source(%dma_start3A_9 : memref<16384xf32, #tpu.memory_space<hbm>>) target(%dma_start3A_8 : memref<16384xf32, #tpu.memory_space<vmem>>) target_semaphore(%arg19 : memref<!tpu.dma_semaphore, #tpu.memory_space<semaphore_mem>>)
    %add3A_10 = arith.constant 16384 : i32
    %add3A_11 = arith.addi %mul3A_2, %add3A_10 : i32
    %dma_start3A_12 = arith.constant 16384 : i32
    %dma_start3A_13 = tpu.memref_slice %arg12[%dma_start3A_12] : memref<32768xf32, #tpu.memory_space<vmem>> -> memref<16384xf32, #tpu.memory_space<vmem>>
    %dma_start3A_14 = tpu.memref_slice %arg2[%add3A_11] : memref<16777216xf32, #tpu.memory_space<hbm>> -> memref<16384xf32, #tpu.memory_space<hbm>>
    %dma_start3A_15 = arith.constant 16384 : i32
    %dma_start3A_16 = tpu.memref_slice %arg12[%dma_start3A_15] : memref<32768xf32, #tpu.memory_space<vmem>> -> memref<16384xf32, #tpu.memory_space<vmem>>
    %dma_start3A_17 = tpu.memref_slice %arg2[%add3A_11] : memref<16777216xf32, #tpu.memory_space<hbm>> -> memref<16384xf32, #tpu.memory_space<hbm>>
    tpu.enqueue_dma source(%dma_start3A_17 : memref<16384xf32, #tpu.memory_space<hbm>>) target(%dma_start3A_16 : memref<16384xf32, #tpu.memory_space<vmem>>) target_semaphore(%arg20 : memref<!tpu.dma_semaphore, #tpu.memory_space<semaphore_mem>>)
    %run_scoped3A = arith.constant 0 : i32
    "tpu.region"() ({
      %run_scoped3A_1346 = tpu.sem_alloc : memref<!tpu.dma_semaphore, #tpu.memory_space<semaphore_mem>>
      %dma_start3A_1347 = arith.constant 0 : i32
      %dma_start3A_1348 = arith.constant 0 : i32
      %dma_start3A_1349 = tpu.memref_slice %arg13[%run_scoped3A, %dma_start3A_1347, %dma_start3A_1348] : memref<4x32x16xf32, #tpu.memory_space<vmem>> -> memref<1x32x16xf32, #tpu.memory_space<vmem>>
      %dma_start3A_1350 = tpu.memref_squeeze %dma_start3A_1349 : memref<1x32x16xf32, #tpu.memory_space<vmem>> -> memref<32x16xf32, #tpu.memory_space<vmem>>
      %dma_start3A_1351 = arith.constant 0 : i32
      %dma_start3A_1352 = arith.constant 0 : i32
      %dma_start3A_1353 = tpu.memref_slice %arg13[%run_scoped3A, %dma_start3A_1351, %dma_start3A_1352] : memref<4x32x16xf32, #tpu.memory_space<vmem>> -> memref<1x32x16xf32, #tpu.memory_space<vmem>>
      %dma_start3A_1354 = tpu.memref_squeeze %dma_start3A_1353 : memref<1x32x16xf32, #tpu.memory_space<vmem>> -> memref<32x16xf32, #tpu.memory_space<vmem>>
      tpu.enqueue_dma source(%arg3 : memref<32x16xf32, #tpu.memory_space<hbm>>) target(%dma_start3A_1354 : memref<32x16xf32, #tpu.memory_space<vmem>>) target_semaphore(%run_scoped3A_1346 : memref<!tpu.dma_semaphore, #tpu.memory_space<semaphore_mem>>)
      %dma_wait3A = arith.constant 0 : i32
      %dma_wait3A_1355 = arith.constant 0 : i32
      %dma_wait3A_1356 = tpu.memref_slice %arg13[%run_scoped3A, %dma_wait3A, %dma_wait3A_1355] : memref<4x32x16xf32, #tpu.memory_space<vmem>> -> memref<1x32x16xf32, #tpu.memory_space<vmem>>
      %dma_wait3A_1357 = tpu.memref_squeeze %dma_wait3A_1356 : memref<1x32x16xf32, #tpu.memory_space<vmem>> -> memref<32x16xf32, #tpu.memory_space<vmem>>
      %dma_wait3A_1358 = arith.constant 0 : i32
      %dma_wait3A_1359 = arith.constant 0 : i32
      %dma_wait3A_1360 = tpu.memref_slice %arg13[%run_scoped3A, %dma_wait3A_1358, %dma_wait3A_1359] : memref<4x32x16xf32, #tpu.memory_space<vmem>> -> memref<1x32x16xf32, #tpu.memory_space<vmem>>
      %dma_wait3A_1361 = tpu.memref_squeeze %dma_wait3A_1360 : memref<1x32x16xf32, #tpu.memory_space<vmem>> -> memref<32x16xf32, #tpu.memory_space<vmem>>
      tpu.wait_dma2 semaphore(%run_scoped3A_1346 : memref<!tpu.dma_semaphore, #tpu.memory_space<semaphore_mem>>) src(%arg3 : memref<32x16xf32, #tpu.memory_space<hbm>>) dst(%dma_wait3A_1361 : memref<32x16xf32, #tpu.memory_space<vmem>>)
      tpu.yield
    }) : () -> ()
    %run_scoped3A_18 = arith.constant 1 : i32
    "tpu.region"() ({
      %run_scoped3A_1346 = tpu.sem_alloc : memref<!tpu.dma_semaphore, #tpu.memory_space<semaphore_mem>>
      %dma_start3A_1347 = arith.constant 0 : i32
      %dma_start3A_1348 = arith.constant 0 : i32
      %dma_start3A_1349 = tpu.memref_slice %arg13[%run_scoped3A_18, %dma_start3A_1347, %dma_start3A_1348] : memref<4x32x16xf32, #tpu.memory_space<vmem>> -> memref<1x32x16xf32, #tpu.memory_space<vmem>>
      %dma_start3A_1350 = tpu.memref_squeeze %dma_start3A_1349 : memref<1x32x16xf32, #tpu.memory_space<vmem>> -> memref<32x16xf32, #tpu.memory_space<vmem>>
      %dma_start3A_1351 = arith.constant 0 : i32
      %dma_start3A_1352 = arith.constant 0 : i32
      %dma_start3A_1353 = tpu.memref_slice %arg13[%run_scoped3A_18, %dma_start3A_1351, %dma_start3A_1352] : memref<4x32x16xf32, #tpu.memory_space<vmem>> -> memref<1x32x16xf32, #tpu.memory_space<vmem>>
      %dma_start3A_1354 = tpu.memref_squeeze %dma_start3A_1353 : memref<1x32x16xf32, #tpu.memory_space<vmem>> -> memref<32x16xf32, #tpu.memory_space<vmem>>
      tpu.enqueue_dma source(%arg4 : memref<32x16xf32, #tpu.memory_space<hbm>>) target(%dma_start3A_1354 : memref<32x16xf32, #tpu.memory_space<vmem>>) target_semaphore(%run_scoped3A_1346 : memref<!tpu.dma_semaphore, #tpu.memory_space<semaphore_mem>>)
      %dma_wait3A = arith.constant 0 : i32
      %dma_wait3A_1355 = arith.constant 0 : i32
      %dma_wait3A_1356 = tpu.memref_slice %arg13[%run_scoped3A_18, %dma_wait3A, %dma_wait3A_1355] : memref<4x32x16xf32, #tpu.memory_space<vmem>> -> memref<1x32x16xf32, #tpu.memory_space<vmem>>
      %dma_wait3A_1357 = tpu.memref_squeeze %dma_wait3A_1356 : memref<1x32x16xf32, #tpu.memory_space<vmem>> -> memref<32x16xf32, #tpu.memory_space<vmem>>
      %dma_wait3A_1358 = arith.constant 0 : i32
      %dma_wait3A_1359 = arith.constant 0 : i32
      %dma_wait3A_1360 = tpu.memref_slice %arg13[%run_scoped3A_18, %dma_wait3A_1358, %dma_wait3A_1359] : memref<4x32x16xf32, #tpu.memory_space<vmem>> -> memref<1x32x16xf32, #tpu.memory_space<vmem>>
      %dma_wait3A_1361 = tpu.memref_squeeze %dma_wait3A_1360 : memref<1x32x16xf32, #tpu.memory_space<vmem>> -> memref<32x16xf32, #tpu.memory_space<vmem>>
      tpu.wait_dma2 semaphore(%run_scoped3A_1346 : memref<!tpu.dma_semaphore, #tpu.memory_space<semaphore_mem>>) src(%arg4 : memref<32x16xf32, #tpu.memory_space<hbm>>) dst(%dma_wait3A_1361 : memref<32x16xf32, #tpu.memory_space<vmem>>)
      tpu.yield
    }) : () -> ()
    %run_scoped3A_19 = arith.constant 2 : i32
    "tpu.region"() ({
      %run_scoped3A_1346 = tpu.sem_alloc : memref<!tpu.dma_semaphore, #tpu.memory_space<semaphore_mem>>
      %dma_start3A_1347 = arith.constant 0 : i32
      %dma_start3A_1348 = arith.constant 0 : i32
      %dma_start3A_1349 = tpu.memref_slice %arg13[%run_scoped3A_19, %dma_start3A_1347, %dma_start3A_1348] : memref<4x32x16xf32, #tpu.memory_space<vmem>> -> memref<1x32x16xf32, #tpu.memory_space<vmem>>
      %dma_start3A_1350 = tpu.memref_squeeze %dma_start3A_1349 : memref<1x32x16xf32, #tpu.memory_space<vmem>> -> memref<32x16xf32, #tpu.memory_space<vmem>>
      %dma_start3A_1351 = arith.constant 0 : i32
      %dma_start3A_1352 = arith.constant 0 : i32
      %dma_start3A_1353 = tpu.memref_slice %arg13[%run_scoped3A_19, %dma_start3A_1351, %dma_start3A_1352] : memref<4x32x16xf32, #tpu.memory_space<vmem>> -> memref<1x32x16xf32, #tpu.memory_space<vmem>>
      %dma_start3A_1354 = tpu.memref_squeeze %dma_start3A_1353 : memref<1x32x16xf32, #tpu.memory_space<vmem>> -> memref<32x16xf32, #tpu.memory_space<vmem>>
      tpu.enqueue_dma source(%arg5 : memref<32x16xf32, #tpu.memory_space<hbm>>) target(%dma_start3A_1354 : memref<32x16xf32, #tpu.memory_space<vmem>>) target_semaphore(%run_scoped3A_1346 : memref<!tpu.dma_semaphore, #tpu.memory_space<semaphore_mem>>)
      %dma_wait3A = arith.constant 0 : i32
      %dma_wait3A_1355 = arith.constant 0 : i32
      %dma_wait3A_1356 = tpu.memref_slice %arg13[%run_scoped3A_19, %dma_wait3A, %dma_wait3A_1355] : memref<4x32x16xf32, #tpu.memory_space<vmem>> -> memref<1x32x16xf32, #tpu.memory_space<vmem>>
      %dma_wait3A_1357 = tpu.memref_squeeze %dma_wait3A_1356 : memref<1x32x16xf32, #tpu.memory_space<vmem>> -> memref<32x16xf32, #tpu.memory_space<vmem>>
      %dma_wait3A_1358 = arith.constant 0 : i32
      %dma_wait3A_1359 = arith.constant 0 : i32
      %dma_wait3A_1360 = tpu.memref_slice %arg13[%run_scoped3A_19, %dma_wait3A_1358, %dma_wait3A_1359] : memref<4x32x16xf32, #tpu.memory_space<vmem>> -> memref<1x32x16xf32, #tpu.memory_space<vmem>>
      %dma_wait3A_1361 = tpu.memref_squeeze %dma_wait3A_1360 : memref<1x32x16xf32, #tpu.memory_space<vmem>> -> memref<32x16xf32, #tpu.memory_space<vmem>>
      tpu.wait_dma2 semaphore(%run_scoped3A_1346 : memref<!tpu.dma_semaphore, #tpu.memory_space<semaphore_mem>>) src(%arg5 : memref<32x16xf32, #tpu.memory_space<hbm>>) dst(%dma_wait3A_1361 : memref<32x16xf32, #tpu.memory_space<vmem>>)
      tpu.yield
    }) : () -> ()
    %run_scoped3A_20 = arith.constant 3 : i32
    "tpu.region"() ({
      %run_scoped3A_1346 = tpu.sem_alloc : memref<!tpu.dma_semaphore, #tpu.memory_space<semaphore_mem>>
      %dma_start3A_1347 = arith.constant 0 : i32
      %dma_start3A_1348 = arith.constant 0 : i32
      %dma_start3A_1349 = tpu.memref_slice %arg13[%run_scoped3A_20, %dma_start3A_1347, %dma_start3A_1348] : memref<4x32x16xf32, #tpu.memory_space<vmem>> -> memref<1x32x16xf32, #tpu.memory_space<vmem>>
      %dma_start3A_1350 = tpu.memref_squeeze %dma_start3A_1349 : memref<1x32x16xf32, #tpu.memory_space<vmem>> -> memref<32x16xf32, #tpu.memory_space<vmem>>
      %dma_start3A_1351 = arith.constant 0 : i32
      %dma_start3A_1352 = arith.constant 0 : i32
      %dma_start3A_1353 = tpu.memref_slice %arg13[%run_scoped3A_20, %dma_start3A_1351, %dma_start3A_1352] : memref<4x32x16xf32, #tpu.memory_space<vmem>> -> memref<1x32x16xf32, #tpu.memory_space<vmem>>
      %dma_start3A_1354 = tpu.memref_squeeze %dma_start3A_1353 : memref<1x32x16xf32, #tpu.memory_space<vmem>> -> memref<32x16xf32, #tpu.memory_space<vmem>>
      tpu.enqueue_dma source(%arg6 : memref<32x16xf32, #tpu.memory_space<hbm>>) target(%dma_start3A_1354 : memref<32x16xf32, #tpu.memory_space<vmem>>) target_semaphore(%run_scoped3A_1346 : memref<!tpu.dma_semaphore, #tpu.memory_space<semaphore_mem>>)
      %dma_wait3A = arith.constant 0 : i32
      %dma_wait3A_1355 = arith.constant 0 : i32
      %dma_wait3A_1356 = tpu.memref_slice %arg13[%run_scoped3A_20, %dma_wait3A, %dma_wait3A_1355] : memref<4x32x16xf32, #tpu.memory_space<vmem>> -> memref<1x32x16xf32, #tpu.memory_space<vmem>>
      %dma_wait3A_1357 = tpu.memref_squeeze %dma_wait3A_1356 : memref<1x32x16xf32, #tpu.memory_space<vmem>> -> memref<32x16xf32, #tpu.memory_space<vmem>>
      %dma_wait3A_1358 = arith.constant 0 : i32
      %dma_wait3A_1359 = arith.constant 0 : i32
      %dma_wait3A_1360 = tpu.memref_slice %arg13[%run_scoped3A_20, %dma_wait3A_1358, %dma_wait3A_1359] : memref<4x32x16xf32, #tpu.memory_space<vmem>> -> memref<1x32x16xf32, #tpu.memory_space<vmem>>
      %dma_wait3A_1361 = tpu.memref_squeeze %dma_wait3A_1360 : memref<1x32x16xf32, #tpu.memory_space<vmem>> -> memref<32x16xf32, #tpu.memory_space<vmem>>
      tpu.wait_dma2 semaphore(%run_scoped3A_1346 : memref<!tpu.dma_semaphore, #tpu.memory_space<semaphore_mem>>) src(%arg6 : memref<32x16xf32, #tpu.memory_space<hbm>>) dst(%dma_wait3A_1361 : memref<32x16xf32, #tpu.memory_space<vmem>>)
      tpu.yield
    }) : () -> ()
    "tpu.region"() ({
      %run_scoped3A_1346 = tpu.sem_alloc : memref<!tpu.dma_semaphore, #tpu.memory_space<semaphore_mem>>
      tpu.enqueue_dma source(%arg7 : memref<32x16xi32, #tpu.memory_space<hbm>>) target(%arg14 : memref<32x16xi32, #tpu.memory_space<vmem>>) target_semaphore(%run_scoped3A_1346 : memref<!tpu.dma_semaphore, #tpu.memory_space<semaphore_mem>>)
      tpu.wait_dma2 semaphore(%run_scoped3A_1346 : memref<!tpu.dma_semaphore, #tpu.memory_space<semaphore_mem>>) src(%arg7 : memref<32x16xi32, #tpu.memory_space<hbm>>) dst(%arg14 : memref<32x16xi32, #tpu.memory_space<vmem>>)
      tpu.yield
    }) : () -> ()
    %get3A = arith.constant 0 : i32
    %get3A_21 = arith.constant 0 : i32
    %get3A_22 = arith.index_cast %get3A : i32 to index
    %get3A_23 = arith.index_cast %get3A_21 : i32 to index
    %get3A_24 = arith.constant 0 : index
    %get3A_25 = tpu.vector_load %arg13[%get3A_22, %get3A_23, %get3A_24] {strides = array<i32>} : memref<4x32x16xf32, #tpu.memory_space<vmem>>, vector<16xf32>,
    %get3A_26 = arith.constant 1 : i32
    %get3A_27 = arith.constant 0 : i32
    %get3A_28 = arith.index_cast %get3A_26 : i32 to index
    %get3A_29 = arith.index_cast %get3A_27 : i32 to index
    %get3A_30 = arith.constant 0 : index
    %get3A_31 = tpu.vector_load %arg13[%get3A_28, %get3A_29, %get3A_30] {strides = array<i32>} : memref<4x32x16xf32, #tpu.memory_space<vmem>>, vector<16xf32>,
    %get3A_32 = arith.constant 2 : i32
    %get3A_33 = arith.constant 0 : i32
    %get3A_34 = arith.index_cast %get3A_32 : i32 to index
    %get3A_35 = arith.index_cast %get3A_33 : i32 to index
    %get3A_36 = arith.constant 0 : index
    %get3A_37 = tpu.vector_load %arg13[%get3A_34, %get3A_35, %get3A_36] {strides = array<i32>} : memref<4x32x16xf32, #tpu.memory_space<vmem>>, vector<16xf32>,
    %broadcast_in_dim3A = arith.constant 0.000000e+00 : f32
    %broadcast_in_dim3A_38 = vector.broadcast %broadcast_in_dim3A : f32 to vector<16xf32>
    %get3A_39 = arith.constant 3 : i32
    %get3A_40 = arith.constant 0 : i32
    %get3A_41 = arith.index_cast %get3A_39 : i32 to index
    %get3A_42 = arith.index_cast %get3A_40 : i32 to index
    %get3A_43 = arith.constant 0 : index
    %get3A_44 = tpu.vector_load %arg13[%get3A_41, %get3A_42, %get3A_43] {strides = array<i32>} : memref<4x32x16xf32, #tpu.memory_space<vmem>>, vector<16xf32>,
    %get3A_45 = arith.constant 0 : i32
    %get3A_46 = arith.index_cast %get3A_45 : i32 to index
    %get3A_47 = arith.constant 0 : index
    %get3A_48 = tpu.vector_load %arg14[%get3A_46, %get3A_47] {strides = array<i32>} : memref<32x16xi32, #tpu.memory_space<vmem>>, vector<16xi32>,
    %get3A_49 = arith.constant 0 : i32
    %get3A_50 = arith.constant 1 : i32
    %get3A_51 = arith.index_cast %get3A_49 : i32 to index
    %get3A_52 = arith.index_cast %get3A_50 : i32 to index
    %get3A_53 = arith.constant 0 : index
    %get3A_54 = tpu.vector_load %arg13[%get3A_51, %get3A_52, %get3A_53] {strides = array<i32>} : memref<4x32x16xf32, #tpu.memory_space<vmem>>, vector<16xf32>,
    %min3A = arith.minimumf %get3A_25, %get3A_54 : vector<16xf32>
    %get3A_55 = arith.constant 1 : i32
    %get3A_56 = arith.constant 1 : i32
    %get3A_57 = arith.index_cast %get3A_55 : i32 to index
    %get3A_58 = arith.index_cast %get3A_56 : i32 to index
    %get3A_59 = arith.constant 0 : index
    %get3A_60 = tpu.vector_load %arg13[%get3A_57, %get3A_58, %get3A_59] {strides = array<i32>} : memref<4x32x16xf32, #tpu.memory_space<vmem>>, vector<16xf32>,
    %max3A = arith.maximumf %get3A_31, %get3A_60 : vector<16xf32>
    %get3A_61 = arith.constant 2 : i32
    %get3A_62 = arith.constant 1 : i32
    %get3A_63 = arith.index_cast %get3A_61 : i32 to index
    %get3A_64 = arith.index_cast %get3A_62 : i32 to index
    %get3A_65 = arith.constant 0 : index
    %get3A_66 = tpu.vector_load %arg13[%get3A_63, %get3A_64, %get3A_65] {strides = array<i32>} : memref<4x32x16xf32, #tpu.memory_space<vmem>>, vector<16xf32>,
    %sub3A = arith.subf %get3A_66, %broadcast_in_dim3A_38 : vector<16xf32>
    %add3A_67 = arith.addf %get3A_37, %sub3A : vector<16xf32>
    %sub3A_68 = arith.subf %add3A_67, %get3A_37 : vector<16xf32>
    %sub3A_69 = arith.subf %sub3A_68, %sub3A : vector<16xf32>
    %get3A_70 = arith.constant 3 : i32
    %get3A_71 = arith.constant 1 : i32
    %get3A_72 = arith.index_cast %get3A_70 : i32 to index
    %get3A_73 = arith.index_cast %get3A_71 : i32 to index
    %get3A_74 = arith.constant 0 : index
    %get3A_75 = tpu.vector_load %arg13[%get3A_72, %get3A_73, %get3A_74] {strides = array<i32>} : memref<4x32x16xf32, #tpu.memory_space<vmem>>, vector<16xf32>,
    %add3A_76 = arith.addf %get3A_44, %get3A_75 : vector<16xf32>
    %get3A_77 = arith.constant 1 : i32
    %get3A_78 = arith.index_cast %get3A_77 : i32 to index
    %get3A_79 = arith.constant 0 : index
    %get3A_80 = tpu.vector_load %arg14[%get3A_78, %get3A_79] {strides = array<i32>} : memref<32x16xi32, #tpu.memory_space<vmem>>, vector<16xi32>,
    %add3A_81 = arith.addi %get3A_48, %get3A_80 : vector<16xi32>
    %get3A_82 = arith.constant 0 : i32
    %get3A_83 = arith.constant 2 : i32
    %get3A_84 = arith.index_cast %get3A_82 : i32 to index
    %get3A_85 = arith.index_cast %get3A_83 : i32 to index
    %get3A_86 = arith.constant 0 : index
    %get3A_87 = tpu.vector_load %arg13[%get3A_84, %get3A_85, %get3A_86] {strides = array<i32>} : memref<4x32x16xf32, #tpu.memory_space<vmem>>, vector<16xf32>,
    %min3A_88 = arith.minimumf %min3A, %get3A_87 : vector<16xf32>
    %get3A_89 = arith.constant 1 : i32
    %get3A_90 = arith.constant 2 : i32
    %get3A_91 = arith.index_cast %get3A_89 : i32 to index
    %get3A_92 = arith.index_cast %get3A_90 : i32 to index
    %get3A_93 = arith.constant 0 : index
    %get3A_94 = tpu.vector_load %arg13[%get3A_91, %get3A_92, %get3A_93] {strides = array<i32>} : memref<4x32x16xf32, #tpu.memory_space<vmem>>, vector<16xf32>,
    %max3A_95 = arith.maximumf %max3A, %get3A_94 : vector<16xf32>
    %get3A_96 = arith.constant 2 : i32
    %get3A_97 = arith.constant 2 : i32
    %get3A_98 = arith.index_cast %get3A_96 : i32 to index
    %get3A_99 = arith.index_cast %get3A_97 : i32 to index
    %get3A_100 = arith.constant 0 : index
    %get3A_101 = tpu.vector_load %arg13[%get3A_98, %get3A_99, %get3A_100] {strides = array<i32>} : memref<4x32x16xf32, #tpu.memory_space<vmem>>, vector<16xf32>,
    %sub3A_102 = arith.subf %get3A_101, %sub3A_69 : vector<16xf32>
    %add3A_103 = arith.addf %add3A_67, %sub3A_102 : vector<16xf32>
    %sub3A_104 = arith.subf %add3A_103, %add3A_67 : vector<16xf32>
    %sub3A_105 = arith.subf %sub3A_104, %sub3A_102 : vector<16xf32>
    %get3A_106 = arith.constant 3 : i32
    %get3A_107 = arith.constant 2 : i32
    %get3A_108 = arith.index_cast %get3A_106 : i32 to index
    %get3A_109 = arith.index_cast %get3A_107 : i32 to index
    %get3A_110 = arith.constant 0 : index
    %get3A_111 = tpu.vector_load %arg13[%get3A_108, %get3A_109, %get3A_110] {strides = array<i32>} : memref<4x32x16xf32, #tpu.memory_space<vmem>>, vector<16xf32>,
    %add3A_112 = arith.addf %add3A_76, %get3A_111 : vector<16xf32>
    %get3A_113 = arith.constant 2 : i32
    %get3A_114 = arith.index_cast %get3A_113 : i32 to index
    %get3A_115 = arith.constant 0 : index
    %get3A_116 = tpu.vector_load %arg14[%get3A_114, %get3A_115] {strides = array<i32>} : memref<32x16xi32, #tpu.memory_space<vmem>>, vector<16xi32>,
    %add3A_117 = arith.addi %add3A_81, %get3A_116 : vector<16xi32>
    %get3A_118 = arith.constant 0 : i32
    %get3A_119 = arith.constant 3 : i32
    %get3A_120 = arith.index_cast %get3A_118 : i32 to index
    %get3A_121 = arith.index_cast %get3A_119 : i32 to index
    %get3A_122 = arith.constant 0 : index
    %get3A_123 = tpu.vector_load %arg13[%get3A_120, %get3A_121, %get3A_122] {strides = array<i32>} : memref<4x32x16xf32, #tpu.memory_space<vmem>>, vector<16xf32>,
    %min3A_124 = arith.minimumf %min3A_88, %get3A_123 : vector<16xf32>
    %get3A_125 = arith.constant 1 : i32
    %get3A_126 = arith.constant 3 : i32
    %get3A_127 = arith.index_cast %get3A_125 : i32 to index
    %get3A_128 = arith.index_cast %get3A_126 : i32 to index
    %get3A_129 = arith.constant 0 : index
    %get3A_130 = tpu.vector_load %arg13[%get3A_127, %get3A_128, %get3A_129] {strides = array<i32>} : memref<4x32x16xf32, #tpu.memory_space<vmem>>, vector<16xf32>,
    %max3A_131 = arith.maximumf %max3A_95, %get3A_130 : vector<16xf32>
    %get3A_132 = arith.constant 2 : i32
    %get3A_133 = arith.constant 3 : i32
    %get3A_134 = arith.index_cast %get3A_132 : i32 to index
    %get3A_135 = arith.index_cast %get3A_133 : i32 to index
    %get3A_136 = arith.constant 0 : index
    %get3A_137 = tpu.vector_load %arg13[%get3A_134, %get3A_135, %get3A_136] {strides = array<i32>} : memref<4x32x16xf32, #tpu.memory_space<vmem>>, vector<16xf32>,
    %sub3A_138 = arith.subf %get3A_137, %sub3A_105 : vector<16xf32>
    %add3A_139 = arith.addf %add3A_103, %sub3A_138 : vector<16xf32>
    %sub3A_140 = arith.subf %add3A_139, %add3A_103 : vector<16xf32>
    %sub3A_141 = arith.subf %sub3A_140, %sub3A_138 : vector<16xf32>
    %get3A_142 = arith.constant 3 : i32
    %get3A_143 = arith.constant 3 : i32
    %get3A_144 = arith.index_cast %get3A_142 : i32 to index
    %get3A_145 = arith.index_cast %get3A_143 : i32 to index
    %get3A_146 = arith.constant 0 : index
    %get3A_147 = tpu.vector_load %arg13[%get3A_144, %get3A_145, %get3A_146] {strides = array<i32>} : memref<4x32x16xf32, #tpu.memory_space<vmem>>, vector<16xf32>,
    %add3A_148 = arith.addf %add3A_112, %get3A_147 : vector<16xf32>
    %get3A_149 = arith.constant 3 : i32
    %get3A_150 = arith.index_cast %get3A_149 : i32 to index
    %get3A_151 = arith.constant 0 : index
    %get3A_152 = tpu.vector_load %arg14[%get3A_150, %get3A_151] {strides = array<i32>} : memref<32x16xi32, #tpu.memory_space<vmem>>, vector<16xi32>,
    %add3A_153 = arith.addi %add3A_117, %get3A_152 : vector<16xi32>
    %get3A_154 = arith.constant 0 : i32
    %get3A_155 = arith.constant 4 : i32
    %get3A_156 = arith.index_cast %get3A_154 : i32 to index
    %get3A_157 = arith.index_cast %get3A_155 : i32 to index
    %get3A_158 = arith.constant 0 : index
    %get3A_159 = tpu.vector_load %arg13[%get3A_156, %get3A_157, %get3A_158] {strides = array<i32>} : memref<4x32x16xf32, #tpu.memory_space<vmem>>, vector<16xf32>,
    %min3A_160 = arith.minimumf %min3A_124, %get3A_159 : vector<16xf32>
    %get3A_161 = arith.constant 1 : i32
    %get3A_162 = arith.constant 4 : i32
    %get3A_163 = arith.index_cast %get3A_161 : i32 to index
    %get3A_164 = arith.index_cast %get3A_162 : i32 to index
    %get3A_165 = arith.constant 0 : index
    %get3A_166 = tpu.vector_load %arg13[%get3A_163, %get3A_164, %get3A_165] {strides = array<i32>} : memref<4x32x16xf32, #tpu.memory_space<vmem>>, vector<16xf32>,
    %max3A_167 = arith.maximumf %max3A_131, %get3A_166 : vector<16xf32>
    %get3A_168 = arith.constant 2 : i32
    %get3A_169 = arith.constant 4 : i32
    %get3A_170 = arith.index_cast %get3A_168 : i32 to index
    %get3A_171 = arith.index_cast %get3A_169 : i32 to index
    %get3A_172 = arith.constant 0 : index
    %get3A_173 = tpu.vector_load %arg13[%get3A_170, %get3A_171, %get3A_172] {strides = array<i32>} : memref<4x32x16xf32, #tpu.memory_space<vmem>>, vector<16xf32>,
    %sub3A_174 = arith.subf %get3A_173, %sub3A_141 : vector<16xf32>
    %add3A_175 = arith.addf %add3A_139, %sub3A_174 : vector<16xf32>
    %sub3A_176 = arith.subf %add3A_175, %add3A_139 : vector<16xf32>
    %sub3A_177 = arith.subf %sub3A_176, %sub3A_174 : vector<16xf32>
    %get3A_178 = arith.constant 3 : i32
    %get3A_179 = arith.constant 4 : i32
    %get3A_180 = arith.index_cast %get3A_178 : i32 to index
    %get3A_181 = arith.index_cast %get3A_179 : i32 to index
    %get3A_182 = arith.constant 0 : index
    %get3A_183 = tpu.vector_load %arg13[%get3A_180, %get3A_181, %get3A_182] {strides = array<i32>} : memref<4x32x16xf32, #tpu.memory_space<vmem>>, vector<16xf32>,
    %add3A_184 = arith.addf %add3A_148, %get3A_183 : vector<16xf32>
    %get3A_185 = arith.constant 4 : i32
    %get3A_186 = arith.index_cast %get3A_185 : i32 to index
    %get3A_187 = arith.constant 0 : index
    %get3A_188 = tpu.vector_load %arg14[%get3A_186, %get3A_187] {strides = array<i32>} : memref<32x16xi32, #tpu.memory_space<vmem>>, vector<16xi32>,
    %add3A_189 = arith.addi %add3A_153, %get3A_188 : vector<16xi32>
    %get3A_190 = arith.constant 0 : i32
    %get3A_191 = arith.constant 5 : i32
    %get3A_192 = arith.index_cast %get3A_190 : i32 to index
    %get3A_193 = arith.index_cast %get3A_191 : i32 to index
    %get3A_194 = arith.constant 0 : index
    %get3A_195 = tpu.vector_load %arg13[%get3A_192, %get3A_193, %get3A_194] {strides = array<i32>} : memref<4x32x16xf32, #tpu.memory_space<vmem>>, vector<16xf32>,
    %min3A_196 = arith.minimumf %min3A_160, %get3A_195 : vector<16xf32>
    %get3A_197 = arith.constant 1 : i32
    %get3A_198 = arith.constant 5 : i32
    %get3A_199 = arith.index_cast %get3A_197 : i32 to index
    %get3A_200 = arith.index_cast %get3A_198 : i32 to index
    %get3A_201 = arith.constant 0 : index
    %get3A_202 = tpu.vector_load %arg13[%get3A_199, %get3A_200, %get3A_201] {strides = array<i32>} : memref<4x32x16xf32, #tpu.memory_space<vmem>>, vector<16xf32>,
    %max3A_203 = arith.maximumf %max3A_167, %get3A_202 : vector<16xf32>
    %get3A_204 = arith.constant 2 : i32
    %get3A_205 = arith.constant 5 : i32
    %get3A_206 = arith.index_cast %get3A_204 : i32 to index
    %get3A_207 = arith.index_cast %get3A_205 : i32 to index
    %get3A_208 = arith.constant 0 : index
    %get3A_209 = tpu.vector_load %arg13[%get3A_206, %get3A_207, %get3A_208] {strides = array<i32>} : memref<4x32x16xf32, #tpu.memory_space<vmem>>, vector<16xf32>,
    %sub3A_210 = arith.subf %get3A_209, %sub3A_177 : vector<16xf32>
    %add3A_211 = arith.addf %add3A_175, %sub3A_210 : vector<16xf32>
    %sub3A_212 = arith.subf %add3A_211, %add3A_175 : vector<16xf32>
    %sub3A_213 = arith.subf %sub3A_212, %sub3A_210 : vector<16xf32>
    %get3A_214 = arith.constant 3 : i32
    %get3A_215 = arith.constant 5 : i32
    %get3A_216 = arith.index_cast %get3A_214 : i32 to index
    %get3A_217 = arith.index_cast %get3A_215 : i32 to index
    %get3A_218 = arith.constant 0 : index
    %get3A_219 = tpu.vector_load %arg13[%get3A_216, %get3A_217, %get3A_218] {strides = array<i32>} : memref<4x32x16xf32, #tpu.memory_space<vmem>>, vector<16xf32>,
    %add3A_220 = arith.addf %add3A_184, %get3A_219 : vector<16xf32>
    %get3A_221 = arith.constant 5 : i32
    %get3A_222 = arith.index_cast %get3A_221 : i32 to index
    %get3A_223 = arith.constant 0 : index
    %get3A_224 = tpu.vector_load %arg14[%get3A_222, %get3A_223] {strides = array<i32>} : memref<32x16xi32, #tpu.memory_space<vmem>>, vector<16xi32>,
    %add3A_225 = arith.addi %add3A_189, %get3A_224 : vector<16xi32>
    %get3A_226 = arith.constant 0 : i32
    %get3A_227 = arith.constant 6 : i32
    %get3A_228 = arith.index_cast %get3A_226 : i32 to index
    %get3A_229 = arith.index_cast %get3A_227 : i32 to index
    %get3A_230 = arith.constant 0 : index
    %get3A_231 = tpu.vector_load %arg13[%get3A_228, %get3A_229, %get3A_230] {strides = array<i32>} : memref<4x32x16xf32, #tpu.memory_space<vmem>>, vector<16xf32>,
    %min3A_232 = arith.minimumf %min3A_196, %get3A_231 : vector<16xf32>
    %get3A_233 = arith.constant 1 : i32
    %get3A_234 = arith.constant 6 : i32
    %get3A_235 = arith.index_cast %get3A_233 : i32 to index
    %get3A_236 = arith.index_cast %get3A_234 : i32 to index
    %get3A_237 = arith.constant 0 : index
    %get3A_238 = tpu.vector_load %arg13[%get3A_235, %get3A_236, %get3A_237] {strides = array<i32>} : memref<4x32x16xf32, #tpu.memory_space<vmem>>, vector<16xf32>,
    %max3A_239 = arith.maximumf %max3A_203, %get3A_238 : vector<16xf32>
    %get3A_240 = arith.constant 2 : i32
    %get3A_241 = arith.constant 6 : i32
    %get3A_242 = arith.index_cast %get3A_240 : i32 to index
    %get3A_243 = arith.index_cast %get3A_241 : i32 to index
    %get3A_244 = arith.constant 0 : index
    %get3A_245 = tpu.vector_load %arg13[%get3A_242, %get3A_243, %get3A_244] {strides = array<i32>} : memref<4x32x16xf32, #tpu.memory_space<vmem>>, vector<16xf32>,
    %sub3A_246 = arith.subf %get3A_245, %sub3A_213 : vector<16xf32>
    %add3A_247 = arith.addf %add3A_211, %sub3A_246 : vector<16xf32>
    %sub3A_248 = arith.subf %add3A_247, %add3A_211 : vector<16xf32>
    %sub3A_249 = arith.subf %sub3A_248, %sub3A_246 : vector<16xf32>
    %get3A_250 = arith.constant 3 : i32
    %get3A_251 = arith.constant 6 : i32
    %get3A_252 = arith.index_cast %get3A_250 : i32 to index
    %get3A_253 = arith.index_cast %get3A_251 : i32 to index
    %get3A_254 = arith.constant 0 : index
    %get3A_255 = tpu.vector_load %arg13[%get3A_252, %get3A_253, %get3A_254] {strides = array<i32>} : memref<4x32x16xf32, #tpu.memory_space<vmem>>, vector<16xf32>,
    %add3A_256 = arith.addf %add3A_220, %get3A_255 : vector<16xf32>
    %get3A_257 = arith.constant 6 : i32
    %get3A_258 = arith.index_cast %get3A_257 : i32 to index
    %get3A_259 = arith.constant 0 : index
    %get3A_260 = tpu.vector_load %arg14[%get3A_258, %get3A_259] {strides = array<i32>} : memref<32x16xi32, #tpu.memory_space<vmem>>, vector<16xi32>,
    %add3A_261 = arith.addi %add3A_225, %get3A_260 : vector<16xi32>
    %get3A_262 = arith.constant 0 : i32
    %get3A_263 = arith.constant 7 : i32
    %get3A_264 = arith.index_cast %get3A_262 : i32 to index
    %get3A_265 = arith.index_cast %get3A_263 : i32 to index
    %get3A_266 = arith.constant 0 : index
    %get3A_267 = tpu.vector_load %arg13[%get3A_264, %get3A_265, %get3A_266] {strides = array<i32>} : memref<4x32x16xf32, #tpu.memory_space<vmem>>, vector<16xf32>,
    %min3A_268 = arith.minimumf %min3A_232, %get3A_267 : vector<16xf32>
    %get3A_269 = arith.constant 1 : i32
    %get3A_270 = arith.constant 7 : i32
    %get3A_271 = arith.index_cast %get3A_269 : i32 to index
    %get3A_272 = arith.index_cast %get3A_270 : i32 to index
    %get3A_273 = arith.constant 0 : index
    %get3A_274 = tpu.vector_load %arg13[%get3A_271, %get3A_272, %get3A_273] {strides = array<i32>} : memref<4x32x16xf32, #tpu.memory_space<vmem>>, vector<16xf32>,
    %max3A_275 = arith.maximumf %max3A_239, %get3A_274 : vector<16xf32>
    %get3A_276 = arith.constant 2 : i32
    %get3A_277 = arith.constant 7 : i32
    %get3A_278 = arith.index_cast %get3A_276 : i32 to index
    %get3A_279 = arith.index_cast %get3A_277 : i32 to index
    %get3A_280 = arith.constant 0 : index
    %get3A_281 = tpu.vector_load %arg13[%get3A_278, %get3A_279, %get3A_280] {strides = array<i32>} : memref<4x32x16xf32, #tpu.memory_space<vmem>>, vector<16xf32>,
    %sub3A_282 = arith.subf %get3A_281, %sub3A_249 : vector<16xf32>
    %add3A_283 = arith.addf %add3A_247, %sub3A_282 : vector<16xf32>
    %sub3A_284 = arith.subf %add3A_283, %add3A_247 : vector<16xf32>
    %sub3A_285 = arith.subf %sub3A_284, %sub3A_282 : vector<16xf32>
    %get3A_286 = arith.constant 3 : i32
    %get3A_287 = arith.constant 7 : i32
    %get3A_288 = arith.index_cast %get3A_286 : i32 to index
    %get3A_289 = arith.index_cast %get3A_287 : i32 to index
    %get3A_290 = arith.constant 0 : index
    %get3A_291 = tpu.vector_load %arg13[%get3A_288, %get3A_289, %get3A_290] {strides = array<i32>} : memref<4x32x16xf32, #tpu.memory_space<vmem>>, vector<16xf32>,
    %add3A_292 = arith.addf %add3A_256, %get3A_291 : vector<16xf32>
    %get3A_293 = arith.constant 7 : i32
    %get3A_294 = arith.index_cast %get3A_293 : i32 to index
    %get3A_295 = arith.constant 0 : index
    %get3A_296 = tpu.vector_load %arg14[%get3A_294, %get3A_295] {strides = array<i32>} : memref<32x16xi32, #tpu.memory_space<vmem>>, vector<16xi32>,
    %add3A_297 = arith.addi %add3A_261, %get3A_296 : vector<16xi32>
    %get3A_298 = arith.constant 0 : i32
    %get3A_299 = arith.constant 8 : i32
    %get3A_300 = arith.index_cast %get3A_298 : i32 to index
    %get3A_301 = arith.index_cast %get3A_299 : i32 to index
    %get3A_302 = arith.constant 0 : index
    %get3A_303 = tpu.vector_load %arg13[%get3A_300, %get3A_301, %get3A_302] {strides = array<i32>} : memref<4x32x16xf32, #tpu.memory_space<vmem>>, vector<16xf32>,
    %min3A_304 = arith.minimumf %min3A_268, %get3A_303 : vector<16xf32>
    %get3A_305 = arith.constant 1 : i32
    %get3A_306 = arith.constant 8 : i32
    %get3A_307 = arith.index_cast %get3A_305 : i32 to index
    %get3A_308 = arith.index_cast %get3A_306 : i32 to index
    %get3A_309 = arith.constant 0 : index
    %get3A_310 = tpu.vector_load %arg13[%get3A_307, %get3A_308, %get3A_309] {strides = array<i32>} : memref<4x32x16xf32, #tpu.memory_space<vmem>>, vector<16xf32>,
    %max3A_311 = arith.maximumf %max3A_275, %get3A_310 : vector<16xf32>
    %get3A_312 = arith.constant 2 : i32
    %get3A_313 = arith.constant 8 : i32
    %get3A_314 = arith.index_cast %get3A_312 : i32 to index
    %get3A_315 = arith.index_cast %get3A_313 : i32 to index
    %get3A_316 = arith.constant 0 : index
    %get3A_317 = tpu.vector_load %arg13[%get3A_314, %get3A_315, %get3A_316] {strides = array<i32>} : memref<4x32x16xf32, #tpu.memory_space<vmem>>, vector<16xf32>,
    %sub3A_318 = arith.subf %get3A_317, %sub3A_285 : vector<16xf32>
    %add3A_319 = arith.addf %add3A_283, %sub3A_318 : vector<16xf32>
    %sub3A_320 = arith.subf %add3A_319, %add3A_283 : vector<16xf32>
    %sub3A_321 = arith.subf %sub3A_320, %sub3A_318 : vector<16xf32>
    %get3A_322 = arith.constant 3 : i32
    %get3A_323 = arith.constant 8 : i32
    %get3A_324 = arith.index_cast %get3A_322 : i32 to index
    %get3A_325 = arith.index_cast %get3A_323 : i32 to index
    %get3A_326 = arith.constant 0 : index
    %get3A_327 = tpu.vector_load %arg13[%get3A_324, %get3A_325, %get3A_326] {strides = array<i32>} : memref<4x32x16xf32, #tpu.memory_space<vmem>>, vector<16xf32>,
    %add3A_328 = arith.addf %add3A_292, %get3A_327 : vector<16xf32>
    %get3A_329 = arith.constant 8 : i32
    %get3A_330 = arith.index_cast %get3A_329 : i32 to index
    %get3A_331 = arith.constant 0 : index
    %get3A_332 = tpu.vector_load %arg14[%get3A_330, %get3A_331] {strides = array<i32>} : memref<32x16xi32, #tpu.memory_space<vmem>>, vector<16xi32>,
    %add3A_333 = arith.addi %add3A_297, %get3A_332 : vector<16xi32>
    %get3A_334 = arith.constant 0 : i32
    %get3A_335 = arith.constant 9 : i32
    %get3A_336 = arith.index_cast %get3A_334 : i32 to index
    %get3A_337 = arith.index_cast %get3A_335 : i32 to index
    %get3A_338 = arith.constant 0 : index
    %get3A_339 = tpu.vector_load %arg13[%get3A_336, %get3A_337, %get3A_338] {strides = array<i32>} : memref<4x32x16xf32, #tpu.memory_space<vmem>>, vector<16xf32>,
    %min3A_340 = arith.minimumf %min3A_304, %get3A_339 : vector<16xf32>
    %get3A_341 = arith.constant 1 : i32
    %get3A_342 = arith.constant 9 : i32
    %get3A_343 = arith.index_cast %get3A_341 : i32 to index
    %get3A_344 = arith.index_cast %get3A_342 : i32 to index
    %get3A_345 = arith.constant 0 : index
    %get3A_346 = tpu.vector_load %arg13[%get3A_343, %get3A_344, %get3A_345] {strides = array<i32>} : memref<4x32x16xf32, #tpu.memory_space<vmem>>, vector<16xf32>,
    %max3A_347 = arith.maximumf %max3A_311, %get3A_346 : vector<16xf32>
    %get3A_348 = arith.constant 2 : i32
    %get3A_349 = arith.constant 9 : i32
    %get3A_350 = arith.index_cast %get3A_348 : i32 to index
    %get3A_351 = arith.index_cast %get3A_349 : i32 to index
    %get3A_352 = arith.constant 0 : index
    %get3A_353 = tpu.vector_load %arg13[%get3A_350, %get3A_351, %get3A_352] {strides = array<i32>} : memref<4x32x16xf32, #tpu.memory_space<vmem>>, vector<16xf32>,
    %sub3A_354 = arith.subf %get3A_353, %sub3A_321 : vector<16xf32>
    %add3A_355 = arith.addf %add3A_319, %sub3A_354 : vector<16xf32>
    %sub3A_356 = arith.subf %add3A_355, %add3A_319 : vector<16xf32>
    %sub3A_357 = arith.subf %sub3A_356, %sub3A_354 : vector<16xf32>
    %get3A_358 = arith.constant 3 : i32
    %get3A_359 = arith.constant 9 : i32
    %get3A_360 = arith.index_cast %get3A_358 : i32 to index
    %get3A_361 = arith.index_cast %get3A_359 : i32 to index
    %get3A_362 = arith.constant 0 : index
    %get3A_363 = tpu.vector_load %arg13[%get3A_360, %get3A_361, %get3A_362] {strides = array<i32>} : memref<4x32x16xf32, #tpu.memory_space<vmem>>, vector<16xf32>,
    %add3A_364 = arith.addf %add3A_328, %get3A_363 : vector<16xf32>
    %get3A_365 = arith.constant 9 : i32
    %get3A_366 = arith.index_cast %get3A_365 : i32 to index
    %get3A_367 = arith.constant 0 : index
    %get3A_368 = tpu.vector_load %arg14[%get3A_366, %get3A_367] {strides = array<i32>} : memref<32x16xi32, #tpu.memory_space<vmem>>, vector<16xi32>,
    %add3A_369 = arith.addi %add3A_333, %get3A_368 : vector<16xi32>
    %get3A_370 = arith.constant 0 : i32
    %get3A_371 = arith.constant 10 : i32
    %get3A_372 = arith.index_cast %get3A_370 : i32 to index
    %get3A_373 = arith.index_cast %get3A_371 : i32 to index
    %get3A_374 = arith.constant 0 : index
    %get3A_375 = tpu.vector_load %arg13[%get3A_372, %get3A_373, %get3A_374] {strides = array<i32>} : memref<4x32x16xf32, #tpu.memory_space<vmem>>, vector<16xf32>,
    %min3A_376 = arith.minimumf %min3A_340, %get3A_375 : vector<16xf32>
    %get3A_377 = arith.constant 1 : i32
    %get3A_378 = arith.constant 10 : i32
    %get3A_379 = arith.index_cast %get3A_377 : i32 to index
    %get3A_380 = arith.index_cast %get3A_378 : i32 to index
    %get3A_381 = arith.constant 0 : index
    %get3A_382 = tpu.vector_load %arg13[%get3A_379, %get3A_380, %get3A_381] {strides = array<i32>} : memref<4x32x16xf32, #tpu.memory_space<vmem>>, vector<16xf32>,
    %max3A_383 = arith.maximumf %max3A_347, %get3A_382 : vector<16xf32>
    %get3A_384 = arith.constant 2 : i32
    %get3A_385 = arith.constant 10 : i32
    %get3A_386 = arith.index_cast %get3A_384 : i32 to index
    %get3A_387 = arith.index_cast %get3A_385 : i32 to index
    %get3A_388 = arith.constant 0 : index
    %get3A_389 = tpu.vector_load %arg13[%get3A_386, %get3A_387, %get3A_388] {strides = array<i32>} : memref<4x32x16xf32, #tpu.memory_space<vmem>>, vector<16xf32>,
    %sub3A_390 = arith.subf %get3A_389, %sub3A_357 : vector<16xf32>
    %add3A_391 = arith.addf %add3A_355, %sub3A_390 : vector<16xf32>
    %sub3A_392 = arith.subf %add3A_391, %add3A_355 : vector<16xf32>
    %sub3A_393 = arith.subf %sub3A_392, %sub3A_390 : vector<16xf32>
    %get3A_394 = arith.constant 3 : i32
    %get3A_395 = arith.constant 10 : i32
    %get3A_396 = arith.index_cast %get3A_394 : i32 to index
    %get3A_397 = arith.index_cast %get3A_395 : i32 to index
    %get3A_398 = arith.constant 0 : index
    %get3A_399 = tpu.vector_load %arg13[%get3A_396, %get3A_397, %get3A_398] {strides = array<i32>} : memref<4x32x16xf32, #tpu.memory_space<vmem>>, vector<16xf32>,
    %add3A_400 = arith.addf %add3A_364, %get3A_399 : vector<16xf32>
    %get3A_401 = arith.constant 10 : i32
    %get3A_402 = arith.index_cast %get3A_401 : i32 to index
    %get3A_403 = arith.constant 0 : index
    %get3A_404 = tpu.vector_load %arg14[%get3A_402, %get3A_403] {strides = array<i32>} : memref<32x16xi32, #tpu.memory_space<vmem>>, vector<16xi32>,
    %add3A_405 = arith.addi %add3A_369, %get3A_404 : vector<16xi32>
    %get3A_406 = arith.constant 0 : i32
    %get3A_407 = arith.constant 11 : i32
    %get3A_408 = arith.index_cast %get3A_406 : i32 to index
    %get3A_409 = arith.index_cast %get3A_407 : i32 to index
    %get3A_410 = arith.constant 0 : index
    %get3A_411 = tpu.vector_load %arg13[%get3A_408, %get3A_409, %get3A_410] {strides = array<i32>} : memref<4x32x16xf32, #tpu.memory_space<vmem>>, vector<16xf32>,
    %min3A_412 = arith.minimumf %min3A_376, %get3A_411 : vector<16xf32>
    %get3A_413 = arith.constant 1 : i32
    %get3A_414 = arith.constant 11 : i32
    %get3A_415 = arith.index_cast %get3A_413 : i32 to index
    %get3A_416 = arith.index_cast %get3A_414 : i32 to index
    %get3A_417 = arith.constant 0 : index
    %get3A_418 = tpu.vector_load %arg13[%get3A_415, %get3A_416, %get3A_417] {strides = array<i32>} : memref<4x32x16xf32, #tpu.memory_space<vmem>>, vector<16xf32>,
    %max3A_419 = arith.maximumf %max3A_383, %get3A_418 : vector<16xf32>
    %get3A_420 = arith.constant 2 : i32
    %get3A_421 = arith.constant 11 : i32
    %get3A_422 = arith.index_cast %get3A_420 : i32 to index
    %get3A_423 = arith.index_cast %get3A_421 : i32 to index
    %get3A_424 = arith.constant 0 : index
    %get3A_425 = tpu.vector_load %arg13[%get3A_422, %get3A_423, %get3A_424] {strides = array<i32>} : memref<4x32x16xf32, #tpu.memory_space<vmem>>, vector<16xf32>,
    %sub3A_426 = arith.subf %get3A_425, %sub3A_393 : vector<16xf32>
    %add3A_427 = arith.addf %add3A_391, %sub3A_426 : vector<16xf32>
    %sub3A_428 = arith.subf %add3A_427, %add3A_391 : vector<16xf32>
    %sub3A_429 = arith.subf %sub3A_428, %sub3A_426 : vector<16xf32>
    %get3A_430 = arith.constant 3 : i32
    %get3A_431 = arith.constant 11 : i32
    %get3A_432 = arith.index_cast %get3A_430 : i32 to index
    %get3A_433 = arith.index_cast %get3A_431 : i32 to index
    %get3A_434 = arith.constant 0 : index
    %get3A_435 = tpu.vector_load %arg13[%get3A_432, %get3A_433, %get3A_434] {strides = array<i32>} : memref<4x32x16xf32, #tpu.memory_space<vmem>>, vector<16xf32>,
    %add3A_436 = arith.addf %add3A_400, %get3A_435 : vector<16xf32>
    %get3A_437 = arith.constant 11 : i32
    %get3A_438 = arith.index_cast %get3A_437 : i32 to index
    %get3A_439 = arith.constant 0 : index
    %get3A_440 = tpu.vector_load %arg14[%get3A_438, %get3A_439] {strides = array<i32>} : memref<32x16xi32, #tpu.memory_space<vmem>>, vector<16xi32>,
    %add3A_441 = arith.addi %add3A_405, %get3A_440 : vector<16xi32>
    %get3A_442 = arith.constant 0 : i32
    %get3A_443 = arith.constant 12 : i32
    %get3A_444 = arith.index_cast %get3A_442 : i32 to index
    %get3A_445 = arith.index_cast %get3A_443 : i32 to index
    %get3A_446 = arith.constant 0 : index
    %get3A_447 = tpu.vector_load %arg13[%get3A_444, %get3A_445, %get3A_446] {strides = array<i32>} : memref<4x32x16xf32, #tpu.memory_space<vmem>>, vector<16xf32>,
    %min3A_448 = arith.minimumf %min3A_412, %get3A_447 : vector<16xf32>
    %get3A_449 = arith.constant 1 : i32
    %get3A_450 = arith.constant 12 : i32
    %get3A_451 = arith.index_cast %get3A_449 : i32 to index
    %get3A_452 = arith.index_cast %get3A_450 : i32 to index
    %get3A_453 = arith.constant 0 : index
    %get3A_454 = tpu.vector_load %arg13[%get3A_451, %get3A_452, %get3A_453] {strides = array<i32>} : memref<4x32x16xf32, #tpu.memory_space<vmem>>, vector<16xf32>,
    %max3A_455 = arith.maximumf %max3A_419, %get3A_454 : vector<16xf32>
    %get3A_456 = arith.constant 2 : i32
    %get3A_457 = arith.constant 12 : i32
    %get3A_458 = arith.index_cast %get3A_456 : i32 to index
    %get3A_459 = arith.index_cast %get3A_457 : i32 to index
    %get3A_460 = arith.constant 0 : index
    %get3A_461 = tpu.vector_load %arg13[%get3A_458, %get3A_459, %get3A_460] {strides = array<i32>} : memref<4x32x16xf32, #tpu.memory_space<vmem>>, vector<16xf32>,
    %sub3A_462 = arith.subf %get3A_461, %sub3A_429 : vector<16xf32>
    %add3A_463 = arith.addf %add3A_427, %sub3A_462 : vector<16xf32>
    %sub3A_464 = arith.subf %add3A_463, %add3A_427 : vector<16xf32>
    %sub3A_465 = arith.subf %sub3A_464, %sub3A_462 : vector<16xf32>
    %get3A_466 = arith.constant 3 : i32
    %get3A_467 = arith.constant 12 : i32
    %get3A_468 = arith.index_cast %get3A_466 : i32 to index
    %get3A_469 = arith.index_cast %get3A_467 : i32 to index
    %get3A_470 = arith.constant 0 : index
    %get3A_471 = tpu.vector_load %arg13[%get3A_468, %get3A_469, %get3A_470] {strides = array<i32>} : memref<4x32x16xf32, #tpu.memory_space<vmem>>, vector<16xf32>,
    %add3A_472 = arith.addf %add3A_436, %get3A_471 : vector<16xf32>
    %get3A_473 = arith.constant 12 : i32
    %get3A_474 = arith.index_cast %get3A_473 : i32 to index
    %get3A_475 = arith.constant 0 : index
    %get3A_476 = tpu.vector_load %arg14[%get3A_474, %get3A_475] {strides = array<i32>} : memref<32x16xi32, #tpu.memory_space<vmem>>, vector<16xi32>,
    %add3A_477 = arith.addi %add3A_441, %get3A_476 : vector<16xi32>
    %get3A_478 = arith.constant 0 : i32
    %get3A_479 = arith.constant 13 : i32
    %get3A_480 = arith.index_cast %get3A_478 : i32 to index
    %get3A_481 = arith.index_cast %get3A_479 : i32 to index
    %get3A_482 = arith.constant 0 : index
    %get3A_483 = tpu.vector_load %arg13[%get3A_480, %get3A_481, %get3A_482] {strides = array<i32>} : memref<4x32x16xf32, #tpu.memory_space<vmem>>, vector<16xf32>,
    %min3A_484 = arith.minimumf %min3A_448, %get3A_483 : vector<16xf32>
    %get3A_485 = arith.constant 1 : i32
    %get3A_486 = arith.constant 13 : i32
    %get3A_487 = arith.index_cast %get3A_485 : i32 to index
    %get3A_488 = arith.index_cast %get3A_486 : i32 to index
    %get3A_489 = arith.constant 0 : index
    %get3A_490 = tpu.vector_load %arg13[%get3A_487, %get3A_488, %get3A_489] {strides = array<i32>} : memref<4x32x16xf32, #tpu.memory_space<vmem>>, vector<16xf32>,
    %max3A_491 = arith.maximumf %max3A_455, %get3A_490 : vector<16xf32>
    %get3A_492 = arith.constant 2 : i32
    %get3A_493 = arith.constant 13 : i32
    %get3A_494 = arith.index_cast %get3A_492 : i32 to index
    %get3A_495 = arith.index_cast %get3A_493 : i32 to index
    %get3A_496 = arith.constant 0 : index
    %get3A_497 = tpu.vector_load %arg13[%get3A_494, %get3A_495, %get3A_496] {strides = array<i32>} : memref<4x32x16xf32, #tpu.memory_space<vmem>>, vector<16xf32>,
    %sub3A_498 = arith.subf %get3A_497, %sub3A_465 : vector<16xf32>
    %add3A_499 = arith.addf %add3A_463, %sub3A_498 : vector<16xf32>
    %sub3A_500 = arith.subf %add3A_499, %add3A_463 : vector<16xf32>
    %sub3A_501 = arith.subf %sub3A_500, %sub3A_498 : vector<16xf32>
    %get3A_502 = arith.constant 3 : i32
    %get3A_503 = arith.constant 13 : i32
    %get3A_504 = arith.index_cast %get3A_502 : i32 to index
    %get3A_505 = arith.index_cast %get3A_503 : i32 to index
    %get3A_506 = arith.constant 0 : index
    %get3A_507 = tpu.vector_load %arg13[%get3A_504, %get3A_505, %get3A_506] {strides = array<i32>} : memref<4x32x16xf32, #tpu.memory_space<vmem>>, vector<16xf32>,
    %add3A_508 = arith.addf %add3A_472, %get3A_507 : vector<16xf32>
    %get3A_509 = arith.constant 13 : i32
    %get3A_510 = arith.index_cast %get3A_509 : i32 to index
    %get3A_511 = arith.constant 0 : index
    %get3A_512 = tpu.vector_load %arg14[%get3A_510, %get3A_511] {strides = array<i32>} : memref<32x16xi32, #tpu.memory_space<vmem>>, vector<16xi32>,
    %add3A_513 = arith.addi %add3A_477, %get3A_512 : vector<16xi32>
    %get3A_514 = arith.constant 0 : i32
    %get3A_515 = arith.constant 14 : i32
    %get3A_516 = arith.index_cast %get3A_514 : i32 to index
    %get3A_517 = arith.index_cast %get3A_515 : i32 to index
    %get3A_518 = arith.constant 0 : index
    %get3A_519 = tpu.vector_load %arg13[%get3A_516, %get3A_517, %get3A_518] {strides = array<i32>} : memref<4x32x16xf32, #tpu.memory_space<vmem>>, vector<16xf32>,
    %min3A_520 = arith.minimumf %min3A_484, %get3A_519 : vector<16xf32>
    %get3A_521 = arith.constant 1 : i32
    %get3A_522 = arith.constant 14 : i32
    %get3A_523 = arith.index_cast %get3A_521 : i32 to index
    %get3A_524 = arith.index_cast %get3A_522 : i32 to index
    %get3A_525 = arith.constant 0 : index
    %get3A_526 = tpu.vector_load %arg13[%get3A_523, %get3A_524, %get3A_525] {strides = array<i32>} : memref<4x32x16xf32, #tpu.memory_space<vmem>>, vector<16xf32>,
    %max3A_527 = arith.maximumf %max3A_491, %get3A_526 : vector<16xf32>
    %get3A_528 = arith.constant 2 : i32
    %get3A_529 = arith.constant 14 : i32
    %get3A_530 = arith.index_cast %get3A_528 : i32 to index
    %get3A_531 = arith.index_cast %get3A_529 : i32 to index
    %get3A_532 = arith.constant 0 : index
    %get3A_533 = tpu.vector_load %arg13[%get3A_530, %get3A_531, %get3A_532] {strides = array<i32>} : memref<4x32x16xf32, #tpu.memory_space<vmem>>, vector<16xf32>,
    %sub3A_534 = arith.subf %get3A_533, %sub3A_501 : vector<16xf32>
    %add3A_535 = arith.addf %add3A_499, %sub3A_534 : vector<16xf32>
    %sub3A_536 = arith.subf %add3A_535, %add3A_499 : vector<16xf32>
    %sub3A_537 = arith.subf %sub3A_536, %sub3A_534 : vector<16xf32>
    %get3A_538 = arith.constant 3 : i32
    %get3A_539 = arith.constant 14 : i32
    %get3A_540 = arith.index_cast %get3A_538 : i32 to index
    %get3A_541 = arith.index_cast %get3A_539 : i32 to index
    %get3A_542 = arith.constant 0 : index
    %get3A_543 = tpu.vector_load %arg13[%get3A_540, %get3A_541, %get3A_542] {strides = array<i32>} : memref<4x32x16xf32, #tpu.memory_space<vmem>>, vector<16xf32>,
    %add3A_544 = arith.addf %add3A_508, %get3A_543 : vector<16xf32>
    %get3A_545 = arith.constant 14 : i32
    %get3A_546 = arith.index_cast %get3A_545 : i32 to index
    %get3A_547 = arith.constant 0 : index
    %get3A_548 = tpu.vector_load %arg14[%get3A_546, %get3A_547] {strides = array<i32>} : memref<32x16xi32, #tpu.memory_space<vmem>>, vector<16xi32>,
    %add3A_549 = arith.addi %add3A_513, %get3A_548 : vector<16xi32>
    %get3A_550 = arith.constant 0 : i32
    %get3A_551 = arith.constant 15 : i32
    %get3A_552 = arith.index_cast %get3A_550 : i32 to index
    %get3A_553 = arith.index_cast %get3A_551 : i32 to index
    %get3A_554 = arith.constant 0 : index
    %get3A_555 = tpu.vector_load %arg13[%get3A_552, %get3A_553, %get3A_554] {strides = array<i32>} : memref<4x32x16xf32, #tpu.memory_space<vmem>>, vector<16xf32>,
    %min3A_556 = arith.minimumf %min3A_520, %get3A_555 : vector<16xf32>
    %get3A_557 = arith.constant 1 : i32
    %get3A_558 = arith.constant 15 : i32
    %get3A_559 = arith.index_cast %get3A_557 : i32 to index
    %get3A_560 = arith.index_cast %get3A_558 : i32 to index
    %get3A_561 = arith.constant 0 : index
    %get3A_562 = tpu.vector_load %arg13[%get3A_559, %get3A_560, %get3A_561] {strides = array<i32>} : memref<4x32x16xf32, #tpu.memory_space<vmem>>, vector<16xf32>,
    %max3A_563 = arith.maximumf %max3A_527, %get3A_562 : vector<16xf32>
    %get3A_564 = arith.constant 2 : i32
    %get3A_565 = arith.constant 15 : i32
    %get3A_566 = arith.index_cast %get3A_564 : i32 to index
    %get3A_567 = arith.index_cast %get3A_565 : i32 to index
    %get3A_568 = arith.constant 0 : index
    %get3A_569 = tpu.vector_load %arg13[%get3A_566, %get3A_567, %get3A_568] {strides = array<i32>} : memref<4x32x16xf32, #tpu.memory_space<vmem>>, vector<16xf32>,
    %sub3A_570 = arith.subf %get3A_569, %sub3A_537 : vector<16xf32>
    %add3A_571 = arith.addf %add3A_535, %sub3A_570 : vector<16xf32>
    %sub3A_572 = arith.subf %add3A_571, %add3A_535 : vector<16xf32>
    %sub3A_573 = arith.subf %sub3A_572, %sub3A_570 : vector<16xf32>
    %get3A_574 = arith.constant 3 : i32
    %get3A_575 = arith.constant 15 : i32
    %get3A_576 = arith.index_cast %get3A_574 : i32 to index
    %get3A_577 = arith.index_cast %get3A_575 : i32 to index
    %get3A_578 = arith.constant 0 : index
    %get3A_579 = tpu.vector_load %arg13[%get3A_576, %get3A_577, %get3A_578] {strides = array<i32>} : memref<4x32x16xf32, #tpu.memory_space<vmem>>, vector<16xf32>,
    %add3A_580 = arith.addf %add3A_544, %get3A_579 : vector<16xf32>
    %get3A_581 = arith.constant 15 : i32
    %get3A_582 = arith.index_cast %get3A_581 : i32 to index
    %get3A_583 = arith.constant 0 : index
    %get3A_584 = tpu.vector_load %arg14[%get3A_582, %get3A_583] {strides = array<i32>} : memref<32x16xi32, #tpu.memory_space<vmem>>, vector<16xi32>,
    %add3A_585 = arith.addi %add3A_549, %get3A_584 : vector<16xi32>
    %get3A_586 = arith.constant 0 : i32
    %get3A_587 = arith.constant 16 : i32
    %get3A_588 = arith.index_cast %get3A_586 : i32 to index
    %get3A_589 = arith.index_cast %get3A_587 : i32 to index
    %get3A_590 = arith.constant 0 : index
    %get3A_591 = tpu.vector_load %arg13[%get3A_588, %get3A_589, %get3A_590] {strides = array<i32>} : memref<4x32x16xf32, #tpu.memory_space<vmem>>, vector<16xf32>,
    %min3A_592 = arith.minimumf %min3A_556, %get3A_591 : vector<16xf32>
    %get3A_593 = arith.constant 1 : i32
    %get3A_594 = arith.constant 16 : i32
    %get3A_595 = arith.index_cast %get3A_593 : i32 to index
    %get3A_596 = arith.index_cast %get3A_594 : i32 to index
    %get3A_597 = arith.constant 0 : index
    %get3A_598 = tpu.vector_load %arg13[%get3A_595, %get3A_596, %get3A_597] {strides = array<i32>} : memref<4x32x16xf32, #tpu.memory_space<vmem>>, vector<16xf32>,
    %max3A_599 = arith.maximumf %max3A_563, %get3A_598 : vector<16xf32>
    %get3A_600 = arith.constant 2 : i32
    %get3A_601 = arith.constant 16 : i32
    %get3A_602 = arith.index_cast %get3A_600 : i32 to index
    %get3A_603 = arith.index_cast %get3A_601 : i32 to index
    %get3A_604 = arith.constant 0 : index
    %get3A_605 = tpu.vector_load %arg13[%get3A_602, %get3A_603, %get3A_604] {strides = array<i32>} : memref<4x32x16xf32, #tpu.memory_space<vmem>>, vector<16xf32>,
    %sub3A_606 = arith.subf %get3A_605, %sub3A_573 : vector<16xf32>
    %add3A_607 = arith.addf %add3A_571, %sub3A_606 : vector<16xf32>
    %sub3A_608 = arith.subf %add3A_607, %add3A_571 : vector<16xf32>
    %sub3A_609 = arith.subf %sub3A_608, %sub3A_606 : vector<16xf32>
    %get3A_610 = arith.constant 3 : i32
    %get3A_611 = arith.constant 16 : i32
    %get3A_612 = arith.index_cast %get3A_610 : i32 to index
    %get3A_613 = arith.index_cast %get3A_611 : i32 to index
    %get3A_614 = arith.constant 0 : index
    %get3A_615 = tpu.vector_load %arg13[%get3A_612, %get3A_613, %get3A_614] {strides = array<i32>} : memref<4x32x16xf32, #tpu.memory_space<vmem>>, vector<16xf32>,
    %add3A_616 = arith.addf %add3A_580, %get3A_615 : vector<16xf32>
    %get3A_617 = arith.constant 16 : i32
    %get3A_618 = arith.index_cast %get3A_617 : i32 to index
    %get3A_619 = arith.constant 0 : index
    %get3A_620 = tpu.vector_load %arg14[%get3A_618, %get3A_619] {strides = array<i32>} : memref<32x16xi32, #tpu.memory_space<vmem>>, vector<16xi32>,
    %add3A_621 = arith.addi %add3A_585, %get3A_620 : vector<16xi32>
    %get3A_622 = arith.constant 0 : i32
    %get3A_623 = arith.constant 17 : i32
    %get3A_624 = arith.index_cast %get3A_622 : i32 to index
    %get3A_625 = arith.index_cast %get3A_623 : i32 to index
    %get3A_626 = arith.constant 0 : index
    %get3A_627 = tpu.vector_load %arg13[%get3A_624, %get3A_625, %get3A_626] {strides = array<i32>} : memref<4x32x16xf32, #tpu.memory_space<vmem>>, vector<16xf32>,
    %min3A_628 = arith.minimumf %min3A_592, %get3A_627 : vector<16xf32>
    %get3A_629 = arith.constant 1 : i32
    %get3A_630 = arith.constant 17 : i32
    %get3A_631 = arith.index_cast %get3A_629 : i32 to index
    %get3A_632 = arith.index_cast %get3A_630 : i32 to index
    %get3A_633 = arith.constant 0 : index
    %get3A_634 = tpu.vector_load %arg13[%get3A_631, %get3A_632, %get3A_633] {strides = array<i32>} : memref<4x32x16xf32, #tpu.memory_space<vmem>>, vector<16xf32>,
    %max3A_635 = arith.maximumf %max3A_599, %get3A_634 : vector<16xf32>
    %get3A_636 = arith.constant 2 : i32
    %get3A_637 = arith.constant 17 : i32
    %get3A_638 = arith.index_cast %get3A_636 : i32 to index
    %get3A_639 = arith.index_cast %get3A_637 : i32 to index
    %get3A_640 = arith.constant 0 : index
    %get3A_641 = tpu.vector_load %arg13[%get3A_638, %get3A_639, %get3A_640] {strides = array<i32>} : memref<4x32x16xf32, #tpu.memory_space<vmem>>, vector<16xf32>,
    %sub3A_642 = arith.subf %get3A_641, %sub3A_609 : vector<16xf32>
    %add3A_643 = arith.addf %add3A_607, %sub3A_642 : vector<16xf32>
    %sub3A_644 = arith.subf %add3A_643, %add3A_607 : vector<16xf32>
    %sub3A_645 = arith.subf %sub3A_644, %sub3A_642 : vector<16xf32>
    %get3A_646 = arith.constant 3 : i32
    %get3A_647 = arith.constant 17 : i32
    %get3A_648 = arith.index_cast %get3A_646 : i32 to index
    %get3A_649 = arith.index_cast %get3A_647 : i32 to index
    %get3A_650 = arith.constant 0 : index
    %get3A_651 = tpu.vector_load %arg13[%get3A_648, %get3A_649, %get3A_650] {strides = array<i32>} : memref<4x32x16xf32, #tpu.memory_space<vmem>>, vector<16xf32>,
    %add3A_652 = arith.addf %add3A_616, %get3A_651 : vector<16xf32>
    %get3A_653 = arith.constant 17 : i32
    %get3A_654 = arith.index_cast %get3A_653 : i32 to index
    %get3A_655 = arith.constant 0 : index
    %get3A_656 = tpu.vector_load %arg14[%get3A_654, %get3A_655] {strides = array<i32>} : memref<32x16xi32, #tpu.memory_space<vmem>>, vector<16xi32>,
    %add3A_657 = arith.addi %add3A_621, %get3A_656 : vector<16xi32>
    %get3A_658 = arith.constant 0 : i32
    %get3A_659 = arith.constant 18 : i32
    %get3A_660 = arith.index_cast %get3A_658 : i32 to index
    %get3A_661 = arith.index_cast %get3A_659 : i32 to index
    %get3A_662 = arith.constant 0 : index
    %get3A_663 = tpu.vector_load %arg13[%get3A_660, %get3A_661, %get3A_662] {strides = array<i32>} : memref<4x32x16xf32, #tpu.memory_space<vmem>>, vector<16xf32>,
    %min3A_664 = arith.minimumf %min3A_628, %get3A_663 : vector<16xf32>
    %get3A_665 = arith.constant 1 : i32
    %get3A_666 = arith.constant 18 : i32
    %get3A_667 = arith.index_cast %get3A_665 : i32 to index
    %get3A_668 = arith.index_cast %get3A_666 : i32 to index
    %get3A_669 = arith.constant 0 : index
    %get3A_670 = tpu.vector_load %arg13[%get3A_667, %get3A_668, %get3A_669] {strides = array<i32>} : memref<4x32x16xf32, #tpu.memory_space<vmem>>, vector<16xf32>,
    %max3A_671 = arith.maximumf %max3A_635, %get3A_670 : vector<16xf32>
    %get3A_672 = arith.constant 2 : i32
    %get3A_673 = arith.constant 18 : i32
    %get3A_674 = arith.index_cast %get3A_672 : i32 to index
    %get3A_675 = arith.index_cast %get3A_673 : i32 to index
    %get3A_676 = arith.constant 0 : index
    %get3A_677 = tpu.vector_load %arg13[%get3A_674, %get3A_675, %get3A_676] {strides = array<i32>} : memref<4x32x16xf32, #tpu.memory_space<vmem>>, vector<16xf32>,
    %sub3A_678 = arith.subf %get3A_677, %sub3A_645 : vector<16xf32>
    %add3A_679 = arith.addf %add3A_643, %sub3A_678 : vector<16xf32>
    %sub3A_680 = arith.subf %add3A_679, %add3A_643 : vector<16xf32>
    %sub3A_681 = arith.subf %sub3A_680, %sub3A_678 : vector<16xf32>
    %get3A_682 = arith.constant 3 : i32
    %get3A_683 = arith.constant 18 : i32
    %get3A_684 = arith.index_cast %get3A_682 : i32 to index
    %get3A_685 = arith.index_cast %get3A_683 : i32 to index
    %get3A_686 = arith.constant 0 : index
    %get3A_687 = tpu.vector_load %arg13[%get3A_684, %get3A_685, %get3A_686] {strides = array<i32>} : memref<4x32x16xf32, #tpu.memory_space<vmem>>, vector<16xf32>,
    %add3A_688 = arith.addf %add3A_652, %get3A_687 : vector<16xf32>
    %get3A_689 = arith.constant 18 : i32
    %get3A_690 = arith.index_cast %get3A_689 : i32 to index
    %get3A_691 = arith.constant 0 : index
    %get3A_692 = tpu.vector_load %arg14[%get3A_690, %get3A_691] {strides = array<i32>} : memref<32x16xi32, #tpu.memory_space<vmem>>, vector<16xi32>,
    %add3A_693 = arith.addi %add3A_657, %get3A_692 : vector<16xi32>
    %get3A_694 = arith.constant 0 : i32
    %get3A_695 = arith.constant 19 : i32
    %get3A_696 = arith.index_cast %get3A_694 : i32 to index
    %get3A_697 = arith.index_cast %get3A_695 : i32 to index
    %get3A_698 = arith.constant 0 : index
    %get3A_699 = tpu.vector_load %arg13[%get3A_696, %get3A_697, %get3A_698] {strides = array<i32>} : memref<4x32x16xf32, #tpu.memory_space<vmem>>, vector<16xf32>,
    %min3A_700 = arith.minimumf %min3A_664, %get3A_699 : vector<16xf32>
    %get3A_701 = arith.constant 1 : i32
    %get3A_702 = arith.constant 19 : i32
    %get3A_703 = arith.index_cast %get3A_701 : i32 to index
    %get3A_704 = arith.index_cast %get3A_702 : i32 to index
    %get3A_705 = arith.constant 0 : index
    %get3A_706 = tpu.vector_load %arg13[%get3A_703, %get3A_704, %get3A_705] {strides = array<i32>} : memref<4x32x16xf32, #tpu.memory_space<vmem>>, vector<16xf32>,
    %max3A_707 = arith.maximumf %max3A_671, %get3A_706 : vector<16xf32>
    %get3A_708 = arith.constant 2 : i32
    %get3A_709 = arith.constant 19 : i32
    %get3A_710 = arith.index_cast %get3A_708 : i32 to index
    %get3A_711 = arith.index_cast %get3A_709 : i32 to index
    %get3A_712 = arith.constant 0 : index
    %get3A_713 = tpu.vector_load %arg13[%get3A_710, %get3A_711, %get3A_712] {strides = array<i32>} : memref<4x32x16xf32, #tpu.memory_space<vmem>>, vector<16xf32>,
    %sub3A_714 = arith.subf %get3A_713, %sub3A_681 : vector<16xf32>
    %add3A_715 = arith.addf %add3A_679, %sub3A_714 : vector<16xf32>
    %sub3A_716 = arith.subf %add3A_715, %add3A_679 : vector<16xf32>
    %sub3A_717 = arith.subf %sub3A_716, %sub3A_714 : vector<16xf32>
    %get3A_718 = arith.constant 3 : i32
    %get3A_719 = arith.constant 19 : i32
    %get3A_720 = arith.index_cast %get3A_718 : i32 to index
    %get3A_721 = arith.index_cast %get3A_719 : i32 to index
    %get3A_722 = arith.constant 0 : index
    %get3A_723 = tpu.vector_load %arg13[%get3A_720, %get3A_721, %get3A_722] {strides = array<i32>} : memref<4x32x16xf32, #tpu.memory_space<vmem>>, vector<16xf32>,
    %add3A_724 = arith.addf %add3A_688, %get3A_723 : vector<16xf32>
    %get3A_725 = arith.constant 19 : i32
    %get3A_726 = arith.index_cast %get3A_725 : i32 to index
    %get3A_727 = arith.constant 0 : index
    %get3A_728 = tpu.vector_load %arg14[%get3A_726, %get3A_727] {strides = array<i32>} : memref<32x16xi32, #tpu.memory_space<vmem>>, vector<16xi32>,
    %add3A_729 = arith.addi %add3A_693, %get3A_728 : vector<16xi32>
    %get3A_730 = arith.constant 0 : i32
    %get3A_731 = arith.constant 20 : i32
    %get3A_732 = arith.index_cast %get3A_730 : i32 to index
    %get3A_733 = arith.index_cast %get3A_731 : i32 to index
    %get3A_734 = arith.constant 0 : index
    %get3A_735 = tpu.vector_load %arg13[%get3A_732, %get3A_733, %get3A_734] {strides = array<i32>} : memref<4x32x16xf32, #tpu.memory_space<vmem>>, vector<16xf32>,
    %min3A_736 = arith.minimumf %min3A_700, %get3A_735 : vector<16xf32>
    %get3A_737 = arith.constant 1 : i32
    %get3A_738 = arith.constant 20 : i32
    %get3A_739 = arith.index_cast %get3A_737 : i32 to index
    %get3A_740 = arith.index_cast %get3A_738 : i32 to index
    %get3A_741 = arith.constant 0 : index
    %get3A_742 = tpu.vector_load %arg13[%get3A_739, %get3A_740, %get3A_741] {strides = array<i32>} : memref<4x32x16xf32, #tpu.memory_space<vmem>>, vector<16xf32>,
    %max3A_743 = arith.maximumf %max3A_707, %get3A_742 : vector<16xf32>
    %get3A_744 = arith.constant 2 : i32
    %get3A_745 = arith.constant 20 : i32
    %get3A_746 = arith.index_cast %get3A_744 : i32 to index
    %get3A_747 = arith.index_cast %get3A_745 : i32 to index
    %get3A_748 = arith.constant 0 : index
    %get3A_749 = tpu.vector_load %arg13[%get3A_746, %get3A_747, %get3A_748] {strides = array<i32>} : memref<4x32x16xf32, #tpu.memory_space<vmem>>, vector<16xf32>,
    %sub3A_750 = arith.subf %get3A_749, %sub3A_717 : vector<16xf32>
    %add3A_751 = arith.addf %add3A_715, %sub3A_750 : vector<16xf32>
    %sub3A_752 = arith.subf %add3A_751, %add3A_715 : vector<16xf32>
    %sub3A_753 = arith.subf %sub3A_752, %sub3A_750 : vector<16xf32>
    %get3A_754 = arith.constant 3 : i32
    %get3A_755 = arith.constant 20 : i32
    %get3A_756 = arith.index_cast %get3A_754 : i32 to index
    %get3A_757 = arith.index_cast %get3A_755 : i32 to index
    %get3A_758 = arith.constant 0 : index
    %get3A_759 = tpu.vector_load %arg13[%get3A_756, %get3A_757, %get3A_758] {strides = array<i32>} : memref<4x32x16xf32, #tpu.memory_space<vmem>>, vector<16xf32>,
    %add3A_760 = arith.addf %add3A_724, %get3A_759 : vector<16xf32>
    %get3A_761 = arith.constant 20 : i32
    %get3A_762 = arith.index_cast %get3A_761 : i32 to index
    %get3A_763 = arith.constant 0 : index
    %get3A_764 = tpu.vector_load %arg14[%get3A_762, %get3A_763] {strides = array<i32>} : memref<32x16xi32, #tpu.memory_space<vmem>>, vector<16xi32>,
    %add3A_765 = arith.addi %add3A_729, %get3A_764 : vector<16xi32>
    %get3A_766 = arith.constant 0 : i32
    %get3A_767 = arith.constant 21 : i32
    %get3A_768 = arith.index_cast %get3A_766 : i32 to index
    %get3A_769 = arith.index_cast %get3A_767 : i32 to index
    %get3A_770 = arith.constant 0 : index
    %get3A_771 = tpu.vector_load %arg13[%get3A_768, %get3A_769, %get3A_770] {strides = array<i32>} : memref<4x32x16xf32, #tpu.memory_space<vmem>>, vector<16xf32>,
    %min3A_772 = arith.minimumf %min3A_736, %get3A_771 : vector<16xf32>
    %get3A_773 = arith.constant 1 : i32
    %get3A_774 = arith.constant 21 : i32
    %get3A_775 = arith.index_cast %get3A_773 : i32 to index
    %get3A_776 = arith.index_cast %get3A_774 : i32 to index
    %get3A_777 = arith.constant 0 : index
    %get3A_778 = tpu.vector_load %arg13[%get3A_775, %get3A_776, %get3A_777] {strides = array<i32>} : memref<4x32x16xf32, #tpu.memory_space<vmem>>, vector<16xf32>,
    %max3A_779 = arith.maximumf %max3A_743, %get3A_778 : vector<16xf32>
    %get3A_780 = arith.constant 2 : i32
    %get3A_781 = arith.constant 21 : i32
    %get3A_782 = arith.index_cast %get3A_780 : i32 to index
    %get3A_783 = arith.index_cast %get3A_781 : i32 to index
    %get3A_784 = arith.constant 0 : index
    %get3A_785 = tpu.vector_load %arg13[%get3A_782, %get3A_783, %get3A_784] {strides = array<i32>} : memref<4x32x16xf32, #tpu.memory_space<vmem>>, vector<16xf32>,
    %sub3A_786 = arith.subf %get3A_785, %sub3A_753 : vector<16xf32>
    %add3A_787 = arith.addf %add3A_751, %sub3A_786 : vector<16xf32>
    %sub3A_788 = arith.subf %add3A_787, %add3A_751 : vector<16xf32>
    %sub3A_789 = arith.subf %sub3A_788, %sub3A_786 : vector<16xf32>
    %get3A_790 = arith.constant 3 : i32
    %get3A_791 = arith.constant 21 : i32
    %get3A_792 = arith.index_cast %get3A_790 : i32 to index
    %get3A_793 = arith.index_cast %get3A_791 : i32 to index
    %get3A_794 = arith.constant 0 : index
    %get3A_795 = tpu.vector_load %arg13[%get3A_792, %get3A_793, %get3A_794] {strides = array<i32>} : memref<4x32x16xf32, #tpu.memory_space<vmem>>, vector<16xf32>,
    %add3A_796 = arith.addf %add3A_760, %get3A_795 : vector<16xf32>
    %get3A_797 = arith.constant 21 : i32
    %get3A_798 = arith.index_cast %get3A_797 : i32 to index
    %get3A_799 = arith.constant 0 : index
    %get3A_800 = tpu.vector_load %arg14[%get3A_798, %get3A_799] {strides = array<i32>} : memref<32x16xi32, #tpu.memory_space<vmem>>, vector<16xi32>,
    %add3A_801 = arith.addi %add3A_765, %get3A_800 : vector<16xi32>
    %get3A_802 = arith.constant 0 : i32
    %get3A_803 = arith.constant 22 : i32
    %get3A_804 = arith.index_cast %get3A_802 : i32 to index
    %get3A_805 = arith.index_cast %get3A_803 : i32 to index
    %get3A_806 = arith.constant 0 : index
    %get3A_807 = tpu.vector_load %arg13[%get3A_804, %get3A_805, %get3A_806] {strides = array<i32>} : memref<4x32x16xf32, #tpu.memory_space<vmem>>, vector<16xf32>,
    %min3A_808 = arith.minimumf %min3A_772, %get3A_807 : vector<16xf32>
    %get3A_809 = arith.constant 1 : i32
    %get3A_810 = arith.constant 22 : i32
    %get3A_811 = arith.index_cast %get3A_809 : i32 to index
    %get3A_812 = arith.index_cast %get3A_810 : i32 to index
    %get3A_813 = arith.constant 0 : index
    %get3A_814 = tpu.vector_load %arg13[%get3A_811, %get3A_812, %get3A_813] {strides = array<i32>} : memref<4x32x16xf32, #tpu.memory_space<vmem>>, vector<16xf32>,
    %max3A_815 = arith.maximumf %max3A_779, %get3A_814 : vector<16xf32>
    %get3A_816 = arith.constant 2 : i32
    %get3A_817 = arith.constant 22 : i32
    %get3A_818 = arith.index_cast %get3A_816 : i32 to index
    %get3A_819 = arith.index_cast %get3A_817 : i32 to index
    %get3A_820 = arith.constant 0 : index
    %get3A_821 = tpu.vector_load %arg13[%get3A_818, %get3A_819, %get3A_820] {strides = array<i32>} : memref<4x32x16xf32, #tpu.memory_space<vmem>>, vector<16xf32>,
    %sub3A_822 = arith.subf %get3A_821, %sub3A_789 : vector<16xf32>
    %add3A_823 = arith.addf %add3A_787, %sub3A_822 : vector<16xf32>
    %sub3A_824 = arith.subf %add3A_823, %add3A_787 : vector<16xf32>
    %sub3A_825 = arith.subf %sub3A_824, %sub3A_822 : vector<16xf32>
    %get3A_826 = arith.constant 3 : i32
    %get3A_827 = arith.constant 22 : i32
    %get3A_828 = arith.index_cast %get3A_826 : i32 to index
    %get3A_829 = arith.index_cast %get3A_827 : i32 to index
    %get3A_830 = arith.constant 0 : index
    %get3A_831 = tpu.vector_load %arg13[%get3A_828, %get3A_829, %get3A_830] {strides = array<i32>} : memref<4x32x16xf32, #tpu.memory_space<vmem>>, vector<16xf32>,
    %add3A_832 = arith.addf %add3A_796, %get3A_831 : vector<16xf32>
    %get3A_833 = arith.constant 22 : i32
    %get3A_834 = arith.index_cast %get3A_833 : i32 to index
    %get3A_835 = arith.constant 0 : index
    %get3A_836 = tpu.vector_load %arg14[%get3A_834, %get3A_835] {strides = array<i32>} : memref<32x16xi32, #tpu.memory_space<vmem>>, vector<16xi32>,
    %add3A_837 = arith.addi %add3A_801, %get3A_836 : vector<16xi32>
    %get3A_838 = arith.constant 0 : i32
    %get3A_839 = arith.constant 23 : i32
    %get3A_840 = arith.index_cast %get3A_838 : i32 to index
    %get3A_841 = arith.index_cast %get3A_839 : i32 to index
    %get3A_842 = arith.constant 0 : index
    %get3A_843 = tpu.vector_load %arg13[%get3A_840, %get3A_841, %get3A_842] {strides = array<i32>} : memref<4x32x16xf32, #tpu.memory_space<vmem>>, vector<16xf32>,
    %min3A_844 = arith.minimumf %min3A_808, %get3A_843 : vector<16xf32>
    %get3A_845 = arith.constant 1 : i32
    %get3A_846 = arith.constant 23 : i32
    %get3A_847 = arith.index_cast %get3A_845 : i32 to index
    %get3A_848 = arith.index_cast %get3A_846 : i32 to index
    %get3A_849 = arith.constant 0 : index
    %get3A_850 = tpu.vector_load %arg13[%get3A_847, %get3A_848, %get3A_849] {strides = array<i32>} : memref<4x32x16xf32, #tpu.memory_space<vmem>>, vector<16xf32>,
    %max3A_851 = arith.maximumf %max3A_815, %get3A_850 : vector<16xf32>
    %get3A_852 = arith.constant 2 : i32
    %get3A_853 = arith.constant 23 : i32
    %get3A_854 = arith.index_cast %get3A_852 : i32 to index
    %get3A_855 = arith.index_cast %get3A_853 : i32 to index
    %get3A_856 = arith.constant 0 : index
    %get3A_857 = tpu.vector_load %arg13[%get3A_854, %get3A_855, %get3A_856] {strides = array<i32>} : memref<4x32x16xf32, #tpu.memory_space<vmem>>, vector<16xf32>,
    %sub3A_858 = arith.subf %get3A_857, %sub3A_825 : vector<16xf32>
    %add3A_859 = arith.addf %add3A_823, %sub3A_858 : vector<16xf32>
    %sub3A_860 = arith.subf %add3A_859, %add3A_823 : vector<16xf32>
    %sub3A_861 = arith.subf %sub3A_860, %sub3A_858 : vector<16xf32>
    %get3A_862 = arith.constant 3 : i32
    %get3A_863 = arith.constant 23 : i32
    %get3A_864 = arith.index_cast %get3A_862 : i32 to index
    %get3A_865 = arith.index_cast %get3A_863 : i32 to index
    %get3A_866 = arith.constant 0 : index
    %get3A_867 = tpu.vector_load %arg13[%get3A_864, %get3A_865, %get3A_866] {strides = array<i32>} : memref<4x32x16xf32, #tpu.memory_space<vmem>>, vector<16xf32>,
    %add3A_868 = arith.addf %add3A_832, %get3A_867 : vector<16xf32>
    %get3A_869 = arith.constant 23 : i32
    %get3A_870 = arith.index_cast %get3A_869 : i32 to index
    %get3A_871 = arith.constant 0 : index
    %get3A_872 = tpu.vector_load %arg14[%get3A_870, %get3A_871] {strides = array<i32>} : memref<32x16xi32, #tpu.memory_space<vmem>>, vector<16xi32>,
    %add3A_873 = arith.addi %add3A_837, %get3A_872 : vector<16xi32>
    %get3A_874 = arith.constant 0 : i32
    %get3A_875 = arith.constant 24 : i32
    %get3A_876 = arith.index_cast %get3A_874 : i32 to index
    %get3A_877 = arith.index_cast %get3A_875 : i32 to index
    %get3A_878 = arith.constant 0 : index
    %get3A_879 = tpu.vector_load %arg13[%get3A_876, %get3A_877, %get3A_878] {strides = array<i32>} : memref<4x32x16xf32, #tpu.memory_space<vmem>>, vector<16xf32>,
    %min3A_880 = arith.minimumf %min3A_844, %get3A_879 : vector<16xf32>
    %get3A_881 = arith.constant 1 : i32
    %get3A_882 = arith.constant 24 : i32
    %get3A_883 = arith.index_cast %get3A_881 : i32 to index
    %get3A_884 = arith.index_cast %get3A_882 : i32 to index
    %get3A_885 = arith.constant 0 : index
    %get3A_886 = tpu.vector_load %arg13[%get3A_883, %get3A_884, %get3A_885] {strides = array<i32>} : memref<4x32x16xf32, #tpu.memory_space<vmem>>, vector<16xf32>,
    %max3A_887 = arith.maximumf %max3A_851, %get3A_886 : vector<16xf32>
    %get3A_888 = arith.constant 2 : i32
    %get3A_889 = arith.constant 24 : i32
    %get3A_890 = arith.index_cast %get3A_888 : i32 to index
    %get3A_891 = arith.index_cast %get3A_889 : i32 to index
    %get3A_892 = arith.constant 0 : index
    %get3A_893 = tpu.vector_load %arg13[%get3A_890, %get3A_891, %get3A_892] {strides = array<i32>} : memref<4x32x16xf32, #tpu.memory_space<vmem>>, vector<16xf32>,
    %sub3A_894 = arith.subf %get3A_893, %sub3A_861 : vector<16xf32>
    %add3A_895 = arith.addf %add3A_859, %sub3A_894 : vector<16xf32>
    %sub3A_896 = arith.subf %add3A_895, %add3A_859 : vector<16xf32>
    %sub3A_897 = arith.subf %sub3A_896, %sub3A_894 : vector<16xf32>
    %get3A_898 = arith.constant 3 : i32
    %get3A_899 = arith.constant 24 : i32
    %get3A_900 = arith.index_cast %get3A_898 : i32 to index
    %get3A_901 = arith.index_cast %get3A_899 : i32 to index
    %get3A_902 = arith.constant 0 : index
    %get3A_903 = tpu.vector_load %arg13[%get3A_900, %get3A_901, %get3A_902] {strides = array<i32>} : memref<4x32x16xf32, #tpu.memory_space<vmem>>, vector<16xf32>,
    %add3A_904 = arith.addf %add3A_868, %get3A_903 : vector<16xf32>
    %get3A_905 = arith.constant 24 : i32
    %get3A_906 = arith.index_cast %get3A_905 : i32 to index
    %get3A_907 = arith.constant 0 : index
    %get3A_908 = tpu.vector_load %arg14[%get3A_906, %get3A_907] {strides = array<i32>} : memref<32x16xi32, #tpu.memory_space<vmem>>, vector<16xi32>,
    %add3A_909 = arith.addi %add3A_873, %get3A_908 : vector<16xi32>
    %get3A_910 = arith.constant 0 : i32
    %get3A_911 = arith.constant 25 : i32
    %get3A_912 = arith.index_cast %get3A_910 : i32 to index
    %get3A_913 = arith.index_cast %get3A_911 : i32 to index
    %get3A_914 = arith.constant 0 : index
    %get3A_915 = tpu.vector_load %arg13[%get3A_912, %get3A_913, %get3A_914] {strides = array<i32>} : memref<4x32x16xf32, #tpu.memory_space<vmem>>, vector<16xf32>,
    %min3A_916 = arith.minimumf %min3A_880, %get3A_915 : vector<16xf32>
    %get3A_917 = arith.constant 1 : i32
    %get3A_918 = arith.constant 25 : i32
    %get3A_919 = arith.index_cast %get3A_917 : i32 to index
    %get3A_920 = arith.index_cast %get3A_918 : i32 to index
    %get3A_921 = arith.constant 0 : index
    %get3A_922 = tpu.vector_load %arg13[%get3A_919, %get3A_920, %get3A_921] {strides = array<i32>} : memref<4x32x16xf32, #tpu.memory_space<vmem>>, vector<16xf32>,
    %max3A_923 = arith.maximumf %max3A_887, %get3A_922 : vector<16xf32>
    %get3A_924 = arith.constant 2 : i32
    %get3A_925 = arith.constant 25 : i32
    %get3A_926 = arith.index_cast %get3A_924 : i32 to index
    %get3A_927 = arith.index_cast %get3A_925 : i32 to index
    %get3A_928 = arith.constant 0 : index
    %get3A_929 = tpu.vector_load %arg13[%get3A_926, %get3A_927, %get3A_928] {strides = array<i32>} : memref<4x32x16xf32, #tpu.memory_space<vmem>>, vector<16xf32>,
    %sub3A_930 = arith.subf %get3A_929, %sub3A_897 : vector<16xf32>
    %add3A_931 = arith.addf %add3A_895, %sub3A_930 : vector<16xf32>
    %sub3A_932 = arith.subf %add3A_931, %add3A_895 : vector<16xf32>
    %sub3A_933 = arith.subf %sub3A_932, %sub3A_930 : vector<16xf32>
    %get3A_934 = arith.constant 3 : i32
    %get3A_935 = arith.constant 25 : i32
    %get3A_936 = arith.index_cast %get3A_934 : i32 to index
    %get3A_937 = arith.index_cast %get3A_935 : i32 to index
    %get3A_938 = arith.constant 0 : index
    %get3A_939 = tpu.vector_load %arg13[%get3A_936, %get3A_937, %get3A_938] {strides = array<i32>} : memref<4x32x16xf32, #tpu.memory_space<vmem>>, vector<16xf32>,
    %add3A_940 = arith.addf %add3A_904, %get3A_939 : vector<16xf32>
    %get3A_941 = arith.constant 25 : i32
    %get3A_942 = arith.index_cast %get3A_941 : i32 to index
    %get3A_943 = arith.constant 0 : index
    %get3A_944 = tpu.vector_load %arg14[%get3A_942, %get3A_943] {strides = array<i32>} : memref<32x16xi32, #tpu.memory_space<vmem>>, vector<16xi32>,
    %add3A_945 = arith.addi %add3A_909, %get3A_944 : vector<16xi32>
    %get3A_946 = arith.constant 0 : i32
    %get3A_947 = arith.constant 26 : i32
    %get3A_948 = arith.index_cast %get3A_946 : i32 to index
    %get3A_949 = arith.index_cast %get3A_947 : i32 to index
    %get3A_950 = arith.constant 0 : index
    %get3A_951 = tpu.vector_load %arg13[%get3A_948, %get3A_949, %get3A_950] {strides = array<i32>} : memref<4x32x16xf32, #tpu.memory_space<vmem>>, vector<16xf32>,
    %min3A_952 = arith.minimumf %min3A_916, %get3A_951 : vector<16xf32>
    %get3A_953 = arith.constant 1 : i32
    %get3A_954 = arith.constant 26 : i32
    %get3A_955 = arith.index_cast %get3A_953 : i32 to index
    %get3A_956 = arith.index_cast %get3A_954 : i32 to index
    %get3A_957 = arith.constant 0 : index
    %get3A_958 = tpu.vector_load %arg13[%get3A_955, %get3A_956, %get3A_957] {strides = array<i32>} : memref<4x32x16xf32, #tpu.memory_space<vmem>>, vector<16xf32>,
    %max3A_959 = arith.maximumf %max3A_923, %get3A_958 : vector<16xf32>
    %get3A_960 = arith.constant 2 : i32
    %get3A_961 = arith.constant 26 : i32
    %get3A_962 = arith.index_cast %get3A_960 : i32 to index
    %get3A_963 = arith.index_cast %get3A_961 : i32 to index
    %get3A_964 = arith.constant 0 : index
    %get3A_965 = tpu.vector_load %arg13[%get3A_962, %get3A_963, %get3A_964] {strides = array<i32>} : memref<4x32x16xf32, #tpu.memory_space<vmem>>, vector<16xf32>,
    %sub3A_966 = arith.subf %get3A_965, %sub3A_933 : vector<16xf32>
    %add3A_967 = arith.addf %add3A_931, %sub3A_966 : vector<16xf32>
    %sub3A_968 = arith.subf %add3A_967, %add3A_931 : vector<16xf32>
    %sub3A_969 = arith.subf %sub3A_968, %sub3A_966 : vector<16xf32>
    %get3A_970 = arith.constant 3 : i32
    %get3A_971 = arith.constant 26 : i32
    %get3A_972 = arith.index_cast %get3A_970 : i32 to index
    %get3A_973 = arith.index_cast %get3A_971 : i32 to index
    %get3A_974 = arith.constant 0 : index
    %get3A_975 = tpu.vector_load %arg13[%get3A_972, %get3A_973, %get3A_974] {strides = array<i32>} : memref<4x32x16xf32, #tpu.memory_space<vmem>>, vector<16xf32>,
    %add3A_976 = arith.addf %add3A_940, %get3A_975 : vector<16xf32>
    %get3A_977 = arith.constant 26 : i32
    %get3A_978 = arith.index_cast %get3A_977 : i32 to index
    %get3A_979 = arith.constant 0 : index
    %get3A_980 = tpu.vector_load %arg14[%get3A_978, %get3A_979] {strides = array<i32>} : memref<32x16xi32, #tpu.memory_space<vmem>>, vector<16xi32>,
    %add3A_981 = arith.addi %add3A_945, %get3A_980 : vector<16xi32>
    %get3A_982 = arith.constant 0 : i32
    %get3A_983 = arith.constant 27 : i32
    %get3A_984 = arith.index_cast %get3A_982 : i32 to index
    %get3A_985 = arith.index_cast %get3A_983 : i32 to index
    %get3A_986 = arith.constant 0 : index
    %get3A_987 = tpu.vector_load %arg13[%get3A_984, %get3A_985, %get3A_986] {strides = array<i32>} : memref<4x32x16xf32, #tpu.memory_space<vmem>>, vector<16xf32>,
    %min3A_988 = arith.minimumf %min3A_952, %get3A_987 : vector<16xf32>
    %get3A_989 = arith.constant 1 : i32
    %get3A_990 = arith.constant 27 : i32
    %get3A_991 = arith.index_cast %get3A_989 : i32 to index
    %get3A_992 = arith.index_cast %get3A_990 : i32 to index
    %get3A_993 = arith.constant 0 : index
    %get3A_994 = tpu.vector_load %arg13[%get3A_991, %get3A_992, %get3A_993] {strides = array<i32>} : memref<4x32x16xf32, #tpu.memory_space<vmem>>, vector<16xf32>,
    %max3A_995 = arith.maximumf %max3A_959, %get3A_994 : vector<16xf32>
    %get3A_996 = arith.constant 2 : i32
    %get3A_997 = arith.constant 27 : i32
    %get3A_998 = arith.index_cast %get3A_996 : i32 to index
    %get3A_999 = arith.index_cast %get3A_997 : i32 to index
    %get3A_1000 = arith.constant 0 : index
    %get3A_1001 = tpu.vector_load %arg13[%get3A_998, %get3A_999, %get3A_1000] {strides = array<i32>} : memref<4x32x16xf32, #tpu.memory_space<vmem>>, vector<16xf32>,
    %sub3A_1002 = arith.subf %get3A_1001, %sub3A_969 : vector<16xf32>
    %add3A_1003 = arith.addf %add3A_967, %sub3A_1002 : vector<16xf32>
    %sub3A_1004 = arith.subf %add3A_1003, %add3A_967 : vector<16xf32>
    %sub3A_1005 = arith.subf %sub3A_1004, %sub3A_1002 : vector<16xf32>
    %get3A_1006 = arith.constant 3 : i32
    %get3A_1007 = arith.constant 27 : i32
    %get3A_1008 = arith.index_cast %get3A_1006 : i32 to index
    %get3A_1009 = arith.index_cast %get3A_1007 : i32 to index
    %get3A_1010 = arith.constant 0 : index
    %get3A_1011 = tpu.vector_load %arg13[%get3A_1008, %get3A_1009, %get3A_1010] {strides = array<i32>} : memref<4x32x16xf32, #tpu.memory_space<vmem>>, vector<16xf32>,
    %add3A_1012 = arith.addf %add3A_976, %get3A_1011 : vector<16xf32>
    %get3A_1013 = arith.constant 27 : i32
    %get3A_1014 = arith.index_cast %get3A_1013 : i32 to index
    %get3A_1015 = arith.constant 0 : index
    %get3A_1016 = tpu.vector_load %arg14[%get3A_1014, %get3A_1015] {strides = array<i32>} : memref<32x16xi32, #tpu.memory_space<vmem>>, vector<16xi32>,
    %add3A_1017 = arith.addi %add3A_981, %get3A_1016 : vector<16xi32>
    %get3A_1018 = arith.constant 0 : i32
    %get3A_1019 = arith.constant 28 : i32
    %get3A_1020 = arith.index_cast %get3A_1018 : i32 to index
    %get3A_1021 = arith.index_cast %get3A_1019 : i32 to index
    %get3A_1022 = arith.constant 0 : index
    %get3A_1023 = tpu.vector_load %arg13[%get3A_1020, %get3A_1021, %get3A_1022] {strides = array<i32>} : memref<4x32x16xf32, #tpu.memory_space<vmem>>, vector<16xf32>,
    %min3A_1024 = arith.minimumf %min3A_988, %get3A_1023 : vector<16xf32>
    %get3A_1025 = arith.constant 1 : i32
    %get3A_1026 = arith.constant 28 : i32
    %get3A_1027 = arith.index_cast %get3A_1025 : i32 to index
    %get3A_1028 = arith.index_cast %get3A_1026 : i32 to index
    %get3A_1029 = arith.constant 0 : index
    %get3A_1030 = tpu.vector_load %arg13[%get3A_1027, %get3A_1028, %get3A_1029] {strides = array<i32>} : memref<4x32x16xf32, #tpu.memory_space<vmem>>, vector<16xf32>,
    %max3A_1031 = arith.maximumf %max3A_995, %get3A_1030 : vector<16xf32>
    %get3A_1032 = arith.constant 2 : i32
    %get3A_1033 = arith.constant 28 : i32
    %get3A_1034 = arith.index_cast %get3A_1032 : i32 to index
    %get3A_1035 = arith.index_cast %get3A_1033 : i32 to index
    %get3A_1036 = arith.constant 0 : index
    %get3A_1037 = tpu.vector_load %arg13[%get3A_1034, %get3A_1035, %get3A_1036] {strides = array<i32>} : memref<4x32x16xf32, #tpu.memory_space<vmem>>, vector<16xf32>,
    %sub3A_1038 = arith.subf %get3A_1037, %sub3A_1005 : vector<16xf32>
    %add3A_1039 = arith.addf %add3A_1003, %sub3A_1038 : vector<16xf32>
    %sub3A_1040 = arith.subf %add3A_1039, %add3A_1003 : vector<16xf32>
    %sub3A_1041 = arith.subf %sub3A_1040, %sub3A_1038 : vector<16xf32>
    %get3A_1042 = arith.constant 3 : i32
    %get3A_1043 = arith.constant 28 : i32
    %get3A_1044 = arith.index_cast %get3A_1042 : i32 to index
    %get3A_1045 = arith.index_cast %get3A_1043 : i32 to index
    %get3A_1046 = arith.constant 0 : index
    %get3A_1047 = tpu.vector_load %arg13[%get3A_1044, %get3A_1045, %get3A_1046] {strides = array<i32>} : memref<4x32x16xf32, #tpu.memory_space<vmem>>, vector<16xf32>,
    %add3A_1048 = arith.addf %add3A_1012, %get3A_1047 : vector<16xf32>
    %get3A_1049 = arith.constant 28 : i32
    %get3A_1050 = arith.index_cast %get3A_1049 : i32 to index
    %get3A_1051 = arith.constant 0 : index
    %get3A_1052 = tpu.vector_load %arg14[%get3A_1050, %get3A_1051] {strides = array<i32>} : memref<32x16xi32, #tpu.memory_space<vmem>>, vector<16xi32>,
    %add3A_1053 = arith.addi %add3A_1017, %get3A_1052 : vector<16xi32>
    %get3A_1054 = arith.constant 0 : i32
    %get3A_1055 = arith.constant 29 : i32
    %get3A_1056 = arith.index_cast %get3A_1054 : i32 to index
    %get3A_1057 = arith.index_cast %get3A_1055 : i32 to index
    %get3A_1058 = arith.constant 0 : index
    %get3A_1059 = tpu.vector_load %arg13[%get3A_1056, %get3A_1057, %get3A_1058] {strides = array<i32>} : memref<4x32x16xf32, #tpu.memory_space<vmem>>, vector<16xf32>,
    %min3A_1060 = arith.minimumf %min3A_1024, %get3A_1059 : vector<16xf32>
    %get3A_1061 = arith.constant 1 : i32
    %get3A_1062 = arith.constant 29 : i32
    %get3A_1063 = arith.index_cast %get3A_1061 : i32 to index
    %get3A_1064 = arith.index_cast %get3A_1062 : i32 to index
    %get3A_1065 = arith.constant 0 : index
    %get3A_1066 = tpu.vector_load %arg13[%get3A_1063, %get3A_1064, %get3A_1065] {strides = array<i32>} : memref<4x32x16xf32, #tpu.memory_space<vmem>>, vector<16xf32>,
    %max3A_1067 = arith.maximumf %max3A_1031, %get3A_1066 : vector<16xf32>
    %get3A_1068 = arith.constant 2 : i32
    %get3A_1069 = arith.constant 29 : i32
    %get3A_1070 = arith.index_cast %get3A_1068 : i32 to index
    %get3A_1071 = arith.index_cast %get3A_1069 : i32 to index
    %get3A_1072 = arith.constant 0 : index
    %get3A_1073 = tpu.vector_load %arg13[%get3A_1070, %get3A_1071, %get3A_1072] {strides = array<i32>} : memref<4x32x16xf32, #tpu.memory_space<vmem>>, vector<16xf32>,
    %sub3A_1074 = arith.subf %get3A_1073, %sub3A_1041 : vector<16xf32>
    %add3A_1075 = arith.addf %add3A_1039, %sub3A_1074 : vector<16xf32>
    %sub3A_1076 = arith.subf %add3A_1075, %add3A_1039 : vector<16xf32>
    %sub3A_1077 = arith.subf %sub3A_1076, %sub3A_1074 : vector<16xf32>
    %get3A_1078 = arith.constant 3 : i32
    %get3A_1079 = arith.constant 29 : i32
    %get3A_1080 = arith.index_cast %get3A_1078 : i32 to index
    %get3A_1081 = arith.index_cast %get3A_1079 : i32 to index
    %get3A_1082 = arith.constant 0 : index
    %get3A_1083 = tpu.vector_load %arg13[%get3A_1080, %get3A_1081, %get3A_1082] {strides = array<i32>} : memref<4x32x16xf32, #tpu.memory_space<vmem>>, vector<16xf32>,
    %add3A_1084 = arith.addf %add3A_1048, %get3A_1083 : vector<16xf32>
    %get3A_1085 = arith.constant 29 : i32
    %get3A_1086 = arith.index_cast %get3A_1085 : i32 to index
    %get3A_1087 = arith.constant 0 : index
    %get3A_1088 = tpu.vector_load %arg14[%get3A_1086, %get3A_1087] {strides = array<i32>} : memref<32x16xi32, #tpu.memory_space<vmem>>, vector<16xi32>,
    %add3A_1089 = arith.addi %add3A_1053, %get3A_1088 : vector<16xi32>
    %get3A_1090 = arith.constant 0 : i32
    %get3A_1091 = arith.constant 30 : i32
    %get3A_1092 = arith.index_cast %get3A_1090 : i32 to index
    %get3A_1093 = arith.index_cast %get3A_1091 : i32 to index
    %get3A_1094 = arith.constant 0 : index
    %get3A_1095 = tpu.vector_load %arg13[%get3A_1092, %get3A_1093, %get3A_1094] {strides = array<i32>} : memref<4x32x16xf32, #tpu.memory_space<vmem>>, vector<16xf32>,
    %min3A_1096 = arith.minimumf %min3A_1060, %get3A_1095 : vector<16xf32>
    %get3A_1097 = arith.constant 1 : i32
    %get3A_1098 = arith.constant 30 : i32
    %get3A_1099 = arith.index_cast %get3A_1097 : i32 to index
    %get3A_1100 = arith.index_cast %get3A_1098 : i32 to index
    %get3A_1101 = arith.constant 0 : index
    %get3A_1102 = tpu.vector_load %arg13[%get3A_1099, %get3A_1100, %get3A_1101] {strides = array<i32>} : memref<4x32x16xf32, #tpu.memory_space<vmem>>, vector<16xf32>,
    %max3A_1103 = arith.maximumf %max3A_1067, %get3A_1102 : vector<16xf32>
    %get3A_1104 = arith.constant 2 : i32
    %get3A_1105 = arith.constant 30 : i32
    %get3A_1106 = arith.index_cast %get3A_1104 : i32 to index
    %get3A_1107 = arith.index_cast %get3A_1105 : i32 to index
    %get3A_1108 = arith.constant 0 : index
    %get3A_1109 = tpu.vector_load %arg13[%get3A_1106, %get3A_1107, %get3A_1108] {strides = array<i32>} : memref<4x32x16xf32, #tpu.memory_space<vmem>>, vector<16xf32>,
    %sub3A_1110 = arith.subf %get3A_1109, %sub3A_1077 : vector<16xf32>
    %add3A_1111 = arith.addf %add3A_1075, %sub3A_1110 : vector<16xf32>
    %sub3A_1112 = arith.subf %add3A_1111, %add3A_1075 : vector<16xf32>
    %sub3A_1113 = arith.subf %sub3A_1112, %sub3A_1110 : vector<16xf32>
    %get3A_1114 = arith.constant 3 : i32
    %get3A_1115 = arith.constant 30 : i32
    %get3A_1116 = arith.index_cast %get3A_1114 : i32 to index
    %get3A_1117 = arith.index_cast %get3A_1115 : i32 to index
    %get3A_1118 = arith.constant 0 : index
    %get3A_1119 = tpu.vector_load %arg13[%get3A_1116, %get3A_1117, %get3A_1118] {strides = array<i32>} : memref<4x32x16xf32, #tpu.memory_space<vmem>>, vector<16xf32>,
    %add3A_1120 = arith.addf %add3A_1084, %get3A_1119 : vector<16xf32>
    %get3A_1121 = arith.constant 30 : i32
    %get3A_1122 = arith.index_cast %get3A_1121 : i32 to index
    %get3A_1123 = arith.constant 0 : index
    %get3A_1124 = tpu.vector_load %arg14[%get3A_1122, %get3A_1123] {strides = array<i32>} : memref<32x16xi32, #tpu.memory_space<vmem>>, vector<16xi32>,
    %add3A_1125 = arith.addi %add3A_1089, %get3A_1124 : vector<16xi32>
    %get3A_1126 = arith.constant 0 : i32
    %get3A_1127 = arith.constant 31 : i32
    %get3A_1128 = arith.index_cast %get3A_1126 : i32 to index
    %get3A_1129 = arith.index_cast %get3A_1127 : i32 to index
    %get3A_1130 = arith.constant 0 : index
    %get3A_1131 = tpu.vector_load %arg13[%get3A_1128, %get3A_1129, %get3A_1130] {strides = array<i32>} : memref<4x32x16xf32, #tpu.memory_space<vmem>>, vector<16xf32>,
    %min3A_1132 = arith.minimumf %min3A_1096, %get3A_1131 : vector<16xf32>
    %get3A_1133 = arith.constant 1 : i32
    %get3A_1134 = arith.constant 31 : i32
    %get3A_1135 = arith.index_cast %get3A_1133 : i32 to index
    %get3A_1136 = arith.index_cast %get3A_1134 : i32 to index
    %get3A_1137 = arith.constant 0 : index
    %get3A_1138 = tpu.vector_load %arg13[%get3A_1135, %get3A_1136, %get3A_1137] {strides = array<i32>} : memref<4x32x16xf32, #tpu.memory_space<vmem>>, vector<16xf32>,
    %max3A_1139 = arith.maximumf %max3A_1103, %get3A_1138 : vector<16xf32>
    %get3A_1140 = arith.constant 2 : i32
    %get3A_1141 = arith.constant 31 : i32
    %get3A_1142 = arith.index_cast %get3A_1140 : i32 to index
    %get3A_1143 = arith.index_cast %get3A_1141 : i32 to index
    %get3A_1144 = arith.constant 0 : index
    %get3A_1145 = tpu.vector_load %arg13[%get3A_1142, %get3A_1143, %get3A_1144] {strides = array<i32>} : memref<4x32x16xf32, #tpu.memory_space<vmem>>, vector<16xf32>,
    %sub3A_1146 = arith.subf %get3A_1145, %sub3A_1113 : vector<16xf32>
    %add3A_1147 = arith.addf %add3A_1111, %sub3A_1146 : vector<16xf32>
    %sub3A_1148 = arith.subf %add3A_1147, %add3A_1111 : vector<16xf32>
    %sub3A_1149 = arith.subf %sub3A_1148, %sub3A_1146 : vector<16xf32>
    %get3A_1150 = arith.constant 3 : i32
    %get3A_1151 = arith.constant 31 : i32
    %get3A_1152 = arith.index_cast %get3A_1150 : i32 to index
    %get3A_1153 = arith.index_cast %get3A_1151 : i32 to index
    %get3A_1154 = arith.constant 0 : index
    %get3A_1155 = tpu.vector_load %arg13[%get3A_1152, %get3A_1153, %get3A_1154] {strides = array<i32>} : memref<4x32x16xf32, #tpu.memory_space<vmem>>, vector<16xf32>,
    %add3A_1156 = arith.addf %add3A_1120, %get3A_1155 : vector<16xf32>
    %get3A_1157 = arith.constant 31 : i32
    %get3A_1158 = arith.index_cast %get3A_1157 : i32 to index
    %get3A_1159 = arith.constant 0 : index
    %get3A_1160 = tpu.vector_load %arg14[%get3A_1158, %get3A_1159] {strides = array<i32>} : memref<32x16xi32, #tpu.memory_space<vmem>>, vector<16xi32>,
    %add3A_1161 = arith.addi %add3A_1125, %get3A_1160 : vector<16xi32>
    %reduce_min3A = arith.constant true
    %reduce_min3A_1162 = vector.broadcast %reduce_min3A : i1 to vector<16xi1>
    %reduce_min3A_1163 = tpu.scan <min>, %min3A_1132 masked %reduce_min3A_1162 : vector<16xf32>, vector<16xi1> -> vector<16xf32>
    %reduce_min3A_1164 = vector.extract %reduce_min3A_1163[15] : f32 from vector<16xf32>
    %reduce_max3A = arith.constant true
    %reduce_max3A_1165 = vector.broadcast %reduce_max3A : i1 to vector<16xi1>
    %reduce_max3A_1166 = tpu.scan <max>, %max3A_1139 masked %reduce_max3A_1165 : vector<16xf32>, vector<16xi1> -> vector<16xf32>
    %reduce_max3A_1167 = vector.extract %reduce_max3A_1166[15] : f32 from vector<16xf32>
    %reduce_sum3A = arith.constant true
    %reduce_sum3A_1168 = vector.broadcast %reduce_sum3A : i1 to vector<16xi1>
    %reduce_sum3A_1169 = tpu.scan <sum>, %add3A_1147 masked %reduce_sum3A_1168 : vector<16xf32>, vector<16xi1> -> vector<16xf32>
    %reduce_sum3A_1170 = vector.extract %reduce_sum3A_1169[15] : f32 from vector<16xf32>
    %reduce_sum3A_1171 = arith.constant true
    %reduce_sum3A_1172 = vector.broadcast %reduce_sum3A_1171 : i1 to vector<16xi1>
    %reduce_sum3A_1173 = tpu.scan <sum>, %add3A_1156 masked %reduce_sum3A_1172 : vector<16xf32>, vector<16xi1> -> vector<16xf32>
    %reduce_sum3A_1174 = vector.extract %reduce_sum3A_1173[15] : f32 from vector<16xf32>
    %reduce_sum3A_1175 = arith.constant true
    %reduce_sum3A_1176 = vector.broadcast %reduce_sum3A_1175 : i1 to vector<16xi1>
    %reduce_sum3A_1177 = tpu.scan <sum>, %add3A_1161 masked %reduce_sum3A_1176 : vector<16xi32>, vector<16xi1> -> vector<16xi32>
    %reduce_sum3A_1178 = vector.extract %reduce_sum3A_1177[15] : i32 from vector<16xi32>
    %sub3A_1179 = arith.subf %reduce_max3A_1167, %reduce_min3A_1164 : f32
    %eq3A = arith.constant 0.000000e+00 : f32
    %eq3A_1180 = arith.cmpf oeq, %sub3A_1179, %eq3A : f32
    %sub3A_1181 = arith.constant 5.000000e-01 : f32
    %sub3A_1182 = arith.subf %reduce_min3A_1164, %sub3A_1181 : f32
    %select_n3A = arith.select %eq3A_1180, %sub3A_1182, %reduce_min3A_1164 : f32
    %add3A_1183 = arith.constant 5.000000e-01 : f32
    %add3A_1184 = arith.addf %reduce_max3A_1167, %add3A_1183 : f32
    %select_n3A_1185 = arith.select %eq3A_1180, %add3A_1184, %reduce_max3A_1167 : f32
    %broadcast_in_dim3A_1186 = vector.broadcast %select_n3A : f32 to vector<16xf32>
    %sub3A_1187 = arith.subf %select_n3A_1185, %select_n3A : f32
    %broadcast_in_dim3A_1188 = vector.broadcast %sub3A_1187 : f32 to vector<16xf32>
    %div3A = arith.constant 3.100000e+01 : f32
    %div3A_1189 = vector.broadcast %div3A : f32 to vector<16xf32>
    %div3A_1190 = arith.divf %broadcast_in_dim3A_1188, %div3A_1189 : vector<16xf32>
    %div3A_1191 = arith.constant 3.100000e+01 : f32
    %div3A_1192 = vector.broadcast %div3A_1191 : f32 to vector<16xf32>
    %div3A_1193 = arith.divf %div3A_1192, %broadcast_in_dim3A_1188 : vector<16xf32>
    %iota3A = tpu.iota {dimensions = array<i32: 0>} : vector<16xi32>
    %eq3A_1194 = arith.constant 0 : i32
    %eq3A_1195 = arith.cmpi eq, %add3A, %eq3A_1194 : i32
    %convert_element_type3A = arith.extui %eq3A_1195 : i1 to i32
    %cond3A = arith.constant 0 : i32
    %cond3A_1196 = arith.cmpi ne, %convert_element_type3A, %cond3A : i32
    scf.if %cond3A_1196 {
      %convert_element_type3A_1346 = arith.sitofp %iota3A : vector<16xi32> to vector<16xf32>
      %mul3A_1347 = arith.mulf %convert_element_type3A_1346, %div3A_1190 : vector<16xf32>
      %add3A_1348 = arith.addf %broadcast_in_dim3A_1186, %mul3A_1347 : vector<16xf32>
      %swap3A_1349 = arith.constant 0 : index
      %swap3A_1350 = tpu.vector_load %arg16[%swap3A_1349] {strides = array<i32>} : memref<32xf32, #tpu.memory_space<vmem>>, vector<16xf32>,
      tpu.vector_store %arg16[%swap3A_1349], %add3A_1348 {strides = array<i32>} : memref<32xf32, #tpu.memory_space<vmem>>, vector<16xf32>,
      %add3A_1351 = arith.constant 1.600000e+01 : f32
      %add3A_1352 = vector.broadcast %add3A_1351 : f32 to vector<16xf32>
      %add3A_1353 = arith.addf %convert_element_type3A_1346, %add3A_1352 : vector<16xf32>
      %mul3A_1354 = arith.mulf %add3A_1353, %div3A_1190 : vector<16xf32>
      %add3A_1355 = arith.addf %broadcast_in_dim3A_1186, %mul3A_1354 : vector<16xf32>
      %swap3A_1356 = arith.constant 16 : index
      %swap3A_1357 = tpu.vector_load %arg16[%swap3A_1356] {strides = array<i32>} : memref<32xf32, #tpu.memory_space<vmem>>, vector<16xf32>,
      tpu.vector_store %arg16[%swap3A_1356], %add3A_1355 {strides = array<i32>} : memref<32xf32, #tpu.memory_space<vmem>>, vector<16xf32>,
      %eq3A_1358 = arith.constant 0 : i32
      %eq3A_1359 = vector.broadcast %eq3A_1358 : i32 to vector<16xi32>
      %eq3A_1360 = arith.cmpi eq, %iota3A, %eq3A_1359 : vector<16xi32>
      %eq3A_1361 = arith.constant 1 : i32
      %eq3A_1362 = vector.broadcast %eq3A_1361 : i32 to vector<16xi32>
      %eq3A_1363 = arith.cmpi eq, %iota3A, %eq3A_1362 : vector<16xi32>
      %eq3A_1364 = arith.constant 2 : i32
      %eq3A_1365 = vector.broadcast %eq3A_1364 : i32 to vector<16xi32>
      %eq3A_1366 = arith.cmpi eq, %iota3A, %eq3A_1365 : vector<16xi32>
      %eq3A_1367 = arith.constant 3 : i32
      %eq3A_1368 = vector.broadcast %eq3A_1367 : i32 to vector<16xi32>
      %eq3A_1369 = arith.cmpi eq, %iota3A, %eq3A_1368 : vector<16xi32>
      %jit3A = arith.constant 0.000000e+00 : f32
      %broadcast_in_dim3A_1370 = vector.broadcast %reduce_sum3A_1174 : f32 to vector<16xf32>
      %broadcast_in_dim3A_1371 = vector.broadcast %jit3A : f32 to vector<16xf32>
      %select_n3A_1372 = arith.select %eq3A_1369, %broadcast_in_dim3A_1370, %broadcast_in_dim3A_1371 : vector<16xi1>, vector<16xf32>
      %broadcast_in_dim3A_1373 = vector.broadcast %reduce_sum3A_1170 : f32 to vector<16xf32>
      %select_n3A_1374 = arith.select %eq3A_1366, %broadcast_in_dim3A_1373, %select_n3A_1372 : vector<16xi1>, vector<16xf32>
      %broadcast_in_dim3A_1375 = vector.broadcast %reduce_max3A_1167 : f32 to vector<16xf32>
      %select_n3A_1376 = arith.select %eq3A_1363, %broadcast_in_dim3A_1375, %select_n3A_1374 : vector<16xi1>, vector<16xf32>
      %broadcast_in_dim3A_1377 = vector.broadcast %reduce_min3A_1164 : f32 to vector<16xf32>
      %select_n3A_1378 = arith.select %eq3A_1360, %broadcast_in_dim3A_1377, %select_n3A_1376 : vector<16xi1>, vector<16xf32>
      %swap3A_1379 = arith.constant 0 : index
      %swap3A_1380 = tpu.vector_load %arg17[%swap3A_1379] {strides = array<i32>} : memref<16xf32, #tpu.memory_space<vmem>>, vector<16xf32>,
      tpu.vector_store %arg17[%swap3A_1379], %select_n3A_1378 {strides = array<i32>} : memref<16xf32, #tpu.memory_space<vmem>>, vector<16xf32>,
      %eq3A_1381 = arith.constant 0 : i32
      %eq3A_1382 = vector.broadcast %eq3A_1381 : i32 to vector<16xi32>
      %eq3A_1383 = arith.cmpi eq, %iota3A, %eq3A_1382 : vector<16xi32>
      %jit3A_1384 = arith.constant 0 : i32
      %broadcast_in_dim3A_1385 = vector.broadcast %reduce_sum3A_1178 : i32 to vector<16xi32>
      %broadcast_in_dim3A_1386 = vector.broadcast %jit3A_1384 : i32 to vector<16xi32>
      %select_n3A_1387 = arith.select %eq3A_1383, %broadcast_in_dim3A_1385, %broadcast_in_dim3A_1386 : vector<16xi1>, vector<16xi32>
      %swap3A_1388 = arith.constant 0 : index
      %swap3A_1389 = tpu.vector_load %arg18[%swap3A_1388] {strides = array<i32>} : memref<16xi32, #tpu.memory_space<vmem>>, vector<16xi32>,
      %swap3A_1390 = vector.shape_cast %swap3A_1389 : vector<16xi32> to vector<16xi32>
      %swap3A_1391 = vector.shape_cast %select_n3A_1387 : vector<16xi32> to vector<16xi32>
      tpu.vector_store %arg18[%swap3A_1388], %swap3A_1391 {strides = array<i32>} : memref<16xi32, #tpu.memory_space<vmem>>, vector<16xi32>,
      "tpu.region"() ({
        %run_scoped3A_1392 = tpu.sem_alloc : memref<!tpu.dma_semaphore, #tpu.memory_space<semaphore_mem>>
        tpu.enqueue_dma source(%arg16 : memref<32xf32, #tpu.memory_space<vmem>>) target(%arg10 : memref<32xf32, #tpu.memory_space<hbm>>) target_semaphore(%run_scoped3A_1392 : memref<!tpu.dma_semaphore, #tpu.memory_space<semaphore_mem>>)
        tpu.wait_dma2 semaphore(%run_scoped3A_1392 : memref<!tpu.dma_semaphore, #tpu.memory_space<semaphore_mem>>) src(%arg16 : memref<32xf32, #tpu.memory_space<vmem>>) dst(%arg10 : memref<32xf32, #tpu.memory_space<hbm>>)
        tpu.yield
      }) : () -> ()
      "tpu.region"() ({
        %run_scoped3A_1392 = tpu.sem_alloc : memref<!tpu.dma_semaphore, #tpu.memory_space<semaphore_mem>>
        tpu.enqueue_dma source(%arg17 : memref<16xf32, #tpu.memory_space<vmem>>) target(%arg8 : memref<16xf32, #tpu.memory_space<hbm>>) target_semaphore(%run_scoped3A_1392 : memref<!tpu.dma_semaphore, #tpu.memory_space<semaphore_mem>>)
        tpu.wait_dma2 semaphore(%run_scoped3A_1392 : memref<!tpu.dma_semaphore, #tpu.memory_space<semaphore_mem>>) src(%arg17 : memref<16xf32, #tpu.memory_space<vmem>>) dst(%arg8 : memref<16xf32, #tpu.memory_space<hbm>>)
        tpu.yield
      }) : () -> ()
      "tpu.region"() ({
        %run_scoped3A_1392 = tpu.sem_alloc : memref<!tpu.dma_semaphore, #tpu.memory_space<semaphore_mem>>
        tpu.enqueue_dma source(%arg18 : memref<16xi32, #tpu.memory_space<vmem>>) target(%arg9 : memref<16xi32, #tpu.memory_space<hbm>>) target_semaphore(%run_scoped3A_1392 : memref<!tpu.dma_semaphore, #tpu.memory_space<semaphore_mem>>)
        tpu.wait_dma2 semaphore(%run_scoped3A_1392 : memref<!tpu.dma_semaphore, #tpu.memory_space<semaphore_mem>>) src(%arg18 : memref<16xi32, #tpu.memory_space<vmem>>) dst(%arg9 : memref<16xi32, #tpu.memory_space<hbm>>)
        tpu.yield
      }) : () -> ()
    } else {
    }
    %broadcast_in_dim3A_1197 = arith.constant 0 : i32
    %broadcast_in_dim3A_1198 = vector.broadcast %broadcast_in_dim3A_1197 : i32 to vector<16xi32>
    %swap3A = arith.constant 0 : i32
    %swap3A_1199 = arith.index_cast %swap3A : i32 to index
    %swap3A_1200 = arith.constant 0 : index
    %swap3A_1201 = tpu.vector_load %arg15[%swap3A_1199, %swap3A_1200] {strides = array<i32>} : memref<32x16xi32, #tpu.memory_space<vmem>>, vector<16xi32>,
    tpu.vector_store %arg15[%swap3A_1199, %swap3A_1200], %broadcast_in_dim3A_1198 {strides = array<i32>} : memref<32x16xi32, #tpu.memory_space<vmem>>, vector<16xi32>,
    %swap3A_1202 = arith.constant 1 : i32
    %swap3A_1203 = arith.index_cast %swap3A_1202 : i32 to index
    %swap3A_1204 = arith.constant 0 : index
    %swap3A_1205 = tpu.vector_load %arg15[%swap3A_1203, %swap3A_1204] {strides = array<i32>} : memref<32x16xi32, #tpu.memory_space<vmem>>, vector<16xi32>,
    tpu.vector_store %arg15[%swap3A_1203, %swap3A_1204], %broadcast_in_dim3A_1198 {strides = array<i32>} : memref<32x16xi32, #tpu.memory_space<vmem>>, vector<16xi32>,
    %swap3A_1206 = arith.constant 2 : i32
    %swap3A_1207 = arith.index_cast %swap3A_1206 : i32 to index
    %swap3A_1208 = arith.constant 0 : index
    %swap3A_1209 = tpu.vector_load %arg15[%swap3A_1207, %swap3A_1208] {strides = array<i32>} : memref<32x16xi32, #tpu.memory_space<vmem>>, vector<16xi32>,
    tpu.vector_store %arg15[%swap3A_1207, %swap3A_1208], %broadcast_in_dim3A_1198 {strides = array<i32>} : memref<32x16xi32, #tpu.memory_space<vmem>>, vector<16xi32>,
    %swap3A_1210 = arith.constant 3 : i32
    %swap3A_1211 = arith.index_cast %swap3A_1210 : i32 to index
    %swap3A_1212 = arith.constant 0 : index
    %swap3A_1213 = tpu.vector_load %arg15[%swap3A_1211, %swap3A_1212] {strides = array<i32>} : memref<32x16xi32, #tpu.memory_space<vmem>>, vector<16xi32>,
    tpu.vector_store %arg15[%swap3A_1211, %swap3A_1212], %broadcast_in_dim3A_1198 {strides = array<i32>} : memref<32x16xi32, #tpu.memory_space<vmem>>, vector<16xi32>,
    %swap3A_1214 = arith.constant 4 : i32
    %swap3A_1215 = arith.index_cast %swap3A_1214 : i32 to index
    %swap3A_1216 = arith.constant 0 : index
    %swap3A_1217 = tpu.vector_load %arg15[%swap3A_1215, %swap3A_1216] {strides = array<i32>} : memref<32x16xi32, #tpu.memory_space<vmem>>, vector<16xi32>,
    tpu.vector_store %arg15[%swap3A_1215, %swap3A_1216], %broadcast_in_dim3A_1198 {strides = array<i32>} : memref<32x16xi32, #tpu.memory_space<vmem>>, vector<16xi32>,
    %swap3A_1218 = arith.constant 5 : i32
    %swap3A_1219 = arith.index_cast %swap3A_1218 : i32 to index
    %swap3A_1220 = arith.constant 0 : index
    %swap3A_1221 = tpu.vector_load %arg15[%swap3A_1219, %swap3A_1220] {strides = array<i32>} : memref<32x16xi32, #tpu.memory_space<vmem>>, vector<16xi32>,
    tpu.vector_store %arg15[%swap3A_1219, %swap3A_1220], %broadcast_in_dim3A_1198 {strides = array<i32>} : memref<32x16xi32, #tpu.memory_space<vmem>>, vector<16xi32>,
    %swap3A_1222 = arith.constant 6 : i32
    %swap3A_1223 = arith.index_cast %swap3A_1222 : i32 to index
    %swap3A_1224 = arith.constant 0 : index
    %swap3A_1225 = tpu.vector_load %arg15[%swap3A_1223, %swap3A_1224] {strides = array<i32>} : memref<32x16xi32, #tpu.memory_space<vmem>>, vector<16xi32>,
    tpu.vector_store %arg15[%swap3A_1223, %swap3A_1224], %broadcast_in_dim3A_1198 {strides = array<i32>} : memref<32x16xi32, #tpu.memory_space<vmem>>, vector<16xi32>,
    %swap3A_1226 = arith.constant 7 : i32
    %swap3A_1227 = arith.index_cast %swap3A_1226 : i32 to index
    %swap3A_1228 = arith.constant 0 : index
    %swap3A_1229 = tpu.vector_load %arg15[%swap3A_1227, %swap3A_1228] {strides = array<i32>} : memref<32x16xi32, #tpu.memory_space<vmem>>, vector<16xi32>,
    tpu.vector_store %arg15[%swap3A_1227, %swap3A_1228], %broadcast_in_dim3A_1198 {strides = array<i32>} : memref<32x16xi32, #tpu.memory_space<vmem>>, vector<16xi32>,
    %swap3A_1230 = arith.constant 8 : i32
    %swap3A_1231 = arith.index_cast %swap3A_1230 : i32 to index
    %swap3A_1232 = arith.constant 0 : index
    %swap3A_1233 = tpu.vector_load %arg15[%swap3A_1231, %swap3A_1232] {strides = array<i32>} : memref<32x16xi32, #tpu.memory_space<vmem>>, vector<16xi32>,
    tpu.vector_store %arg15[%swap3A_1231, %swap3A_1232], %broadcast_in_dim3A_1198 {strides = array<i32>} : memref<32x16xi32, #tpu.memory_space<vmem>>, vector<16xi32>,
    %swap3A_1234 = arith.constant 9 : i32
    %swap3A_1235 = arith.index_cast %swap3A_1234 : i32 to index
    %swap3A_1236 = arith.constant 0 : index
    %swap3A_1237 = tpu.vector_load %arg15[%swap3A_1235, %swap3A_1236] {strides = array<i32>} : memref<32x16xi32, #tpu.memory_space<vmem>>, vector<16xi32>,
    tpu.vector_store %arg15[%swap3A_1235, %swap3A_1236], %broadcast_in_dim3A_1198 {strides = array<i32>} : memref<32x16xi32, #tpu.memory_space<vmem>>, vector<16xi32>,
    %swap3A_1238 = arith.constant 10 : i32
    %swap3A_1239 = arith.index_cast %swap3A_1238 : i32 to index
    %swap3A_1240 = arith.constant 0 : index
    %swap3A_1241 = tpu.vector_load %arg15[%swap3A_1239, %swap3A_1240] {strides = array<i32>} : memref<32x16xi32, #tpu.memory_space<vmem>>, vector<16xi32>,
    tpu.vector_store %arg15[%swap3A_1239, %swap3A_1240], %broadcast_in_dim3A_1198 {strides = array<i32>} : memref<32x16xi32, #tpu.memory_space<vmem>>, vector<16xi32>,
    %swap3A_1242 = arith.constant 11 : i32
    %swap3A_1243 = arith.index_cast %swap3A_1242 : i32 to index
    %swap3A_1244 = arith.constant 0 : index
    %swap3A_1245 = tpu.vector_load %arg15[%swap3A_1243, %swap3A_1244] {strides = array<i32>} : memref<32x16xi32, #tpu.memory_space<vmem>>, vector<16xi32>,
    tpu.vector_store %arg15[%swap3A_1243, %swap3A_1244], %broadcast_in_dim3A_1198 {strides = array<i32>} : memref<32x16xi32, #tpu.memory_space<vmem>>, vector<16xi32>,
    %swap3A_1246 = arith.constant 12 : i32
    %swap3A_1247 = arith.index_cast %swap3A_1246 : i32 to index
    %swap3A_1248 = arith.constant 0 : index
    %swap3A_1249 = tpu.vector_load %arg15[%swap3A_1247, %swap3A_1248] {strides = array<i32>} : memref<32x16xi32, #tpu.memory_space<vmem>>, vector<16xi32>,
    tpu.vector_store %arg15[%swap3A_1247, %swap3A_1248], %broadcast_in_dim3A_1198 {strides = array<i32>} : memref<32x16xi32, #tpu.memory_space<vmem>>, vector<16xi32>,
    %swap3A_1250 = arith.constant 13 : i32
    %swap3A_1251 = arith.index_cast %swap3A_1250 : i32 to index
    %swap3A_1252 = arith.constant 0 : index
    %swap3A_1253 = tpu.vector_load %arg15[%swap3A_1251, %swap3A_1252] {strides = array<i32>} : memref<32x16xi32, #tpu.memory_space<vmem>>, vector<16xi32>,
    tpu.vector_store %arg15[%swap3A_1251, %swap3A_1252], %broadcast_in_dim3A_1198 {strides = array<i32>} : memref<32x16xi32, #tpu.memory_space<vmem>>, vector<16xi32>,
    %swap3A_1254 = arith.constant 14 : i32
    %swap3A_1255 = arith.index_cast %swap3A_1254 : i32 to index
    %swap3A_1256 = arith.constant 0 : index
    %swap3A_1257 = tpu.vector_load %arg15[%swap3A_1255, %swap3A_1256] {strides = array<i32>} : memref<32x16xi32, #tpu.memory_space<vmem>>, vector<16xi32>,
    tpu.vector_store %arg15[%swap3A_1255, %swap3A_1256], %broadcast_in_dim3A_1198 {strides = array<i32>} : memref<32x16xi32, #tpu.memory_space<vmem>>, vector<16xi32>,
    %swap3A_1258 = arith.constant 15 : i32
    %swap3A_1259 = arith.index_cast %swap3A_1258 : i32 to index
    %swap3A_1260 = arith.constant 0 : index
    %swap3A_1261 = tpu.vector_load %arg15[%swap3A_1259, %swap3A_1260] {strides = array<i32>} : memref<32x16xi32, #tpu.memory_space<vmem>>, vector<16xi32>,
    tpu.vector_store %arg15[%swap3A_1259, %swap3A_1260], %broadcast_in_dim3A_1198 {strides = array<i32>} : memref<32x16xi32, #tpu.memory_space<vmem>>, vector<16xi32>,
    %swap3A_1262 = arith.constant 16 : i32
    %swap3A_1263 = arith.index_cast %swap3A_1262 : i32 to index
    %swap3A_1264 = arith.constant 0 : index
    %swap3A_1265 = tpu.vector_load %arg15[%swap3A_1263, %swap3A_1264] {strides = array<i32>} : memref<32x16xi32, #tpu.memory_space<vmem>>, vector<16xi32>,
    tpu.vector_store %arg15[%swap3A_1263, %swap3A_1264], %broadcast_in_dim3A_1198 {strides = array<i32>} : memref<32x16xi32, #tpu.memory_space<vmem>>, vector<16xi32>,
    %swap3A_1266 = arith.constant 17 : i32
    %swap3A_1267 = arith.index_cast %swap3A_1266 : i32 to index
    %swap3A_1268 = arith.constant 0 : index
    %swap3A_1269 = tpu.vector_load %arg15[%swap3A_1267, %swap3A_1268] {strides = array<i32>} : memref<32x16xi32, #tpu.memory_space<vmem>>, vector<16xi32>,
    tpu.vector_store %arg15[%swap3A_1267, %swap3A_1268], %broadcast_in_dim3A_1198 {strides = array<i32>} : memref<32x16xi32, #tpu.memory_space<vmem>>, vector<16xi32>,
    %swap3A_1270 = arith.constant 18 : i32
    %swap3A_1271 = arith.index_cast %swap3A_1270 : i32 to index
    %swap3A_1272 = arith.constant 0 : index
    %swap3A_1273 = tpu.vector_load %arg15[%swap3A_1271, %swap3A_1272] {strides = array<i32>} : memref<32x16xi32, #tpu.memory_space<vmem>>, vector<16xi32>,
    tpu.vector_store %arg15[%swap3A_1271, %swap3A_1272], %broadcast_in_dim3A_1198 {strides = array<i32>} : memref<32x16xi32, #tpu.memory_space<vmem>>, vector<16xi32>,
    %swap3A_1274 = arith.constant 19 : i32
    %swap3A_1275 = arith.index_cast %swap3A_1274 : i32 to index
    %swap3A_1276 = arith.constant 0 : index
    %swap3A_1277 = tpu.vector_load %arg15[%swap3A_1275, %swap3A_1276] {strides = array<i32>} : memref<32x16xi32, #tpu.memory_space<vmem>>, vector<16xi32>,
    tpu.vector_store %arg15[%swap3A_1275, %swap3A_1276], %broadcast_in_dim3A_1198 {strides = array<i32>} : memref<32x16xi32, #tpu.memory_space<vmem>>, vector<16xi32>,
    %swap3A_1278 = arith.constant 20 : i32
    %swap3A_1279 = arith.index_cast %swap3A_1278 : i32 to index
    %swap3A_1280 = arith.constant 0 : index
    %swap3A_1281 = tpu.vector_load %arg15[%swap3A_1279, %swap3A_1280] {strides = array<i32>} : memref<32x16xi32, #tpu.memory_space<vmem>>, vector<16xi32>,
    tpu.vector_store %arg15[%swap3A_1279, %swap3A_1280], %broadcast_in_dim3A_1198 {strides = array<i32>} : memref<32x16xi32, #tpu.memory_space<vmem>>, vector<16xi32>,
    %swap3A_1282 = arith.constant 21 : i32
    %swap3A_1283 = arith.index_cast %swap3A_1282 : i32 to index
    %swap3A_1284 = arith.constant 0 : index
    %swap3A_1285 = tpu.vector_load %arg15[%swap3A_1283, %swap3A_1284] {strides = array<i32>} : memref<32x16xi32, #tpu.memory_space<vmem>>, vector<16xi32>,
    tpu.vector_store %arg15[%swap3A_1283, %swap3A_1284], %broadcast_in_dim3A_1198 {strides = array<i32>} : memref<32x16xi32, #tpu.memory_space<vmem>>, vector<16xi32>,
    %swap3A_1286 = arith.constant 22 : i32
    %swap3A_1287 = arith.index_cast %swap3A_1286 : i32 to index
    %swap3A_1288 = arith.constant 0 : index
    %swap3A_1289 = tpu.vector_load %arg15[%swap3A_1287, %swap3A_1288] {strides = array<i32>} : memref<32x16xi32, #tpu.memory_space<vmem>>, vector<16xi32>,
    tpu.vector_store %arg15[%swap3A_1287, %swap3A_1288], %broadcast_in_dim3A_1198 {strides = array<i32>} : memref<32x16xi32, #tpu.memory_space<vmem>>, vector<16xi32>,
    %swap3A_1290 = arith.constant 23 : i32
    %swap3A_1291 = arith.index_cast %swap3A_1290 : i32 to index
    %swap3A_1292 = arith.constant 0 : index
    %swap3A_1293 = tpu.vector_load %arg15[%swap3A_1291, %swap3A_1292] {strides = array<i32>} : memref<32x16xi32, #tpu.memory_space<vmem>>, vector<16xi32>,
    tpu.vector_store %arg15[%swap3A_1291, %swap3A_1292], %broadcast_in_dim3A_1198 {strides = array<i32>} : memref<32x16xi32, #tpu.memory_space<vmem>>, vector<16xi32>,
    %swap3A_1294 = arith.constant 24 : i32
    %swap3A_1295 = arith.index_cast %swap3A_1294 : i32 to index
    %swap3A_1296 = arith.constant 0 : index
    %swap3A_1297 = tpu.vector_load %arg15[%swap3A_1295, %swap3A_1296] {strides = array<i32>} : memref<32x16xi32, #tpu.memory_space<vmem>>, vector<16xi32>,
    tpu.vector_store %arg15[%swap3A_1295, %swap3A_1296], %broadcast_in_dim3A_1198 {strides = array<i32>} : memref<32x16xi32, #tpu.memory_space<vmem>>, vector<16xi32>,
    %swap3A_1298 = arith.constant 25 : i32
    %swap3A_1299 = arith.index_cast %swap3A_1298 : i32 to index
    %swap3A_1300 = arith.constant 0 : index
    %swap3A_1301 = tpu.vector_load %arg15[%swap3A_1299, %swap3A_1300] {strides = array<i32>} : memref<32x16xi32, #tpu.memory_space<vmem>>, vector<16xi32>,
    tpu.vector_store %arg15[%swap3A_1299, %swap3A_1300], %broadcast_in_dim3A_1198 {strides = array<i32>} : memref<32x16xi32, #tpu.memory_space<vmem>>, vector<16xi32>,
    %swap3A_1302 = arith.constant 26 : i32
    %swap3A_1303 = arith.index_cast %swap3A_1302 : i32 to index
    %swap3A_1304 = arith.constant 0 : index
    %swap3A_1305 = tpu.vector_load %arg15[%swap3A_1303, %swap3A_1304] {strides = array<i32>} : memref<32x16xi32, #tpu.memory_space<vmem>>, vector<16xi32>,
    tpu.vector_store %arg15[%swap3A_1303, %swap3A_1304], %broadcast_in_dim3A_1198 {strides = array<i32>} : memref<32x16xi32, #tpu.memory_space<vmem>>, vector<16xi32>,
    %swap3A_1306 = arith.constant 27 : i32
    %swap3A_1307 = arith.index_cast %swap3A_1306 : i32 to index
    %swap3A_1308 = arith.constant 0 : index
    %swap3A_1309 = tpu.vector_load %arg15[%swap3A_1307, %swap3A_1308] {strides = array<i32>} : memref<32x16xi32, #tpu.memory_space<vmem>>, vector<16xi32>,
    tpu.vector_store %arg15[%swap3A_1307, %swap3A_1308], %broadcast_in_dim3A_1198 {strides = array<i32>} : memref<32x16xi32, #tpu.memory_space<vmem>>, vector<16xi32>,
    %swap3A_1310 = arith.constant 28 : i32
    %swap3A_1311 = arith.index_cast %swap3A_1310 : i32 to index
    %swap3A_1312 = arith.constant 0 : index
    %swap3A_1313 = tpu.vector_load %arg15[%swap3A_1311, %swap3A_1312] {strides = array<i32>} : memref<32x16xi32, #tpu.memory_space<vmem>>, vector<16xi32>,
    tpu.vector_store %arg15[%swap3A_1311, %swap3A_1312], %broadcast_in_dim3A_1198 {strides = array<i32>} : memref<32x16xi32, #tpu.memory_space<vmem>>, vector<16xi32>,
    %swap3A_1314 = arith.constant 29 : i32
    %swap3A_1315 = arith.index_cast %swap3A_1314 : i32 to index
    %swap3A_1316 = arith.constant 0 : index
    %swap3A_1317 = tpu.vector_load %arg15[%swap3A_1315, %swap3A_1316] {strides = array<i32>} : memref<32x16xi32, #tpu.memory_space<vmem>>, vector<16xi32>,
    tpu.vector_store %arg15[%swap3A_1315, %swap3A_1316], %broadcast_in_dim3A_1198 {strides = array<i32>} : memref<32x16xi32, #tpu.memory_space<vmem>>, vector<16xi32>,
    %swap3A_1318 = arith.constant 30 : i32
    %swap3A_1319 = arith.index_cast %swap3A_1318 : i32 to index
    %swap3A_1320 = arith.constant 0 : index
    %swap3A_1321 = tpu.vector_load %arg15[%swap3A_1319, %swap3A_1320] {strides = array<i32>} : memref<32x16xi32, #tpu.memory_space<vmem>>, vector<16xi32>,
    tpu.vector_store %arg15[%swap3A_1319, %swap3A_1320], %broadcast_in_dim3A_1198 {strides = array<i32>} : memref<32x16xi32, #tpu.memory_space<vmem>>, vector<16xi32>,
    %swap3A_1322 = arith.constant 31 : i32
    %swap3A_1323 = arith.index_cast %swap3A_1322 : i32 to index
    %swap3A_1324 = arith.constant 0 : index
    %swap3A_1325 = tpu.vector_load %arg15[%swap3A_1323, %swap3A_1324] {strides = array<i32>} : memref<32x16xi32, #tpu.memory_space<vmem>>, vector<16xi32>,
    tpu.vector_store %arg15[%swap3A_1323, %swap3A_1324], %broadcast_in_dim3A_1198 {strides = array<i32>} : memref<32x16xi32, #tpu.memory_space<vmem>>, vector<16xi32>,
    %broadcast_in_dim3A_1326 = arith.constant 1 : i32
    %broadcast_in_dim3A_1327 = vector.broadcast %broadcast_in_dim3A_1326 : i32 to vector<16xi32>
    %scan3A = arith.constant 0 : i32
    %scan3A_1328 = arith.constant 0 : i32
    %scan3A_1329 = arith.constant 16 : i32
    %scan3A_1330 = arith.addi %scan3A_1328, %scan3A_1329 : i32
    %scan3A_1331 = arith.constant 1 : i32
    scf.for %scan3A_1346 = %scan3A_1328 to %scan3A_1330 step %scan3A_1331  : i32 {
      %add3A_1347 = arith.constant 0 : i32
      %add3A_1348 = arith.addi %mul3A_2, %add3A_1347 : i32
      %dma_wait3A = arith.constant 0 : i32
      %dma_wait3A_1349 = tpu.memref_slice %arg12[%dma_wait3A] : memref<32768xf32, #tpu.memory_space<vmem>> -> memref<16384xf32, #tpu.memory_space<vmem>>
      %dma_wait3A_1350 = tpu.memref_slice %arg2[%add3A_1348] : memref<16777216xf32, #tpu.memory_space<hbm>> -> memref<16384xf32, #tpu.memory_space<hbm>>
      %dma_wait3A_1351 = arith.constant 0 : i32
      %dma_wait3A_1352 = tpu.memref_slice %arg12[%dma_wait3A_1351] : memref<32768xf32, #tpu.memory_space<vmem>> -> memref<16384xf32, #tpu.memory_space<vmem>>
      %dma_wait3A_1353 = tpu.memref_slice %arg2[%add3A_1348] : memref<16777216xf32, #tpu.memory_space<hbm>> -> memref<16384xf32, #tpu.memory_space<hbm>>
      tpu.wait_dma2 semaphore(%arg19 : memref<!tpu.dma_semaphore, #tpu.memory_space<semaphore_mem>>) src(%dma_wait3A_1353 : memref<16384xf32, #tpu.memory_space<hbm>>) dst(%dma_wait3A_1352 : memref<16384xf32, #tpu.memory_space<vmem>>)
      %scan3A_1354 = arith.constant 0 : i32
      %scan3A_1355 = arith.constant 0 : i32
      %scan3A_1356 = arith.constant 128 : i32
      %scan3A_1357 = arith.addi %scan3A_1355, %scan3A_1356 : i32
      %scan3A_1358 = arith.constant 1 : i32
      scf.for %scan3A_1395 = %scan3A_1355 to %scan3A_1357 step %scan3A_1358  : i32 {
        %mul3A_1396 = arith.constant 8 : i32
        %mul3A_1397 = arith.muli %scan3A_1395, %mul3A_1396 : i32
        %add3A_1398 = arith.constant 0 : i32
        %add3A_1399 = arith.addi %mul3A_1397, %add3A_1398 : i32
        %mul3A_1400 = arith.constant 16 : i32
        %mul3A_1401 = arith.muli %add3A_1399, %mul3A_1400 : i32
        %add3A_1402 = arith.constant 0 : i32
        %add3A_1403 = arith.addi %add3A_1402, %mul3A_1401 : i32
        %get3A_1404 = arith.index_cast %add3A_1403 : i32 to index
        %get3A_1405 = tpu.vector_load %arg12[%get3A_1404] {strides = array<i32>} : memref<32768xf32, #tpu.memory_space<vmem>>, vector<16xf32>,
        %get3A_1406 = vector.shape_cast %get3A_1405 : vector<16xf32> to vector<16xf32>
        %mul3A_1407 = arith.constant 8 : i32
        %mul3A_1408 = arith.muli %scan3A_1395, %mul3A_1407 : i32
        %add3A_1409 = arith.constant 1 : i32
        %add3A_1410 = arith.addi %mul3A_1408, %add3A_1409 : i32
        %mul3A_1411 = arith.constant 16 : i32
        %mul3A_1412 = arith.muli %add3A_1410, %mul3A_1411 : i32
        %add3A_1413 = arith.constant 0 : i32
        %add3A_1414 = arith.addi %add3A_1413, %mul3A_1412 : i32
        %get3A_1415 = arith.index_cast %add3A_1414 : i32 to index
        %get3A_1416 = tpu.vector_load %arg12[%get3A_1415] {strides = array<i32>} : memref<32768xf32, #tpu.memory_space<vmem>>, vector<16xf32>,
        %get3A_1417 = vector.shape_cast %get3A_1416 : vector<16xf32> to vector<16xf32>
        %mul3A_1418 = arith.constant 8 : i32
        %mul3A_1419 = arith.muli %scan3A_1395, %mul3A_1418 : i32
        %add3A_1420 = arith.constant 2 : i32
        %add3A_1421 = arith.addi %mul3A_1419, %add3A_1420 : i32
        %mul3A_1422 = arith.constant 16 : i32
        %mul3A_1423 = arith.muli %add3A_1421, %mul3A_1422 : i32
        %add3A_1424 = arith.constant 0 : i32
        %add3A_1425 = arith.addi %add3A_1424, %mul3A_1423 : i32
        %get3A_1426 = arith.index_cast %add3A_1425 : i32 to index
        %get3A_1427 = tpu.vector_load %arg12[%get3A_1426] {strides = array<i32>} : memref<32768xf32, #tpu.memory_space<vmem>>, vector<16xf32>,
        %get3A_1428 = vector.shape_cast %get3A_1427 : vector<16xf32> to vector<16xf32>
        %mul3A_1429 = arith.constant 8 : i32
        %mul3A_1430 = arith.muli %scan3A_1395, %mul3A_1429 : i32
        %add3A_1431 = arith.constant 3 : i32
        %add3A_1432 = arith.addi %mul3A_1430, %add3A_1431 : i32
        %mul3A_1433 = arith.constant 16 : i32
        %mul3A_1434 = arith.muli %add3A_1432, %mul3A_1433 : i32
        %add3A_1435 = arith.constant 0 : i32
        %add3A_1436 = arith.addi %add3A_1435, %mul3A_1434 : i32
        %get3A_1437 = arith.index_cast %add3A_1436 : i32 to index
        %get3A_1438 = tpu.vector_load %arg12[%get3A_1437] {strides = array<i32>} : memref<32768xf32, #tpu.memory_space<vmem>>, vector<16xf32>,
        %get3A_1439 = vector.shape_cast %get3A_1438 : vector<16xf32> to vector<16xf32>
        %mul3A_1440 = arith.constant 8 : i32
        %mul3A_1441 = arith.muli %scan3A_1395, %mul3A_1440 : i32
        %add3A_1442 = arith.constant 4 : i32
        %add3A_1443 = arith.addi %mul3A_1441, %add3A_1442 : i32
        %mul3A_1444 = arith.constant 16 : i32
        %mul3A_1445 = arith.muli %add3A_1443, %mul3A_1444 : i32
        %add3A_1446 = arith.constant 0 : i32
        %add3A_1447 = arith.addi %add3A_1446, %mul3A_1445 : i32
        %get3A_1448 = arith.index_cast %add3A_1447 : i32 to index
        %get3A_1449 = tpu.vector_load %arg12[%get3A_1448] {strides = array<i32>} : memref<32768xf32, #tpu.memory_space<vmem>>, vector<16xf32>,
        %get3A_1450 = vector.shape_cast %get3A_1449 : vector<16xf32> to vector<16xf32>
        %mul3A_1451 = arith.constant 8 : i32
        %mul3A_1452 = arith.muli %scan3A_1395, %mul3A_1451 : i32
        %add3A_1453 = arith.constant 5 : i32
        %add3A_1454 = arith.addi %mul3A_1452, %add3A_1453 : i32
        %mul3A_1455 = arith.constant 16 : i32
        %mul3A_1456 = arith.muli %add3A_1454, %mul3A_1455 : i32
        %add3A_1457 = arith.constant 0 : i32
        %add3A_1458 = arith.addi %add3A_1457, %mul3A_1456 : i32
        %get3A_1459 = arith.index_cast %add3A_1458 : i32 to index
        %get3A_1460 = tpu.vector_load %arg12[%get3A_1459] {strides = array<i32>} : memref<32768xf32, #tpu.memory_space<vmem>>, vector<16xf32>,
        %get3A_1461 = vector.shape_cast %get3A_1460 : vector<16xf32> to vector<16xf32>
        %mul3A_1462 = arith.constant 8 : i32
        %mul3A_1463 = arith.muli %scan3A_1395, %mul3A_1462 : i32
        %add3A_1464 = arith.constant 6 : i32
        %add3A_1465 = arith.addi %mul3A_1463, %add3A_1464 : i32
        %mul3A_1466 = arith.constant 16 : i32
        %mul3A_1467 = arith.muli %add3A_1465, %mul3A_1466 : i32
        %add3A_1468 = arith.constant 0 : i32
        %add3A_1469 = arith.addi %add3A_1468, %mul3A_1467 : i32
        %get3A_1470 = arith.index_cast %add3A_1469 : i32 to index
        %get3A_1471 = tpu.vector_load %arg12[%get3A_1470] {strides = array<i32>} : memref<32768xf32, #tpu.memory_space<vmem>>, vector<16xf32>,
        %get3A_1472 = vector.shape_cast %get3A_1471 : vector<16xf32> to vector<16xf32>
        %mul3A_1473 = arith.constant 8 : i32
        %mul3A_1474 = arith.muli %scan3A_1395, %mul3A_1473 : i32
        %add3A_1475 = arith.constant 7 : i32
        %add3A_1476 = arith.addi %mul3A_1474, %add3A_1475 : i32
        %mul3A_1477 = arith.constant 16 : i32
        %mul3A_1478 = arith.muli %add3A_1476, %mul3A_1477 : i32
        %add3A_1479 = arith.constant 0 : i32
        %add3A_1480 = arith.addi %add3A_1479, %mul3A_1478 : i32
        %get3A_1481 = arith.index_cast %add3A_1480 : i32 to index
        %get3A_1482 = tpu.vector_load %arg12[%get3A_1481] {strides = array<i32>} : memref<32768xf32, #tpu.memory_space<vmem>>, vector<16xf32>,
        %get3A_1483 = vector.shape_cast %get3A_1482 : vector<16xf32> to vector<16xf32>
        %sub3A_1484 = arith.subf %get3A_1406, %broadcast_in_dim3A_1186 : vector<16xf32>
        %mul3A_1485 = arith.mulf %sub3A_1484, %div3A_1193 : vector<16xf32>
        %convert_element_type3A_1486 = arith.fptosi %mul3A_1485 : vector<16xf32> to vector<16xi32>
        %sub3A_1487 = arith.subf %get3A_1417, %broadcast_in_dim3A_1186 : vector<16xf32>
        %mul3A_1488 = arith.mulf %sub3A_1487, %div3A_1193 : vector<16xf32>
        %convert_element_type3A_1489 = arith.fptosi %mul3A_1488 : vector<16xf32> to vector<16xi32>
        %sub3A_1490 = arith.subf %get3A_1428, %broadcast_in_dim3A_1186 : vector<16xf32>
        %mul3A_1491 = arith.mulf %sub3A_1490, %div3A_1193 : vector<16xf32>
        %convert_element_type3A_1492 = arith.fptosi %mul3A_1491 : vector<16xf32> to vector<16xi32>
        %sub3A_1493 = arith.subf %get3A_1439, %broadcast_in_dim3A_1186 : vector<16xf32>
        %mul3A_1494 = arith.mulf %sub3A_1493, %div3A_1193 : vector<16xf32>
        %convert_element_type3A_1495 = arith.fptosi %mul3A_1494 : vector<16xf32> to vector<16xi32>
        %sub3A_1496 = arith.subf %get3A_1450, %broadcast_in_dim3A_1186 : vector<16xf32>
        %mul3A_1497 = arith.mulf %sub3A_1496, %div3A_1193 : vector<16xf32>
        %convert_element_type3A_1498 = arith.fptosi %mul3A_1497 : vector<16xf32> to vector<16xi32>
        %sub3A_1499 = arith.subf %get3A_1461, %broadcast_in_dim3A_1186 : vector<16xf32>
        %mul3A_1500 = arith.mulf %sub3A_1499, %div3A_1193 : vector<16xf32>
        %convert_element_type3A_1501 = arith.fptosi %mul3A_1500 : vector<16xf32> to vector<16xi32>
        %sub3A_1502 = arith.subf %get3A_1472, %broadcast_in_dim3A_1186 : vector<16xf32>
        %mul3A_1503 = arith.mulf %sub3A_1502, %div3A_1193 : vector<16xf32>
        %convert_element_type3A_1504 = arith.fptosi %mul3A_1503 : vector<16xf32> to vector<16xi32>
        %sub3A_1505 = arith.subf %get3A_1483, %broadcast_in_dim3A_1186 : vector<16xf32>
        %mul3A_1506 = arith.mulf %sub3A_1505, %div3A_1193 : vector<16xf32>
        %convert_element_type3A_1507 = arith.fptosi %mul3A_1506 : vector<16xf32> to vector<16xi32>
        tpu.vector_store_idx %arg15[%convert_element_type3A_1486, %iota3A], %broadcast_in_dim3A_1327 {add = true} : memref<32x16xi32, #tpu.memory_space<vmem>>[vector<16xi32>, vector<16xi32>], vector<16xi32>,
        tpu.vector_store_idx %arg15[%convert_element_type3A_1489, %iota3A], %broadcast_in_dim3A_1327 {add = true} : memref<32x16xi32, #tpu.memory_space<vmem>>[vector<16xi32>, vector<16xi32>], vector<16xi32>,
        tpu.vector_store_idx %arg15[%convert_element_type3A_1492, %iota3A], %broadcast_in_dim3A_1327 {add = true} : memref<32x16xi32, #tpu.memory_space<vmem>>[vector<16xi32>, vector<16xi32>], vector<16xi32>,
        tpu.vector_store_idx %arg15[%convert_element_type3A_1495, %iota3A], %broadcast_in_dim3A_1327 {add = true} : memref<32x16xi32, #tpu.memory_space<vmem>>[vector<16xi32>, vector<16xi32>], vector<16xi32>,
        tpu.vector_store_idx %arg15[%convert_element_type3A_1498, %iota3A], %broadcast_in_dim3A_1327 {add = true} : memref<32x16xi32, #tpu.memory_space<vmem>>[vector<16xi32>, vector<16xi32>], vector<16xi32>,
        tpu.vector_store_idx %arg15[%convert_element_type3A_1501, %iota3A], %broadcast_in_dim3A_1327 {add = true} : memref<32x16xi32, #tpu.memory_space<vmem>>[vector<16xi32>, vector<16xi32>], vector<16xi32>,
        tpu.vector_store_idx %arg15[%convert_element_type3A_1504, %iota3A], %broadcast_in_dim3A_1327 {add = true} : memref<32x16xi32, #tpu.memory_space<vmem>>[vector<16xi32>, vector<16xi32>], vector<16xi32>,
        tpu.vector_store_idx %arg15[%convert_element_type3A_1507, %iota3A], %broadcast_in_dim3A_1327 {add = true} : memref<32x16xi32, #tpu.memory_space<vmem>>[vector<16xi32>, vector<16xi32>], vector<16xi32>,
      }
      %scan3A_1359 = arith.constant 128 : i32
      %mul3A_1360 = arith.constant 2 : i32
      %mul3A_1361 = arith.muli %mul3A_1360, %scan3A_1346 : i32
      %add3A_1362 = arith.constant 0 : i32
      %add3A_1363 = arith.addi %mul3A_1361, %add3A_1362 : i32
      %add3A_1364 = arith.constant 2 : i32
      %add3A_1365 = arith.addi %add3A_1363, %add3A_1364 : i32
      %lt3A = arith.constant 32 : i32
      %lt3A_1366 = arith.cmpi slt, %add3A_1365, %lt3A : i32
      %convert_element_type3A_1367 = arith.extui %lt3A_1366 : i1 to i32
      %cond3A_1368 = arith.constant 0 : i32
      %cond3A_1369 = arith.cmpi ne, %convert_element_type3A_1367, %cond3A_1368 : i32
      scf.if %cond3A_1369 {
        %mul3A_1395 = arith.constant 16384 : i32
        %mul3A_1396 = arith.muli %add3A_1365, %mul3A_1395 : i32
        %add3A_1397 = arith.addi %mul3A_2, %mul3A_1396 : i32
        %dma_start3A_1398 = arith.constant 0 : i32
        %dma_start3A_1399 = tpu.memref_slice %arg12[%dma_start3A_1398] : memref<32768xf32, #tpu.memory_space<vmem>> -> memref<16384xf32, #tpu.memory_space<vmem>>
        %dma_start3A_1400 = tpu.memref_slice %arg2[%add3A_1397] : memref<16777216xf32, #tpu.memory_space<hbm>> -> memref<16384xf32, #tpu.memory_space<hbm>>
        %dma_start3A_1401 = arith.constant 0 : i32
        %dma_start3A_1402 = tpu.memref_slice %arg12[%dma_start3A_1401] : memref<32768xf32, #tpu.memory_space<vmem>> -> memref<16384xf32, #tpu.memory_space<vmem>>
        %dma_start3A_1403 = tpu.memref_slice %arg2[%add3A_1397] : memref<16777216xf32, #tpu.memory_space<hbm>> -> memref<16384xf32, #tpu.memory_space<hbm>>
        tpu.enqueue_dma source(%dma_start3A_1403 : memref<16384xf32, #tpu.memory_space<hbm>>) target(%dma_start3A_1402 : memref<16384xf32, #tpu.memory_space<vmem>>) target_semaphore(%arg19 : memref<!tpu.dma_semaphore, #tpu.memory_space<semaphore_mem>>)
      } else {
      }
      %add3A_1370 = arith.constant 0 : i32
      %add3A_1371 = arith.addi %mul3A_2, %add3A_1370 : i32
      %dma_wait3A_1372 = arith.constant 16384 : i32
      %dma_wait3A_1373 = tpu.memref_slice %arg12[%dma_wait3A_1372] : memref<32768xf32, #tpu.memory_space<vmem>> -> memref<16384xf32, #tpu.memory_space<vmem>>
      %dma_wait3A_1374 = tpu.memref_slice %arg2[%add3A_1371] : memref<16777216xf32, #tpu.memory_space<hbm>> -> memref<16384xf32, #tpu.memory_space<hbm>>
      %dma_wait3A_1375 = arith.constant 16384 : i32
      %dma_wait3A_1376 = tpu.memref_slice %arg12[%dma_wait3A_1375] : memref<32768xf32, #tpu.memory_space<vmem>> -> memref<16384xf32, #tpu.memory_space<vmem>>
      %dma_wait3A_1377 = tpu.memref_slice %arg2[%add3A_1371] : memref<16777216xf32, #tpu.memory_space<hbm>> -> memref<16384xf32, #tpu.memory_space<hbm>>
      tpu.wait_dma2 semaphore(%arg20 : memref<!tpu.dma_semaphore, #tpu.memory_space<semaphore_mem>>) src(%dma_wait3A_1377 : memref<16384xf32, #tpu.memory_space<hbm>>) dst(%dma_wait3A_1376 : memref<16384xf32, #tpu.memory_space<vmem>>)
      %scan3A_1378 = arith.constant 0 : i32
      %scan3A_1379 = arith.constant 0 : i32
      %scan3A_1380 = arith.constant 128 : i32
      %scan3A_1381 = arith.addi %scan3A_1379, %scan3A_1380 : i32
      %scan3A_1382 = arith.constant 1 : i32
      scf.for %scan3A_1395 = %scan3A_1379 to %scan3A_1381 step %scan3A_1382  : i32 {
        %mul3A_1396 = arith.constant 8 : i32
        %mul3A_1397 = arith.muli %scan3A_1395, %mul3A_1396 : i32
        %add3A_1398 = arith.constant 0 : i32
        %add3A_1399 = arith.addi %mul3A_1397, %add3A_1398 : i32
        %mul3A_1400 = arith.constant 16 : i32
        %mul3A_1401 = arith.muli %add3A_1399, %mul3A_1400 : i32
        %add3A_1402 = arith.constant 16384 : i32
        %add3A_1403 = arith.addi %add3A_1402, %mul3A_1401 : i32
        %get3A_1404 = arith.index_cast %add3A_1403 : i32 to index
        %get3A_1405 = tpu.vector_load %arg12[%get3A_1404] {strides = array<i32>} : memref<32768xf32, #tpu.memory_space<vmem>>, vector<16xf32>,
        %get3A_1406 = vector.shape_cast %get3A_1405 : vector<16xf32> to vector<16xf32>
        %mul3A_1407 = arith.constant 8 : i32
        %mul3A_1408 = arith.muli %scan3A_1395, %mul3A_1407 : i32
        %add3A_1409 = arith.constant 1 : i32
        %add3A_1410 = arith.addi %mul3A_1408, %add3A_1409 : i32
        %mul3A_1411 = arith.constant 16 : i32
        %mul3A_1412 = arith.muli %add3A_1410, %mul3A_1411 : i32
        %add3A_1413 = arith.constant 16384 : i32
        %add3A_1414 = arith.addi %add3A_1413, %mul3A_1412 : i32
        %get3A_1415 = arith.index_cast %add3A_1414 : i32 to index
        %get3A_1416 = tpu.vector_load %arg12[%get3A_1415] {strides = array<i32>} : memref<32768xf32, #tpu.memory_space<vmem>>, vector<16xf32>,
        %get3A_1417 = vector.shape_cast %get3A_1416 : vector<16xf32> to vector<16xf32>
        %mul3A_1418 = arith.constant 8 : i32
        %mul3A_1419 = arith.muli %scan3A_1395, %mul3A_1418 : i32
        %add3A_1420 = arith.constant 2 : i32
        %add3A_1421 = arith.addi %mul3A_1419, %add3A_1420 : i32
        %mul3A_1422 = arith.constant 16 : i32
        %mul3A_1423 = arith.muli %add3A_1421, %mul3A_1422 : i32
        %add3A_1424 = arith.constant 16384 : i32
        %add3A_1425 = arith.addi %add3A_1424, %mul3A_1423 : i32
        %get3A_1426 = arith.index_cast %add3A_1425 : i32 to index
        %get3A_1427 = tpu.vector_load %arg12[%get3A_1426] {strides = array<i32>} : memref<32768xf32, #tpu.memory_space<vmem>>, vector<16xf32>,
        %get3A_1428 = vector.shape_cast %get3A_1427 : vector<16xf32> to vector<16xf32>
        %mul3A_1429 = arith.constant 8 : i32
        %mul3A_1430 = arith.muli %scan3A_1395, %mul3A_1429 : i32
        %add3A_1431 = arith.constant 3 : i32
        %add3A_1432 = arith.addi %mul3A_1430, %add3A_1431 : i32
        %mul3A_1433 = arith.constant 16 : i32
        %mul3A_1434 = arith.muli %add3A_1432, %mul3A_1433 : i32
        %add3A_1435 = arith.constant 16384 : i32
        %add3A_1436 = arith.addi %add3A_1435, %mul3A_1434 : i32
        %get3A_1437 = arith.index_cast %add3A_1436 : i32 to index
        %get3A_1438 = tpu.vector_load %arg12[%get3A_1437] {strides = array<i32>} : memref<32768xf32, #tpu.memory_space<vmem>>, vector<16xf32>,
        %get3A_1439 = vector.shape_cast %get3A_1438 : vector<16xf32> to vector<16xf32>
        %mul3A_1440 = arith.constant 8 : i32
        %mul3A_1441 = arith.muli %scan3A_1395, %mul3A_1440 : i32
        %add3A_1442 = arith.constant 4 : i32
        %add3A_1443 = arith.addi %mul3A_1441, %add3A_1442 : i32
        %mul3A_1444 = arith.constant 16 : i32
        %mul3A_1445 = arith.muli %add3A_1443, %mul3A_1444 : i32
        %add3A_1446 = arith.constant 16384 : i32
        %add3A_1447 = arith.addi %add3A_1446, %mul3A_1445 : i32
        %get3A_1448 = arith.index_cast %add3A_1447 : i32 to index
        %get3A_1449 = tpu.vector_load %arg12[%get3A_1448] {strides = array<i32>} : memref<32768xf32, #tpu.memory_space<vmem>>, vector<16xf32>,
        %get3A_1450 = vector.shape_cast %get3A_1449 : vector<16xf32> to vector<16xf32>
        %mul3A_1451 = arith.constant 8 : i32
        %mul3A_1452 = arith.muli %scan3A_1395, %mul3A_1451 : i32
        %add3A_1453 = arith.constant 5 : i32
        %add3A_1454 = arith.addi %mul3A_1452, %add3A_1453 : i32
        %mul3A_1455 = arith.constant 16 : i32
        %mul3A_1456 = arith.muli %add3A_1454, %mul3A_1455 : i32
        %add3A_1457 = arith.constant 16384 : i32
        %add3A_1458 = arith.addi %add3A_1457, %mul3A_1456 : i32
        %get3A_1459 = arith.index_cast %add3A_1458 : i32 to index
        %get3A_1460 = tpu.vector_load %arg12[%get3A_1459] {strides = array<i32>} : memref<32768xf32, #tpu.memory_space<vmem>>, vector<16xf32>,
        %get3A_1461 = vector.shape_cast %get3A_1460 : vector<16xf32> to vector<16xf32>
        %mul3A_1462 = arith.constant 8 : i32
        %mul3A_1463 = arith.muli %scan3A_1395, %mul3A_1462 : i32
        %add3A_1464 = arith.constant 6 : i32
        %add3A_1465 = arith.addi %mul3A_1463, %add3A_1464 : i32
        %mul3A_1466 = arith.constant 16 : i32
        %mul3A_1467 = arith.muli %add3A_1465, %mul3A_1466 : i32
        %add3A_1468 = arith.constant 16384 : i32
        %add3A_1469 = arith.addi %add3A_1468, %mul3A_1467 : i32
        %get3A_1470 = arith.index_cast %add3A_1469 : i32 to index
        %get3A_1471 = tpu.vector_load %arg12[%get3A_1470] {strides = array<i32>} : memref<32768xf32, #tpu.memory_space<vmem>>, vector<16xf32>,
        %get3A_1472 = vector.shape_cast %get3A_1471 : vector<16xf32> to vector<16xf32>
        %mul3A_1473 = arith.constant 8 : i32
        %mul3A_1474 = arith.muli %scan3A_1395, %mul3A_1473 : i32
        %add3A_1475 = arith.constant 7 : i32
        %add3A_1476 = arith.addi %mul3A_1474, %add3A_1475 : i32
        %mul3A_1477 = arith.constant 16 : i32
        %mul3A_1478 = arith.muli %add3A_1476, %mul3A_1477 : i32
        %add3A_1479 = arith.constant 16384 : i32
        %add3A_1480 = arith.addi %add3A_1479, %mul3A_1478 : i32
        %get3A_1481 = arith.index_cast %add3A_1480 : i32 to index
        %get3A_1482 = tpu.vector_load %arg12[%get3A_1481] {strides = array<i32>} : memref<32768xf32, #tpu.memory_space<vmem>>, vector<16xf32>,
        %get3A_1483 = vector.shape_cast %get3A_1482 : vector<16xf32> to vector<16xf32>
        %sub3A_1484 = arith.subf %get3A_1406, %broadcast_in_dim3A_1186 : vector<16xf32>
        %mul3A_1485 = arith.mulf %sub3A_1484, %div3A_1193 : vector<16xf32>
        %convert_element_type3A_1486 = arith.fptosi %mul3A_1485 : vector<16xf32> to vector<16xi32>
        %sub3A_1487 = arith.subf %get3A_1417, %broadcast_in_dim3A_1186 : vector<16xf32>
        %mul3A_1488 = arith.mulf %sub3A_1487, %div3A_1193 : vector<16xf32>
        %convert_element_type3A_1489 = arith.fptosi %mul3A_1488 : vector<16xf32> to vector<16xi32>
        %sub3A_1490 = arith.subf %get3A_1428, %broadcast_in_dim3A_1186 : vector<16xf32>
        %mul3A_1491 = arith.mulf %sub3A_1490, %div3A_1193 : vector<16xf32>
        %convert_element_type3A_1492 = arith.fptosi %mul3A_1491 : vector<16xf32> to vector<16xi32>
        %sub3A_1493 = arith.subf %get3A_1439, %broadcast_in_dim3A_1186 : vector<16xf32>
        %mul3A_1494 = arith.mulf %sub3A_1493, %div3A_1193 : vector<16xf32>
        %convert_element_type3A_1495 = arith.fptosi %mul3A_1494 : vector<16xf32> to vector<16xi32>
        %sub3A_1496 = arith.subf %get3A_1450, %broadcast_in_dim3A_1186 : vector<16xf32>
        %mul3A_1497 = arith.mulf %sub3A_1496, %div3A_1193 : vector<16xf32>
        %convert_element_type3A_1498 = arith.fptosi %mul3A_1497 : vector<16xf32> to vector<16xi32>
        %sub3A_1499 = arith.subf %get3A_1461, %broadcast_in_dim3A_1186 : vector<16xf32>
        %mul3A_1500 = arith.mulf %sub3A_1499, %div3A_1193 : vector<16xf32>
        %convert_element_type3A_1501 = arith.fptosi %mul3A_1500 : vector<16xf32> to vector<16xi32>
        %sub3A_1502 = arith.subf %get3A_1472, %broadcast_in_dim3A_1186 : vector<16xf32>
        %mul3A_1503 = arith.mulf %sub3A_1502, %div3A_1193 : vector<16xf32>
        %convert_element_type3A_1504 = arith.fptosi %mul3A_1503 : vector<16xf32> to vector<16xi32>
        %sub3A_1505 = arith.subf %get3A_1483, %broadcast_in_dim3A_1186 : vector<16xf32>
        %mul3A_1506 = arith.mulf %sub3A_1505, %div3A_1193 : vector<16xf32>
        %convert_element_type3A_1507 = arith.fptosi %mul3A_1506 : vector<16xf32> to vector<16xi32>
        tpu.vector_store_idx %arg15[%convert_element_type3A_1486, %iota3A], %broadcast_in_dim3A_1327 {add = true} : memref<32x16xi32, #tpu.memory_space<vmem>>[vector<16xi32>, vector<16xi32>], vector<16xi32>,
        tpu.vector_store_idx %arg15[%convert_element_type3A_1489, %iota3A], %broadcast_in_dim3A_1327 {add = true} : memref<32x16xi32, #tpu.memory_space<vmem>>[vector<16xi32>, vector<16xi32>], vector<16xi32>,
        tpu.vector_store_idx %arg15[%convert_element_type3A_1492, %iota3A], %broadcast_in_dim3A_1327 {add = true} : memref<32x16xi32, #tpu.memory_space<vmem>>[vector<16xi32>, vector<16xi32>], vector<16xi32>,
        tpu.vector_store_idx %arg15[%convert_element_type3A_1495, %iota3A], %broadcast_in_dim3A_1327 {add = true} : memref<32x16xi32, #tpu.memory_space<vmem>>[vector<16xi32>, vector<16xi32>], vector<16xi32>,
        tpu.vector_store_idx %arg15[%convert_element_type3A_1498, %iota3A], %broadcast_in_dim3A_1327 {add = true} : memref<32x16xi32, #tpu.memory_space<vmem>>[vector<16xi32>, vector<16xi32>], vector<16xi32>,
        tpu.vector_store_idx %arg15[%convert_element_type3A_1501, %iota3A], %broadcast_in_dim3A_1327 {add = true} : memref<32x16xi32, #tpu.memory_space<vmem>>[vector<16xi32>, vector<16xi32>], vector<16xi32>,
        tpu.vector_store_idx %arg15[%convert_element_type3A_1504, %iota3A], %broadcast_in_dim3A_1327 {add = true} : memref<32x16xi32, #tpu.memory_space<vmem>>[vector<16xi32>, vector<16xi32>], vector<16xi32>,
        tpu.vector_store_idx %arg15[%convert_element_type3A_1507, %iota3A], %broadcast_in_dim3A_1327 {add = true} : memref<32x16xi32, #tpu.memory_space<vmem>>[vector<16xi32>, vector<16xi32>], vector<16xi32>,
      }
      %scan3A_1383 = arith.constant 128 : i32
      %mul3A_1384 = arith.constant 2 : i32
      %mul3A_1385 = arith.muli %mul3A_1384, %scan3A_1346 : i32
      %add3A_1386 = arith.constant 1 : i32
      %add3A_1387 = arith.addi %mul3A_1385, %add3A_1386 : i32
      %add3A_1388 = arith.constant 2 : i32
      %add3A_1389 = arith.addi %add3A_1387, %add3A_1388 : i32
      %lt3A_1390 = arith.constant 32 : i32
      %lt3A_1391 = arith.cmpi slt, %add3A_1389, %lt3A_1390 : i32
      %convert_element_type3A_1392 = arith.extui %lt3A_1391 : i1 to i32
      %cond3A_1393 = arith.constant 0 : i32
      %cond3A_1394 = arith.cmpi ne, %convert_element_type3A_1392, %cond3A_1393 : i32
      scf.if %cond3A_1394 {
        %mul3A_1395 = arith.constant 16384 : i32
        %mul3A_1396 = arith.muli %add3A_1389, %mul3A_1395 : i32
        %add3A_1397 = arith.addi %mul3A_2, %mul3A_1396 : i32
        %dma_start3A_1398 = arith.constant 16384 : i32
        %dma_start3A_1399 = tpu.memref_slice %arg12[%dma_start3A_1398] : memref<32768xf32, #tpu.memory_space<vmem>> -> memref<16384xf32, #tpu.memory_space<vmem>>
        %dma_start3A_1400 = tpu.memref_slice %arg2[%add3A_1397] : memref<16777216xf32, #tpu.memory_space<hbm>> -> memref<16384xf32, #tpu.memory_space<hbm>>
        %dma_start3A_1401 = arith.constant 16384 : i32
        %dma_start3A_1402 = tpu.memref_slice %arg12[%dma_start3A_1401] : memref<32768xf32, #tpu.memory_space<vmem>> -> memref<16384xf32, #tpu.memory_space<vmem>>
        %dma_start3A_1403 = tpu.memref_slice %arg2[%add3A_1397] : memref<16777216xf32, #tpu.memory_space<hbm>> -> memref<16384xf32, #tpu.memory_space<hbm>>
        tpu.enqueue_dma source(%dma_start3A_1403 : memref<16384xf32, #tpu.memory_space<hbm>>) target(%dma_start3A_1402 : memref<16384xf32, #tpu.memory_space<vmem>>) target_semaphore(%arg20 : memref<!tpu.dma_semaphore, #tpu.memory_space<semaphore_mem>>)
      } else {
      }
    }
    %scan3A_1332 = arith.constant 16 : i32
    %get3A_1333 = arith.constant 30 : i32
    %get3A_1334 = arith.index_cast %get3A_1333 : i32 to index
    %get3A_1335 = arith.constant 0 : index
    %get3A_1336 = tpu.vector_load %arg15[%get3A_1334, %get3A_1335] {strides = array<i32>} : memref<32x16xi32, #tpu.memory_space<vmem>>, vector<16xi32>,
    %get3A_1337 = arith.constant 31 : i32
    %get3A_1338 = arith.index_cast %get3A_1337 : i32 to index
    %get3A_1339 = arith.constant 0 : index
    %get3A_1340 = tpu.vector_load %arg15[%get3A_1338, %get3A_1339] {strides = array<i32>} : memref<32x16xi32, #tpu.memory_space<vmem>>, vector<16xi32>,
    %add3A_1341 = arith.addi %get3A_1336, %get3A_1340 : vector<16xi32>
    %swap3A_1342 = arith.constant 30 : i32
    %swap3A_1343 = arith.index_cast %swap3A_1342 : i32 to index
    %swap3A_1344 = arith.constant 0 : index
    %swap3A_1345 = tpu.vector_load %arg15[%swap3A_1343, %swap3A_1344] {strides = array<i32>} : memref<32x16xi32, #tpu.memory_space<vmem>>, vector<16xi32>,
    tpu.vector_store %arg15[%swap3A_1343, %swap3A_1344], %add3A_1341 {strides = array<i32>} : memref<32x16xi32, #tpu.memory_space<vmem>>, vector<16xi32>,
    "tpu.region"() ({
      %run_scoped3A_1346 = tpu.sem_alloc : memref<!tpu.dma_semaphore, #tpu.memory_space<semaphore_mem>>
      %dma_start3A_1347 = arith.constant 0 : i32
      %dma_start3A_1348 = arith.constant 0 : i32
      %dma_start3A_1349 = tpu.memref_slice %arg15[%dma_start3A_1347, %dma_start3A_1348] : memref<32x16xi32, #tpu.memory_space<vmem>> -> memref<31x16xi32, #tpu.memory_space<vmem>>
      %dma_start3A_1350 = arith.constant 0 : i32
      %dma_start3A_1351 = arith.constant 0 : i32
      %dma_start3A_1352 = tpu.memref_slice %arg11[%add3A, %dma_start3A_1350, %dma_start3A_1351] : memref<32x31x16xi32, #tpu.memory_space<hbm>> -> memref<1x31x16xi32, #tpu.memory_space<hbm>>
      %dma_start3A_1353 = tpu.memref_squeeze %dma_start3A_1352 : memref<1x31x16xi32, #tpu.memory_space<hbm>> -> memref<31x16xi32, #tpu.memory_space<hbm>>
      %dma_start3A_1354 = arith.constant 0 : i32
      %dma_start3A_1355 = arith.constant 0 : i32
      %dma_start3A_1356 = tpu.memref_slice %arg11[%add3A, %dma_start3A_1354, %dma_start3A_1355] : memref<32x31x16xi32, #tpu.memory_space<hbm>> -> memref<1x31x16xi32, #tpu.memory_space<hbm>>
      %dma_start3A_1357 = tpu.memref_squeeze %dma_start3A_1356 : memref<1x31x16xi32, #tpu.memory_space<hbm>> -> memref<31x16xi32, #tpu.memory_space<hbm>>
      %dma_start3A_1358 = arith.constant 0 : i32
      %dma_start3A_1359 = arith.constant 0 : i32
      %dma_start3A_1360 = tpu.memref_slice %arg15[%dma_start3A_1358, %dma_start3A_1359] : memref<32x16xi32, #tpu.memory_space<vmem>> -> memref<31x16xi32, #tpu.memory_space<vmem>>
      tpu.enqueue_dma source(%dma_start3A_1360 : memref<31x16xi32, #tpu.memory_space<vmem>>) target(%dma_start3A_1357 : memref<31x16xi32, #tpu.memory_space<hbm>>) target_semaphore(%run_scoped3A_1346 : memref<!tpu.dma_semaphore, #tpu.memory_space<semaphore_mem>>)
      %dma_wait3A = arith.constant 0 : i32
      %dma_wait3A_1361 = arith.constant 0 : i32
      %dma_wait3A_1362 = tpu.memref_slice %arg15[%dma_wait3A, %dma_wait3A_1361] : memref<32x16xi32, #tpu.memory_space<vmem>> -> memref<31x16xi32, #tpu.memory_space<vmem>>
      %dma_wait3A_1363 = arith.constant 0 : i32
      %dma_wait3A_1364 = arith.constant 0 : i32
      %dma_wait3A_1365 = tpu.memref_slice %arg11[%add3A, %dma_wait3A_1363, %dma_wait3A_1364] : memref<32x31x16xi32, #tpu.memory_space<hbm>> -> memref<1x31x16xi32, #tpu.memory_space<hbm>>
      %dma_wait3A_1366 = tpu.memref_squeeze %dma_wait3A_1365 : memref<1x31x16xi32, #tpu.memory_space<hbm>> -> memref<31x16xi32, #tpu.memory_space<hbm>>
      %dma_wait3A_1367 = arith.constant 0 : i32
      %dma_wait3A_1368 = arith.constant 0 : i32
      %dma_wait3A_1369 = tpu.memref_slice %arg11[%add3A, %dma_wait3A_1367, %dma_wait3A_1368] : memref<32x31x16xi32, #tpu.memory_space<hbm>> -> memref<1x31x16xi32, #tpu.memory_space<hbm>>
      %dma_wait3A_1370 = tpu.memref_squeeze %dma_wait3A_1369 : memref<1x31x16xi32, #tpu.memory_space<hbm>> -> memref<31x16xi32, #tpu.memory_space<hbm>>
      %dma_wait3A_1371 = arith.constant 0 : i32
      %dma_wait3A_1372 = arith.constant 0 : i32
      %dma_wait3A_1373 = tpu.memref_slice %arg15[%dma_wait3A_1371, %dma_wait3A_1372] : memref<32x16xi32, #tpu.memory_space<vmem>> -> memref<31x16xi32, #tpu.memory_space<vmem>>
      tpu.wait_dma2 semaphore(%run_scoped3A_1346 : memref<!tpu.dma_semaphore, #tpu.memory_space<semaphore_mem>>) src(%dma_wait3A_1373 : memref<31x16xi32, #tpu.memory_space<vmem>>) dst(%dma_wait3A_1370 : memref<31x16xi32, #tpu.memory_space<hbm>>)
      tpu.yield
    }) : () -> ()
    return
  }
}

#map = affine_map<(d0, d1) -> (0)>
#map1 = affine_map<(d0, d1) -> (0, 0)>
module attributes {stable_mosaic.version = 14 : i64} {
  func.func @_pass1(%arg0: i32, %arg1: i32, %arg2: memref<16777216xf32, #tpu.memory_space<hbm>>, %arg3: memref<32x16xf32, #tpu.memory_space<hbm>>, %arg4: memref<32x16xf32, #tpu.memory_space<hbm>>, %arg5: memref<32x16xf32, #tpu.memory_space<hbm>>, %arg6: memref<32x16xf32, #tpu.memory_space<hbm>>, %arg7: memref<32x16xi32, #tpu.memory_space<hbm>>, %arg8: memref<32768xf32, #tpu.memory_space<vmem>>, %arg9: memref<64xf32, #tpu.memory_space<vmem>>, %arg10: memref<16xi32, #tpu.memory_space<vmem>>, %arg11: memref<!tpu.dma_semaphore, #tpu.memory_space<semaphore_mem>>, %arg12: memref<!tpu.dma_semaphore, #tpu.memory_space<semaphore_mem>>, %arg13: memref<!tpu.dma_semaphore, #tpu.memory_space<semaphore_mem>>, %arg14: memref<!tpu.dma_semaphore, #tpu.memory_space<semaphore_mem>>) attributes {dimension_semantics = [#tpu.dimension_semantics<core_parallel>, #tpu.dimension_semantics<subcore_parallel>], iteration_bounds = array<i64: 2, 16>, scalar_prefetch = 0 : i64, scratch_operands = 7 : i64, tpu.core_type = #tpu.core_type<sc_vector_subcore>, window_params = [{transform_indices = #map}, {transform_indices = #map1}, {transform_indices = #map1}, {transform_indices = #map1}, {transform_indices = #map1}, {transform_indices = #map1}]} {
    %mul3A = arith.constant 2 : i32
    %mul3A_0 = arith.muli %arg1, %mul3A : i32
    %add3A = arith.addi %mul3A_0, %arg0 : i32
    %mul3A_1 = arith.constant 524288 : i32
    %mul3A_2 = arith.muli %add3A, %mul3A_1 : i32
    %add3A_3 = arith.constant 0 : i32
    %add3A_4 = arith.addi %mul3A_2, %add3A_3 : i32
    %dma_start3A = arith.constant 0 : i32
    %dma_start3A_5 = tpu.memref_slice %arg8[%dma_start3A] : memref<32768xf32, #tpu.memory_space<vmem>> -> memref<16384xf32, #tpu.memory_space<vmem>>
    %dma_start3A_6 = tpu.memref_slice %arg2[%add3A_4] : memref<16777216xf32, #tpu.memory_space<hbm>> -> memref<16384xf32, #tpu.memory_space<hbm>>
    %dma_start3A_7 = arith.constant 0 : i32
    %dma_start3A_8 = tpu.memref_slice %arg8[%dma_start3A_7] : memref<32768xf32, #tpu.memory_space<vmem>> -> memref<16384xf32, #tpu.memory_space<vmem>>
    %dma_start3A_9 = tpu.memref_slice %arg2[%add3A_4] : memref<16777216xf32, #tpu.memory_space<hbm>> -> memref<16384xf32, #tpu.memory_space<hbm>>
    tpu.enqueue_dma source(%dma_start3A_9 : memref<16384xf32, #tpu.memory_space<hbm>>) target(%dma_start3A_8 : memref<16384xf32, #tpu.memory_space<vmem>>) target_semaphore(%arg11 : memref<!tpu.dma_semaphore, #tpu.memory_space<semaphore_mem>>)
    %add3A_10 = arith.constant 16384 : i32
    %add3A_11 = arith.addi %mul3A_2, %add3A_10 : i32
    %dma_start3A_12 = arith.constant 16384 : i32
    %dma_start3A_13 = tpu.memref_slice %arg8[%dma_start3A_12] : memref<32768xf32, #tpu.memory_space<vmem>> -> memref<16384xf32, #tpu.memory_space<vmem>>
    %dma_start3A_14 = tpu.memref_slice %arg2[%add3A_11] : memref<16777216xf32, #tpu.memory_space<hbm>> -> memref<16384xf32, #tpu.memory_space<hbm>>
    %dma_start3A_15 = arith.constant 16384 : i32
    %dma_start3A_16 = tpu.memref_slice %arg8[%dma_start3A_15] : memref<32768xf32, #tpu.memory_space<vmem>> -> memref<16384xf32, #tpu.memory_space<vmem>>
    %dma_start3A_17 = tpu.memref_slice %arg2[%add3A_11] : memref<16777216xf32, #tpu.memory_space<hbm>> -> memref<16384xf32, #tpu.memory_space<hbm>>
    tpu.enqueue_dma source(%dma_start3A_17 : memref<16384xf32, #tpu.memory_space<hbm>>) target(%dma_start3A_16 : memref<16384xf32, #tpu.memory_space<vmem>>) target_semaphore(%arg12 : memref<!tpu.dma_semaphore, #tpu.memory_space<semaphore_mem>>)
    %broadcast_in_dim3A = arith.constant 0.000000e+00 : f32
    %broadcast_in_dim3A_18 = vector.broadcast %broadcast_in_dim3A : f32 to vector<16xf32>
    %broadcast_in_dim3A_19 = arith.constant 0 : i32
    %broadcast_in_dim3A_20 = vector.broadcast %broadcast_in_dim3A_19 : i32 to vector<16xi32>
    %broadcast_in_dim3A_21 = arith.constant 1 : i32
    %broadcast_in_dim3A_22 = vector.broadcast %broadcast_in_dim3A_21 : i32 to vector<16xi32>
    %broadcast_in_dim3A_23 = arith.constant 0x7F800000 : f32
    %broadcast_in_dim3A_24 = vector.broadcast %broadcast_in_dim3A_23 : f32 to vector<16xf32>
    %broadcast_in_dim3A_25 = arith.constant 0xFF800000 : f32
    %broadcast_in_dim3A_26 = vector.broadcast %broadcast_in_dim3A_25 : f32 to vector<16xf32>
    %scan3A = arith.constant 0 : i32
    %scan3A_27 = arith.constant 16 : i32
    %scan3A_28 = arith.addi %scan3A, %scan3A_27 : i32
    %scan3A_29 = arith.constant 1 : i32
    %scan3A_30:6 = scf.for %scan3A_51 = %scan3A to %scan3A_28 step %scan3A_29 iter_args(%scan3A_52 = %broadcast_in_dim3A_24, %scan3A_53 = %broadcast_in_dim3A_26, %scan3A_54 = %broadcast_in_dim3A_18, %scan3A_55 = %broadcast_in_dim3A_20, %scan3A_56 = %broadcast_in_dim3A_18, %scan3A_57 = %broadcast_in_dim3A_18) -> (vector<16xf32>, vector<16xf32>, vector<16xf32>, vector<16xi32>, vector<16xf32>, vector<16xf32>)  : i32 {
      %add3A_58 = arith.constant 0 : i32
      %add3A_59 = arith.addi %mul3A_2, %add3A_58 : i32
      %dma_wait3A = arith.constant 0 : i32
      %dma_wait3A_60 = tpu.memref_slice %arg8[%dma_wait3A] : memref<32768xf32, #tpu.memory_space<vmem>> -> memref<16384xf32, #tpu.memory_space<vmem>>
      %dma_wait3A_61 = tpu.memref_slice %arg2[%add3A_59] : memref<16777216xf32, #tpu.memory_space<hbm>> -> memref<16384xf32, #tpu.memory_space<hbm>>
      %dma_wait3A_62 = arith.constant 0 : i32
      %dma_wait3A_63 = tpu.memref_slice %arg8[%dma_wait3A_62] : memref<32768xf32, #tpu.memory_space<vmem>> -> memref<16384xf32, #tpu.memory_space<vmem>>
      %dma_wait3A_64 = tpu.memref_slice %arg2[%add3A_59] : memref<16777216xf32, #tpu.memory_space<hbm>> -> memref<16384xf32, #tpu.memory_space<hbm>>
      tpu.wait_dma2 semaphore(%arg11 : memref<!tpu.dma_semaphore, #tpu.memory_space<semaphore_mem>>) src(%dma_wait3A_64 : memref<16384xf32, #tpu.memory_space<hbm>>) dst(%dma_wait3A_63 : memref<16384xf32, #tpu.memory_space<vmem>>)
      %scan3A_65 = arith.constant 0 : i32
      %scan3A_66 = arith.constant 128 : i32
      %scan3A_67 = arith.addi %scan3A_65, %scan3A_66 : i32
      %scan3A_68 = arith.constant 1 : i32
      %scan3A_69:5 = scf.for %scan3A_111 = %scan3A_65 to %scan3A_67 step %scan3A_68 iter_args(%scan3A_112 = %scan3A_52, %scan3A_113 = %scan3A_53, %scan3A_114 = %scan3A_54, %scan3A_115 = %scan3A_55, %scan3A_116 = %broadcast_in_dim3A_18) -> (vector<16xf32>, vector<16xf32>, vector<16xf32>, vector<16xi32>, vector<16xf32>)  : i32 {
        %mul3A_117 = arith.constant 8 : i32
        %mul3A_118 = arith.muli %scan3A_111, %mul3A_117 : i32
        %add3A_119 = arith.constant 0 : i32
        %add3A_120 = arith.addi %mul3A_118, %add3A_119 : i32
        %mul3A_121 = arith.constant 16 : i32
        %mul3A_122 = arith.muli %add3A_120, %mul3A_121 : i32
        %add3A_123 = arith.constant 0 : i32
        %add3A_124 = arith.addi %add3A_123, %mul3A_122 : i32
        %get3A = arith.index_cast %add3A_124 : i32 to index
        %get3A_125 = tpu.vector_load %arg8[%get3A] {strides = array<i32>} : memref<32768xf32, #tpu.memory_space<vmem>>, vector<16xf32>,
        %get3A_126 = vector.shape_cast %get3A_125 : vector<16xf32> to vector<16xf32>
        %mul3A_127 = arith.constant 8 : i32
        %mul3A_128 = arith.muli %scan3A_111, %mul3A_127 : i32
        %add3A_129 = arith.constant 1 : i32
        %add3A_130 = arith.addi %mul3A_128, %add3A_129 : i32
        %mul3A_131 = arith.constant 16 : i32
        %mul3A_132 = arith.muli %add3A_130, %mul3A_131 : i32
        %add3A_133 = arith.constant 0 : i32
        %add3A_134 = arith.addi %add3A_133, %mul3A_132 : i32
        %get3A_135 = arith.index_cast %add3A_134 : i32 to index
        %get3A_136 = tpu.vector_load %arg8[%get3A_135] {strides = array<i32>} : memref<32768xf32, #tpu.memory_space<vmem>>, vector<16xf32>,
        %get3A_137 = vector.shape_cast %get3A_136 : vector<16xf32> to vector<16xf32>
        %mul3A_138 = arith.constant 8 : i32
        %mul3A_139 = arith.muli %scan3A_111, %mul3A_138 : i32
        %add3A_140 = arith.constant 2 : i32
        %add3A_141 = arith.addi %mul3A_139, %add3A_140 : i32
        %mul3A_142 = arith.constant 16 : i32
        %mul3A_143 = arith.muli %add3A_141, %mul3A_142 : i32
        %add3A_144 = arith.constant 0 : i32
        %add3A_145 = arith.addi %add3A_144, %mul3A_143 : i32
        %get3A_146 = arith.index_cast %add3A_145 : i32 to index
        %get3A_147 = tpu.vector_load %arg8[%get3A_146] {strides = array<i32>} : memref<32768xf32, #tpu.memory_space<vmem>>, vector<16xf32>,
        %get3A_148 = vector.shape_cast %get3A_147 : vector<16xf32> to vector<16xf32>
        %mul3A_149 = arith.constant 8 : i32
        %mul3A_150 = arith.muli %scan3A_111, %mul3A_149 : i32
        %add3A_151 = arith.constant 3 : i32
        %add3A_152 = arith.addi %mul3A_150, %add3A_151 : i32
        %mul3A_153 = arith.constant 16 : i32
        %mul3A_154 = arith.muli %add3A_152, %mul3A_153 : i32
        %add3A_155 = arith.constant 0 : i32
        %add3A_156 = arith.addi %add3A_155, %mul3A_154 : i32
        %get3A_157 = arith.index_cast %add3A_156 : i32 to index
        %get3A_158 = tpu.vector_load %arg8[%get3A_157] {strides = array<i32>} : memref<32768xf32, #tpu.memory_space<vmem>>, vector<16xf32>,
        %get3A_159 = vector.shape_cast %get3A_158 : vector<16xf32> to vector<16xf32>
        %mul3A_160 = arith.constant 8 : i32
        %mul3A_161 = arith.muli %scan3A_111, %mul3A_160 : i32
        %add3A_162 = arith.constant 4 : i32
        %add3A_163 = arith.addi %mul3A_161, %add3A_162 : i32
        %mul3A_164 = arith.constant 16 : i32
        %mul3A_165 = arith.muli %add3A_163, %mul3A_164 : i32
        %add3A_166 = arith.constant 0 : i32
        %add3A_167 = arith.addi %add3A_166, %mul3A_165 : i32
        %get3A_168 = arith.index_cast %add3A_167 : i32 to index
        %get3A_169 = tpu.vector_load %arg8[%get3A_168] {strides = array<i32>} : memref<32768xf32, #tpu.memory_space<vmem>>, vector<16xf32>,
        %get3A_170 = vector.shape_cast %get3A_169 : vector<16xf32> to vector<16xf32>
        %mul3A_171 = arith.constant 8 : i32
        %mul3A_172 = arith.muli %scan3A_111, %mul3A_171 : i32
        %add3A_173 = arith.constant 5 : i32
        %add3A_174 = arith.addi %mul3A_172, %add3A_173 : i32
        %mul3A_175 = arith.constant 16 : i32
        %mul3A_176 = arith.muli %add3A_174, %mul3A_175 : i32
        %add3A_177 = arith.constant 0 : i32
        %add3A_178 = arith.addi %add3A_177, %mul3A_176 : i32
        %get3A_179 = arith.index_cast %add3A_178 : i32 to index
        %get3A_180 = tpu.vector_load %arg8[%get3A_179] {strides = array<i32>} : memref<32768xf32, #tpu.memory_space<vmem>>, vector<16xf32>,
        %get3A_181 = vector.shape_cast %get3A_180 : vector<16xf32> to vector<16xf32>
        %mul3A_182 = arith.constant 8 : i32
        %mul3A_183 = arith.muli %scan3A_111, %mul3A_182 : i32
        %add3A_184 = arith.constant 6 : i32
        %add3A_185 = arith.addi %mul3A_183, %add3A_184 : i32
        %mul3A_186 = arith.constant 16 : i32
        %mul3A_187 = arith.muli %add3A_185, %mul3A_186 : i32
        %add3A_188 = arith.constant 0 : i32
        %add3A_189 = arith.addi %add3A_188, %mul3A_187 : i32
        %get3A_190 = arith.index_cast %add3A_189 : i32 to index
        %get3A_191 = tpu.vector_load %arg8[%get3A_190] {strides = array<i32>} : memref<32768xf32, #tpu.memory_space<vmem>>, vector<16xf32>,
        %get3A_192 = vector.shape_cast %get3A_191 : vector<16xf32> to vector<16xf32>
        %mul3A_193 = arith.constant 8 : i32
        %mul3A_194 = arith.muli %scan3A_111, %mul3A_193 : i32
        %add3A_195 = arith.constant 7 : i32
        %add3A_196 = arith.addi %mul3A_194, %add3A_195 : i32
        %mul3A_197 = arith.constant 16 : i32
        %mul3A_198 = arith.muli %add3A_196, %mul3A_197 : i32
        %add3A_199 = arith.constant 0 : i32
        %add3A_200 = arith.addi %add3A_199, %mul3A_198 : i32
        %get3A_201 = arith.index_cast %add3A_200 : i32 to index
        %get3A_202 = tpu.vector_load %arg8[%get3A_201] {strides = array<i32>} : memref<32768xf32, #tpu.memory_space<vmem>>, vector<16xf32>,
        %get3A_203 = vector.shape_cast %get3A_202 : vector<16xf32> to vector<16xf32>
        %min3A = arith.minimumf %scan3A_112, %get3A_126 : vector<16xf32>
        %max3A = arith.maximumf %scan3A_113, %get3A_126 : vector<16xf32>
        %add3A_204 = arith.addf %scan3A_116, %get3A_126 : vector<16xf32>
        %mul3A_205 = arith.mulf %get3A_126, %get3A_126 : vector<16xf32>
        %add3A_206 = arith.addf %scan3A_114, %mul3A_205 : vector<16xf32>
        %ne3A = arith.cmpf one, %get3A_126, %broadcast_in_dim3A_18 : vector<16xf32>
        %select_n3A = arith.select %ne3A, %broadcast_in_dim3A_22, %broadcast_in_dim3A_20 : vector<16xi1>, vector<16xi32>
        %add3A_207 = arith.addi %scan3A_115, %select_n3A : vector<16xi32>
        %min3A_208 = arith.minimumf %min3A, %get3A_137 : vector<16xf32>
        %max3A_209 = arith.maximumf %max3A, %get3A_137 : vector<16xf32>
        %add3A_210 = arith.addf %add3A_204, %get3A_137 : vector<16xf32>
        %mul3A_211 = arith.mulf %get3A_137, %get3A_137 : vector<16xf32>
        %add3A_212 = arith.addf %add3A_206, %mul3A_211 : vector<16xf32>
        %ne3A_213 = arith.cmpf one, %get3A_137, %broadcast_in_dim3A_18 : vector<16xf32>
        %select_n3A_214 = arith.select %ne3A_213, %broadcast_in_dim3A_22, %broadcast_in_dim3A_20 : vector<16xi1>, vector<16xi32>
        %add3A_215 = arith.addi %add3A_207, %select_n3A_214 : vector<16xi32>
        %min3A_216 = arith.minimumf %min3A_208, %get3A_148 : vector<16xf32>
        %max3A_217 = arith.maximumf %max3A_209, %get3A_148 : vector<16xf32>
        %add3A_218 = arith.addf %add3A_210, %get3A_148 : vector<16xf32>
        %mul3A_219 = arith.mulf %get3A_148, %get3A_148 : vector<16xf32>
        %add3A_220 = arith.addf %add3A_212, %mul3A_219 : vector<16xf32>
        %ne3A_221 = arith.cmpf one, %get3A_148, %broadcast_in_dim3A_18 : vector<16xf32>
        %select_n3A_222 = arith.select %ne3A_221, %broadcast_in_dim3A_22, %broadcast_in_dim3A_20 : vector<16xi1>, vector<16xi32>
        %add3A_223 = arith.addi %add3A_215, %select_n3A_222 : vector<16xi32>
        %min3A_224 = arith.minimumf %min3A_216, %get3A_159 : vector<16xf32>
        %max3A_225 = arith.maximumf %max3A_217, %get3A_159 : vector<16xf32>
        %add3A_226 = arith.addf %add3A_218, %get3A_159 : vector<16xf32>
        %mul3A_227 = arith.mulf %get3A_159, %get3A_159 : vector<16xf32>
        %add3A_228 = arith.addf %add3A_220, %mul3A_227 : vector<16xf32>
        %ne3A_229 = arith.cmpf one, %get3A_159, %broadcast_in_dim3A_18 : vector<16xf32>
        %select_n3A_230 = arith.select %ne3A_229, %broadcast_in_dim3A_22, %broadcast_in_dim3A_20 : vector<16xi1>, vector<16xi32>
        %add3A_231 = arith.addi %add3A_223, %select_n3A_230 : vector<16xi32>
        %min3A_232 = arith.minimumf %min3A_224, %get3A_170 : vector<16xf32>
        %max3A_233 = arith.maximumf %max3A_225, %get3A_170 : vector<16xf32>
        %add3A_234 = arith.addf %add3A_226, %get3A_170 : vector<16xf32>
        %mul3A_235 = arith.mulf %get3A_170, %get3A_170 : vector<16xf32>
        %add3A_236 = arith.addf %add3A_228, %mul3A_235 : vector<16xf32>
        %ne3A_237 = arith.cmpf one, %get3A_170, %broadcast_in_dim3A_18 : vector<16xf32>
        %select_n3A_238 = arith.select %ne3A_237, %broadcast_in_dim3A_22, %broadcast_in_dim3A_20 : vector<16xi1>, vector<16xi32>
        %add3A_239 = arith.addi %add3A_231, %select_n3A_238 : vector<16xi32>
        %min3A_240 = arith.minimumf %min3A_232, %get3A_181 : vector<16xf32>
        %max3A_241 = arith.maximumf %max3A_233, %get3A_181 : vector<16xf32>
        %add3A_242 = arith.addf %add3A_234, %get3A_181 : vector<16xf32>
        %mul3A_243 = arith.mulf %get3A_181, %get3A_181 : vector<16xf32>
        %add3A_244 = arith.addf %add3A_236, %mul3A_243 : vector<16xf32>
        %ne3A_245 = arith.cmpf one, %get3A_181, %broadcast_in_dim3A_18 : vector<16xf32>
        %select_n3A_246 = arith.select %ne3A_245, %broadcast_in_dim3A_22, %broadcast_in_dim3A_20 : vector<16xi1>, vector<16xi32>
        %add3A_247 = arith.addi %add3A_239, %select_n3A_246 : vector<16xi32>
        %min3A_248 = arith.minimumf %min3A_240, %get3A_192 : vector<16xf32>
        %max3A_249 = arith.maximumf %max3A_241, %get3A_192 : vector<16xf32>
        %add3A_250 = arith.addf %add3A_242, %get3A_192 : vector<16xf32>
        %mul3A_251 = arith.mulf %get3A_192, %get3A_192 : vector<16xf32>
        %add3A_252 = arith.addf %add3A_244, %mul3A_251 : vector<16xf32>
        %ne3A_253 = arith.cmpf one, %get3A_192, %broadcast_in_dim3A_18 : vector<16xf32>
        %select_n3A_254 = arith.select %ne3A_253, %broadcast_in_dim3A_22, %broadcast_in_dim3A_20 : vector<16xi1>, vector<16xi32>
        %add3A_255 = arith.addi %add3A_247, %select_n3A_254 : vector<16xi32>
        %min3A_256 = arith.minimumf %min3A_248, %get3A_203 : vector<16xf32>
        %max3A_257 = arith.maximumf %max3A_249, %get3A_203 : vector<16xf32>
        %add3A_258 = arith.addf %add3A_250, %get3A_203 : vector<16xf32>
        %mul3A_259 = arith.mulf %get3A_203, %get3A_203 : vector<16xf32>
        %add3A_260 = arith.addf %add3A_252, %mul3A_259 : vector<16xf32>
        %ne3A_261 = arith.cmpf one, %get3A_203, %broadcast_in_dim3A_18 : vector<16xf32>
        %select_n3A_262 = arith.select %ne3A_261, %broadcast_in_dim3A_22, %broadcast_in_dim3A_20 : vector<16xi1>, vector<16xi32>
        %add3A_263 = arith.addi %add3A_255, %select_n3A_262 : vector<16xi32>
        scf.yield %min3A_256, %max3A_257, %add3A_260, %add3A_263, %add3A_258 : vector<16xf32>, vector<16xf32>, vector<16xf32>, vector<16xi32>, vector<16xf32>
      }
      %scan3A_70 = arith.constant 128 : i32
      %sub3A = arith.subf %scan3A_69#4, %scan3A_57 : vector<16xf32>
      %add3A_71 = arith.addf %scan3A_56, %sub3A : vector<16xf32>
      %sub3A_72 = arith.subf %add3A_71, %scan3A_56 : vector<16xf32>
      %sub3A_73 = arith.subf %sub3A_72, %sub3A : vector<16xf32>
      %mul3A_74 = arith.constant 2 : i32
      %mul3A_75 = arith.muli %mul3A_74, %scan3A_51 : i32
      %add3A_76 = arith.constant 0 : i32
      %add3A_77 = arith.addi %mul3A_75, %add3A_76 : i32
      %add3A_78 = arith.constant 2 : i32
      %add3A_79 = arith.addi %add3A_77, %add3A_78 : i32
      %lt3A = arith.constant 32 : i32
      %lt3A_80 = arith.cmpi slt, %add3A_79, %lt3A : i32
      %convert_element_type3A = arith.extui %lt3A_80 : i1 to i32
      %cond3A = arith.constant 0 : i32
      %cond3A_81 = arith.cmpi ne, %convert_element_type3A, %cond3A : i32
      scf.if %cond3A_81 {
        %mul3A_111 = arith.constant 16384 : i32
        %mul3A_112 = arith.muli %add3A_79, %mul3A_111 : i32
        %add3A_113 = arith.addi %mul3A_2, %mul3A_112 : i32
        %dma_start3A_114 = arith.constant 0 : i32
        %dma_start3A_115 = tpu.memref_slice %arg8[%dma_start3A_114] : memref<32768xf32, #tpu.memory_space<vmem>> -> memref<16384xf32, #tpu.memory_space<vmem>>
        %dma_start3A_116 = tpu.memref_slice %arg2[%add3A_113] : memref<16777216xf32, #tpu.memory_space<hbm>> -> memref<16384xf32, #tpu.memory_space<hbm>>
        %dma_start3A_117 = arith.constant 0 : i32
        %dma_start3A_118 = tpu.memref_slice %arg8[%dma_start3A_117] : memref<32768xf32, #tpu.memory_space<vmem>> -> memref<16384xf32, #tpu.memory_space<vmem>>
        %dma_start3A_119 = tpu.memref_slice %arg2[%add3A_113] : memref<16777216xf32, #tpu.memory_space<hbm>> -> memref<16384xf32, #tpu.memory_space<hbm>>
        tpu.enqueue_dma source(%dma_start3A_119 : memref<16384xf32, #tpu.memory_space<hbm>>) target(%dma_start3A_118 : memref<16384xf32, #tpu.memory_space<vmem>>) target_semaphore(%arg11 : memref<!tpu.dma_semaphore, #tpu.memory_space<semaphore_mem>>)
      } else {
      }
      %add3A_82 = arith.constant 0 : i32
      %add3A_83 = arith.addi %mul3A_2, %add3A_82 : i32
      %dma_wait3A_84 = arith.constant 16384 : i32
      %dma_wait3A_85 = tpu.memref_slice %arg8[%dma_wait3A_84] : memref<32768xf32, #tpu.memory_space<vmem>> -> memref<16384xf32, #tpu.memory_space<vmem>>
      %dma_wait3A_86 = tpu.memref_slice %arg2[%add3A_83] : memref<16777216xf32, #tpu.memory_space<hbm>> -> memref<16384xf32, #tpu.memory_space<hbm>>
      %dma_wait3A_87 = arith.constant 16384 : i32
      %dma_wait3A_88 = tpu.memref_slice %arg8[%dma_wait3A_87] : memref<32768xf32, #tpu.memory_space<vmem>> -> memref<16384xf32, #tpu.memory_space<vmem>>
      %dma_wait3A_89 = tpu.memref_slice %arg2[%add3A_83] : memref<16777216xf32, #tpu.memory_space<hbm>> -> memref<16384xf32, #tpu.memory_space<hbm>>
      tpu.wait_dma2 semaphore(%arg12 : memref<!tpu.dma_semaphore, #tpu.memory_space<semaphore_mem>>) src(%dma_wait3A_89 : memref<16384xf32, #tpu.memory_space<hbm>>) dst(%dma_wait3A_88 : memref<16384xf32, #tpu.memory_space<vmem>>)
      %scan3A_90 = arith.constant 0 : i32
      %scan3A_91 = arith.constant 128 : i32
      %scan3A_92 = arith.addi %scan3A_90, %scan3A_91 : i32
      %scan3A_93 = arith.constant 1 : i32
      %scan3A_94:5 = scf.for %scan3A_111 = %scan3A_90 to %scan3A_92 step %scan3A_93 iter_args(%scan3A_112 = %scan3A_69#0, %scan3A_113 = %scan3A_69#1, %scan3A_114 = %scan3A_69#2, %scan3A_115 = %scan3A_69#3, %scan3A_116 = %broadcast_in_dim3A_18) -> (vector<16xf32>, vector<16xf32>, vector<16xf32>, vector<16xi32>, vector<16xf32>)  : i32 {
        %mul3A_117 = arith.constant 8 : i32
        %mul3A_118 = arith.muli %scan3A_111, %mul3A_117 : i32
        %add3A_119 = arith.constant 0 : i32
        %add3A_120 = arith.addi %mul3A_118, %add3A_119 : i32
        %mul3A_121 = arith.constant 16 : i32
        %mul3A_122 = arith.muli %add3A_120, %mul3A_121 : i32
        %add3A_123 = arith.constant 16384 : i32
        %add3A_124 = arith.addi %add3A_123, %mul3A_122 : i32
        %get3A = arith.index_cast %add3A_124 : i32 to index
        %get3A_125 = tpu.vector_load %arg8[%get3A] {strides = array<i32>} : memref<32768xf32, #tpu.memory_space<vmem>>, vector<16xf32>,
        %get3A_126 = vector.shape_cast %get3A_125 : vector<16xf32> to vector<16xf32>
        %mul3A_127 = arith.constant 8 : i32
        %mul3A_128 = arith.muli %scan3A_111, %mul3A_127 : i32
        %add3A_129 = arith.constant 1 : i32
        %add3A_130 = arith.addi %mul3A_128, %add3A_129 : i32
        %mul3A_131 = arith.constant 16 : i32
        %mul3A_132 = arith.muli %add3A_130, %mul3A_131 : i32
        %add3A_133 = arith.constant 16384 : i32
        %add3A_134 = arith.addi %add3A_133, %mul3A_132 : i32
        %get3A_135 = arith.index_cast %add3A_134 : i32 to index
        %get3A_136 = tpu.vector_load %arg8[%get3A_135] {strides = array<i32>} : memref<32768xf32, #tpu.memory_space<vmem>>, vector<16xf32>,
        %get3A_137 = vector.shape_cast %get3A_136 : vector<16xf32> to vector<16xf32>
        %mul3A_138 = arith.constant 8 : i32
        %mul3A_139 = arith.muli %scan3A_111, %mul3A_138 : i32
        %add3A_140 = arith.constant 2 : i32
        %add3A_141 = arith.addi %mul3A_139, %add3A_140 : i32
        %mul3A_142 = arith.constant 16 : i32
        %mul3A_143 = arith.muli %add3A_141, %mul3A_142 : i32
        %add3A_144 = arith.constant 16384 : i32
        %add3A_145 = arith.addi %add3A_144, %mul3A_143 : i32
        %get3A_146 = arith.index_cast %add3A_145 : i32 to index
        %get3A_147 = tpu.vector_load %arg8[%get3A_146] {strides = array<i32>} : memref<32768xf32, #tpu.memory_space<vmem>>, vector<16xf32>,
        %get3A_148 = vector.shape_cast %get3A_147 : vector<16xf32> to vector<16xf32>
        %mul3A_149 = arith.constant 8 : i32
        %mul3A_150 = arith.muli %scan3A_111, %mul3A_149 : i32
        %add3A_151 = arith.constant 3 : i32
        %add3A_152 = arith.addi %mul3A_150, %add3A_151 : i32
        %mul3A_153 = arith.constant 16 : i32
        %mul3A_154 = arith.muli %add3A_152, %mul3A_153 : i32
        %add3A_155 = arith.constant 16384 : i32
        %add3A_156 = arith.addi %add3A_155, %mul3A_154 : i32
        %get3A_157 = arith.index_cast %add3A_156 : i32 to index
        %get3A_158 = tpu.vector_load %arg8[%get3A_157] {strides = array<i32>} : memref<32768xf32, #tpu.memory_space<vmem>>, vector<16xf32>,
        %get3A_159 = vector.shape_cast %get3A_158 : vector<16xf32> to vector<16xf32>
        %mul3A_160 = arith.constant 8 : i32
        %mul3A_161 = arith.muli %scan3A_111, %mul3A_160 : i32
        %add3A_162 = arith.constant 4 : i32
        %add3A_163 = arith.addi %mul3A_161, %add3A_162 : i32
        %mul3A_164 = arith.constant 16 : i32
        %mul3A_165 = arith.muli %add3A_163, %mul3A_164 : i32
        %add3A_166 = arith.constant 16384 : i32
        %add3A_167 = arith.addi %add3A_166, %mul3A_165 : i32
        %get3A_168 = arith.index_cast %add3A_167 : i32 to index
        %get3A_169 = tpu.vector_load %arg8[%get3A_168] {strides = array<i32>} : memref<32768xf32, #tpu.memory_space<vmem>>, vector<16xf32>,
        %get3A_170 = vector.shape_cast %get3A_169 : vector<16xf32> to vector<16xf32>
        %mul3A_171 = arith.constant 8 : i32
        %mul3A_172 = arith.muli %scan3A_111, %mul3A_171 : i32
        %add3A_173 = arith.constant 5 : i32
        %add3A_174 = arith.addi %mul3A_172, %add3A_173 : i32
        %mul3A_175 = arith.constant 16 : i32
        %mul3A_176 = arith.muli %add3A_174, %mul3A_175 : i32
        %add3A_177 = arith.constant 16384 : i32
        %add3A_178 = arith.addi %add3A_177, %mul3A_176 : i32
        %get3A_179 = arith.index_cast %add3A_178 : i32 to index
        %get3A_180 = tpu.vector_load %arg8[%get3A_179] {strides = array<i32>} : memref<32768xf32, #tpu.memory_space<vmem>>, vector<16xf32>,
        %get3A_181 = vector.shape_cast %get3A_180 : vector<16xf32> to vector<16xf32>
        %mul3A_182 = arith.constant 8 : i32
        %mul3A_183 = arith.muli %scan3A_111, %mul3A_182 : i32
        %add3A_184 = arith.constant 6 : i32
        %add3A_185 = arith.addi %mul3A_183, %add3A_184 : i32
        %mul3A_186 = arith.constant 16 : i32
        %mul3A_187 = arith.muli %add3A_185, %mul3A_186 : i32
        %add3A_188 = arith.constant 16384 : i32
        %add3A_189 = arith.addi %add3A_188, %mul3A_187 : i32
        %get3A_190 = arith.index_cast %add3A_189 : i32 to index
        %get3A_191 = tpu.vector_load %arg8[%get3A_190] {strides = array<i32>} : memref<32768xf32, #tpu.memory_space<vmem>>, vector<16xf32>,
        %get3A_192 = vector.shape_cast %get3A_191 : vector<16xf32> to vector<16xf32>
        %mul3A_193 = arith.constant 8 : i32
        %mul3A_194 = arith.muli %scan3A_111, %mul3A_193 : i32
        %add3A_195 = arith.constant 7 : i32
        %add3A_196 = arith.addi %mul3A_194, %add3A_195 : i32
        %mul3A_197 = arith.constant 16 : i32
        %mul3A_198 = arith.muli %add3A_196, %mul3A_197 : i32
        %add3A_199 = arith.constant 16384 : i32
        %add3A_200 = arith.addi %add3A_199, %mul3A_198 : i32
        %get3A_201 = arith.index_cast %add3A_200 : i32 to index
        %get3A_202 = tpu.vector_load %arg8[%get3A_201] {strides = array<i32>} : memref<32768xf32, #tpu.memory_space<vmem>>, vector<16xf32>,
        %get3A_203 = vector.shape_cast %get3A_202 : vector<16xf32> to vector<16xf32>
        %min3A = arith.minimumf %scan3A_112, %get3A_126 : vector<16xf32>
        %max3A = arith.maximumf %scan3A_113, %get3A_126 : vector<16xf32>
        %add3A_204 = arith.addf %scan3A_116, %get3A_126 : vector<16xf32>
        %mul3A_205 = arith.mulf %get3A_126, %get3A_126 : vector<16xf32>
        %add3A_206 = arith.addf %scan3A_114, %mul3A_205 : vector<16xf32>
        %ne3A = arith.cmpf one, %get3A_126, %broadcast_in_dim3A_18 : vector<16xf32>
        %select_n3A = arith.select %ne3A, %broadcast_in_dim3A_22, %broadcast_in_dim3A_20 : vector<16xi1>, vector<16xi32>
        %add3A_207 = arith.addi %scan3A_115, %select_n3A : vector<16xi32>
        %min3A_208 = arith.minimumf %min3A, %get3A_137 : vector<16xf32>
        %max3A_209 = arith.maximumf %max3A, %get3A_137 : vector<16xf32>
        %add3A_210 = arith.addf %add3A_204, %get3A_137 : vector<16xf32>
        %mul3A_211 = arith.mulf %get3A_137, %get3A_137 : vector<16xf32>
        %add3A_212 = arith.addf %add3A_206, %mul3A_211 : vector<16xf32>
        %ne3A_213 = arith.cmpf one, %get3A_137, %broadcast_in_dim3A_18 : vector<16xf32>
        %select_n3A_214 = arith.select %ne3A_213, %broadcast_in_dim3A_22, %broadcast_in_dim3A_20 : vector<16xi1>, vector<16xi32>
        %add3A_215 = arith.addi %add3A_207, %select_n3A_214 : vector<16xi32>
        %min3A_216 = arith.minimumf %min3A_208, %get3A_148 : vector<16xf32>
        %max3A_217 = arith.maximumf %max3A_209, %get3A_148 : vector<16xf32>
        %add3A_218 = arith.addf %add3A_210, %get3A_148 : vector<16xf32>
        %mul3A_219 = arith.mulf %get3A_148, %get3A_148 : vector<16xf32>
        %add3A_220 = arith.addf %add3A_212, %mul3A_219 : vector<16xf32>
        %ne3A_221 = arith.cmpf one, %get3A_148, %broadcast_in_dim3A_18 : vector<16xf32>
        %select_n3A_222 = arith.select %ne3A_221, %broadcast_in_dim3A_22, %broadcast_in_dim3A_20 : vector<16xi1>, vector<16xi32>
        %add3A_223 = arith.addi %add3A_215, %select_n3A_222 : vector<16xi32>
        %min3A_224 = arith.minimumf %min3A_216, %get3A_159 : vector<16xf32>
        %max3A_225 = arith.maximumf %max3A_217, %get3A_159 : vector<16xf32>
        %add3A_226 = arith.addf %add3A_218, %get3A_159 : vector<16xf32>
        %mul3A_227 = arith.mulf %get3A_159, %get3A_159 : vector<16xf32>
        %add3A_228 = arith.addf %add3A_220, %mul3A_227 : vector<16xf32>
        %ne3A_229 = arith.cmpf one, %get3A_159, %broadcast_in_dim3A_18 : vector<16xf32>
        %select_n3A_230 = arith.select %ne3A_229, %broadcast_in_dim3A_22, %broadcast_in_dim3A_20 : vector<16xi1>, vector<16xi32>
        %add3A_231 = arith.addi %add3A_223, %select_n3A_230 : vector<16xi32>
        %min3A_232 = arith.minimumf %min3A_224, %get3A_170 : vector<16xf32>
        %max3A_233 = arith.maximumf %max3A_225, %get3A_170 : vector<16xf32>
        %add3A_234 = arith.addf %add3A_226, %get3A_170 : vector<16xf32>
        %mul3A_235 = arith.mulf %get3A_170, %get3A_170 : vector<16xf32>
        %add3A_236 = arith.addf %add3A_228, %mul3A_235 : vector<16xf32>
        %ne3A_237 = arith.cmpf one, %get3A_170, %broadcast_in_dim3A_18 : vector<16xf32>
        %select_n3A_238 = arith.select %ne3A_237, %broadcast_in_dim3A_22, %broadcast_in_dim3A_20 : vector<16xi1>, vector<16xi32>
        %add3A_239 = arith.addi %add3A_231, %select_n3A_238 : vector<16xi32>
        %min3A_240 = arith.minimumf %min3A_232, %get3A_181 : vector<16xf32>
        %max3A_241 = arith.maximumf %max3A_233, %get3A_181 : vector<16xf32>
        %add3A_242 = arith.addf %add3A_234, %get3A_181 : vector<16xf32>
        %mul3A_243 = arith.mulf %get3A_181, %get3A_181 : vector<16xf32>
        %add3A_244 = arith.addf %add3A_236, %mul3A_243 : vector<16xf32>
        %ne3A_245 = arith.cmpf one, %get3A_181, %broadcast_in_dim3A_18 : vector<16xf32>
        %select_n3A_246 = arith.select %ne3A_245, %broadcast_in_dim3A_22, %broadcast_in_dim3A_20 : vector<16xi1>, vector<16xi32>
        %add3A_247 = arith.addi %add3A_239, %select_n3A_246 : vector<16xi32>
        %min3A_248 = arith.minimumf %min3A_240, %get3A_192 : vector<16xf32>
        %max3A_249 = arith.maximumf %max3A_241, %get3A_192 : vector<16xf32>
        %add3A_250 = arith.addf %add3A_242, %get3A_192 : vector<16xf32>
        %mul3A_251 = arith.mulf %get3A_192, %get3A_192 : vector<16xf32>
        %add3A_252 = arith.addf %add3A_244, %mul3A_251 : vector<16xf32>
        %ne3A_253 = arith.cmpf one, %get3A_192, %broadcast_in_dim3A_18 : vector<16xf32>
        %select_n3A_254 = arith.select %ne3A_253, %broadcast_in_dim3A_22, %broadcast_in_dim3A_20 : vector<16xi1>, vector<16xi32>
        %add3A_255 = arith.addi %add3A_247, %select_n3A_254 : vector<16xi32>
        %min3A_256 = arith.minimumf %min3A_248, %get3A_203 : vector<16xf32>
        %max3A_257 = arith.maximumf %max3A_249, %get3A_203 : vector<16xf32>
        %add3A_258 = arith.addf %add3A_250, %get3A_203 : vector<16xf32>
        %mul3A_259 = arith.mulf %get3A_203, %get3A_203 : vector<16xf32>
        %add3A_260 = arith.addf %add3A_252, %mul3A_259 : vector<16xf32>
        %ne3A_261 = arith.cmpf one, %get3A_203, %broadcast_in_dim3A_18 : vector<16xf32>
        %select_n3A_262 = arith.select %ne3A_261, %broadcast_in_dim3A_22, %broadcast_in_dim3A_20 : vector<16xi1>, vector<16xi32>
        %add3A_263 = arith.addi %add3A_255, %select_n3A_262 : vector<16xi32>
        scf.yield %min3A_256, %max3A_257, %add3A_260, %add3A_263, %add3A_258 : vector<16xf32>, vector<16xf32>, vector<16xf32>, vector<16xi32>, vector<16xf32>
      }
      %scan3A_95 = arith.constant 128 : i32
      %sub3A_96 = arith.subf %scan3A_94#4, %sub3A_73 : vector<16xf32>
      %add3A_97 = arith.addf %add3A_71, %sub3A_96 : vector<16xf32>
      %sub3A_98 = arith.subf %add3A_97, %add3A_71 : vector<16xf32>
      %sub3A_99 = arith.subf %sub3A_98, %sub3A_96 : vector<16xf32>
      %mul3A_100 = arith.constant 2 : i32
      %mul3A_101 = arith.muli %mul3A_100, %scan3A_51 : i32
      %add3A_102 = arith.constant 1 : i32
      %add3A_103 = arith.addi %mul3A_101, %add3A_102 : i32
      %add3A_104 = arith.constant 2 : i32
      %add3A_105 = arith.addi %add3A_103, %add3A_104 : i32
      %lt3A_106 = arith.constant 32 : i32
      %lt3A_107 = arith.cmpi slt, %add3A_105, %lt3A_106 : i32
      %convert_element_type3A_108 = arith.extui %lt3A_107 : i1 to i32
      %cond3A_109 = arith.constant 0 : i32
      %cond3A_110 = arith.cmpi ne, %convert_element_type3A_108, %cond3A_109 : i32
      scf.if %cond3A_110 {
        %mul3A_111 = arith.constant 16384 : i32
        %mul3A_112 = arith.muli %add3A_105, %mul3A_111 : i32
        %add3A_113 = arith.addi %mul3A_2, %mul3A_112 : i32
        %dma_start3A_114 = arith.constant 16384 : i32
        %dma_start3A_115 = tpu.memref_slice %arg8[%dma_start3A_114] : memref<32768xf32, #tpu.memory_space<vmem>> -> memref<16384xf32, #tpu.memory_space<vmem>>
        %dma_start3A_116 = tpu.memref_slice %arg2[%add3A_113] : memref<16777216xf32, #tpu.memory_space<hbm>> -> memref<16384xf32, #tpu.memory_space<hbm>>
        %dma_start3A_117 = arith.constant 16384 : i32
        %dma_start3A_118 = tpu.memref_slice %arg8[%dma_start3A_117] : memref<32768xf32, #tpu.memory_space<vmem>> -> memref<16384xf32, #tpu.memory_space<vmem>>
        %dma_start3A_119 = tpu.memref_slice %arg2[%add3A_113] : memref<16777216xf32, #tpu.memory_space<hbm>> -> memref<16384xf32, #tpu.memory_space<hbm>>
        tpu.enqueue_dma source(%dma_start3A_119 : memref<16384xf32, #tpu.memory_space<hbm>>) target(%dma_start3A_118 : memref<16384xf32, #tpu.memory_space<vmem>>) target_semaphore(%arg12 : memref<!tpu.dma_semaphore, #tpu.memory_space<semaphore_mem>>)
      } else {
      }
      scf.yield %scan3A_94#0, %scan3A_94#1, %scan3A_94#2, %scan3A_94#3, %add3A_97, %sub3A_99 : vector<16xf32>, vector<16xf32>, vector<16xf32>, vector<16xi32>, vector<16xf32>, vector<16xf32>
    }
    %scan3A_31 = arith.constant 16 : i32
    %swap3A = arith.constant 0 : index
    %swap3A_32 = tpu.vector_load %arg9[%swap3A] {strides = array<i32>} : memref<64xf32, #tpu.memory_space<vmem>>, vector<16xf32>,
    %swap3A_33 = vector.shape_cast %swap3A_32 : vector<16xf32> to vector<16xf32>
    %swap3A_34 = vector.shape_cast %scan3A_30#0 : vector<16xf32> to vector<16xf32>
    tpu.vector_store %arg9[%swap3A], %swap3A_34 {strides = array<i32>} : memref<64xf32, #tpu.memory_space<vmem>>, vector<16xf32>,
    %swap3A_35 = arith.constant 16 : index
    %swap3A_36 = tpu.vector_load %arg9[%swap3A_35] {strides = array<i32>} : memref<64xf32, #tpu.memory_space<vmem>>, vector<16xf32>,
    %swap3A_37 = vector.shape_cast %swap3A_36 : vector<16xf32> to vector<16xf32>
    %swap3A_38 = vector.shape_cast %scan3A_30#1 : vector<16xf32> to vector<16xf32>
    tpu.vector_store %arg9[%swap3A_35], %swap3A_38 {strides = array<i32>} : memref<64xf32, #tpu.memory_space<vmem>>, vector<16xf32>,
    %swap3A_39 = arith.constant 32 : index
    %swap3A_40 = tpu.vector_load %arg9[%swap3A_39] {strides = array<i32>} : memref<64xf32, #tpu.memory_space<vmem>>, vector<16xf32>,
    %swap3A_41 = vector.shape_cast %swap3A_40 : vector<16xf32> to vector<16xf32>
    %swap3A_42 = vector.shape_cast %scan3A_30#4 : vector<16xf32> to vector<16xf32>
    tpu.vector_store %arg9[%swap3A_39], %swap3A_42 {strides = array<i32>} : memref<64xf32, #tpu.memory_space<vmem>>, vector<16xf32>,
    %swap3A_43 = arith.constant 48 : index
    %swap3A_44 = tpu.vector_load %arg9[%swap3A_43] {strides = array<i32>} : memref<64xf32, #tpu.memory_space<vmem>>, vector<16xf32>,
    %swap3A_45 = vector.shape_cast %swap3A_44 : vector<16xf32> to vector<16xf32>
    %swap3A_46 = vector.shape_cast %scan3A_30#2 : vector<16xf32> to vector<16xf32>
    tpu.vector_store %arg9[%swap3A_43], %swap3A_46 {strides = array<i32>} : memref<64xf32, #tpu.memory_space<vmem>>, vector<16xf32>,
    %swap3A_47 = arith.constant 0 : index
    %swap3A_48 = tpu.vector_load %arg10[%swap3A_47] {strides = array<i32>} : memref<16xi32, #tpu.memory_space<vmem>>, vector<16xi32>,
    %swap3A_49 = vector.shape_cast %swap3A_48 : vector<16xi32> to vector<16xi32>
    %swap3A_50 = vector.shape_cast %scan3A_30#3 : vector<16xi32> to vector<16xi32>
    tpu.vector_store %arg10[%swap3A_47], %swap3A_50 {strides = array<i32>} : memref<16xi32, #tpu.memory_space<vmem>>, vector<16xi32>,
    "tpu.region"() ({
      %run_scoped3A = tpu.sem_alloc : memref<!tpu.dma_semaphore, #tpu.memory_space<semaphore_mem>>
      %dma_start3A_51 = arith.constant 0 : i32
      %dma_start3A_52 = tpu.memref_slice %arg9[%dma_start3A_51] : memref<64xf32, #tpu.memory_space<vmem>> -> memref<16xf32, #tpu.memory_space<vmem>>
      %dma_start3A_53 = arith.constant 0 : i32
      %dma_start3A_54 = tpu.memref_slice %arg3[%add3A, %dma_start3A_53] : memref<32x16xf32, #tpu.memory_space<hbm>> -> memref<1x16xf32, #tpu.memory_space<hbm>>
      %dma_start3A_55 = tpu.memref_squeeze %dma_start3A_54 : memref<1x16xf32, #tpu.memory_space<hbm>> -> memref<16xf32, #tpu.memory_space<hbm>>
      %dma_start3A_56 = arith.constant 0 : i32
      %dma_start3A_57 = tpu.memref_slice %arg3[%add3A, %dma_start3A_56] : memref<32x16xf32, #tpu.memory_space<hbm>> -> memref<1x16xf32, #tpu.memory_space<hbm>>
      %dma_start3A_58 = tpu.memref_squeeze %dma_start3A_57 : memref<1x16xf32, #tpu.memory_space<hbm>> -> memref<16xf32, #tpu.memory_space<hbm>>
      %dma_start3A_59 = arith.constant 0 : i32
      %dma_start3A_60 = tpu.memref_slice %arg9[%dma_start3A_59] : memref<64xf32, #tpu.memory_space<vmem>> -> memref<16xf32, #tpu.memory_space<vmem>>
      tpu.enqueue_dma source(%dma_start3A_60 : memref<16xf32, #tpu.memory_space<vmem>>) target(%dma_start3A_58 : memref<16xf32, #tpu.memory_space<hbm>>) target_semaphore(%run_scoped3A : memref<!tpu.dma_semaphore, #tpu.memory_space<semaphore_mem>>)
      %dma_wait3A = arith.constant 0 : i32
      %dma_wait3A_61 = tpu.memref_slice %arg9[%dma_wait3A] : memref<64xf32, #tpu.memory_space<vmem>> -> memref<16xf32, #tpu.memory_space<vmem>>
      %dma_wait3A_62 = arith.constant 0 : i32
      %dma_wait3A_63 = tpu.memref_slice %arg3[%add3A, %dma_wait3A_62] : memref<32x16xf32, #tpu.memory_space<hbm>> -> memref<1x16xf32, #tpu.memory_space<hbm>>
      %dma_wait3A_64 = tpu.memref_squeeze %dma_wait3A_63 : memref<1x16xf32, #tpu.memory_space<hbm>> -> memref<16xf32, #tpu.memory_space<hbm>>
      %dma_wait3A_65 = arith.constant 0 : i32
      %dma_wait3A_66 = tpu.memref_slice %arg3[%add3A, %dma_wait3A_65] : memref<32x16xf32, #tpu.memory_space<hbm>> -> memref<1x16xf32, #tpu.memory_space<hbm>>
      %dma_wait3A_67 = tpu.memref_squeeze %dma_wait3A_66 : memref<1x16xf32, #tpu.memory_space<hbm>> -> memref<16xf32, #tpu.memory_space<hbm>>
      %dma_wait3A_68 = arith.constant 0 : i32
      %dma_wait3A_69 = tpu.memref_slice %arg9[%dma_wait3A_68] : memref<64xf32, #tpu.memory_space<vmem>> -> memref<16xf32, #tpu.memory_space<vmem>>
      tpu.wait_dma2 semaphore(%run_scoped3A : memref<!tpu.dma_semaphore, #tpu.memory_space<semaphore_mem>>) src(%dma_wait3A_69 : memref<16xf32, #tpu.memory_space<vmem>>) dst(%dma_wait3A_67 : memref<16xf32, #tpu.memory_space<hbm>>)
      tpu.yield
    }) : () -> ()
    "tpu.region"() ({
      %run_scoped3A = tpu.sem_alloc : memref<!tpu.dma_semaphore, #tpu.memory_space<semaphore_mem>>
      %dma_start3A_51 = arith.constant 16 : i32
      %dma_start3A_52 = tpu.memref_slice %arg9[%dma_start3A_51] : memref<64xf32, #tpu.memory_space<vmem>> -> memref<16xf32, #tpu.memory_space<vmem>>
      %dma_start3A_53 = arith.constant 0 : i32
      %dma_start3A_54 = tpu.memref_slice %arg4[%add3A, %dma_start3A_53] : memref<32x16xf32, #tpu.memory_space<hbm>> -> memref<1x16xf32, #tpu.memory_space<hbm>>
      %dma_start3A_55 = tpu.memref_squeeze %dma_start3A_54 : memref<1x16xf32, #tpu.memory_space<hbm>> -> memref<16xf32, #tpu.memory_space<hbm>>
      %dma_start3A_56 = arith.constant 0 : i32
      %dma_start3A_57 = tpu.memref_slice %arg4[%add3A, %dma_start3A_56] : memref<32x16xf32, #tpu.memory_space<hbm>> -> memref<1x16xf32, #tpu.memory_space<hbm>>
      %dma_start3A_58 = tpu.memref_squeeze %dma_start3A_57 : memref<1x16xf32, #tpu.memory_space<hbm>> -> memref<16xf32, #tpu.memory_space<hbm>>
      %dma_start3A_59 = arith.constant 16 : i32
      %dma_start3A_60 = tpu.memref_slice %arg9[%dma_start3A_59] : memref<64xf32, #tpu.memory_space<vmem>> -> memref<16xf32, #tpu.memory_space<vmem>>
      tpu.enqueue_dma source(%dma_start3A_60 : memref<16xf32, #tpu.memory_space<vmem>>) target(%dma_start3A_58 : memref<16xf32, #tpu.memory_space<hbm>>) target_semaphore(%run_scoped3A : memref<!tpu.dma_semaphore, #tpu.memory_space<semaphore_mem>>)
      %dma_wait3A = arith.constant 16 : i32
      %dma_wait3A_61 = tpu.memref_slice %arg9[%dma_wait3A] : memref<64xf32, #tpu.memory_space<vmem>> -> memref<16xf32, #tpu.memory_space<vmem>>
      %dma_wait3A_62 = arith.constant 0 : i32
      %dma_wait3A_63 = tpu.memref_slice %arg4[%add3A, %dma_wait3A_62] : memref<32x16xf32, #tpu.memory_space<hbm>> -> memref<1x16xf32, #tpu.memory_space<hbm>>
      %dma_wait3A_64 = tpu.memref_squeeze %dma_wait3A_63 : memref<1x16xf32, #tpu.memory_space<hbm>> -> memref<16xf32, #tpu.memory_space<hbm>>
      %dma_wait3A_65 = arith.constant 0 : i32
      %dma_wait3A_66 = tpu.memref_slice %arg4[%add3A, %dma_wait3A_65] : memref<32x16xf32, #tpu.memory_space<hbm>> -> memref<1x16xf32, #tpu.memory_space<hbm>>
      %dma_wait3A_67 = tpu.memref_squeeze %dma_wait3A_66 : memref<1x16xf32, #tpu.memory_space<hbm>> -> memref<16xf32, #tpu.memory_space<hbm>>
      %dma_wait3A_68 = arith.constant 16 : i32
      %dma_wait3A_69 = tpu.memref_slice %arg9[%dma_wait3A_68] : memref<64xf32, #tpu.memory_space<vmem>> -> memref<16xf32, #tpu.memory_space<vmem>>
      tpu.wait_dma2 semaphore(%run_scoped3A : memref<!tpu.dma_semaphore, #tpu.memory_space<semaphore_mem>>) src(%dma_wait3A_69 : memref<16xf32, #tpu.memory_space<vmem>>) dst(%dma_wait3A_67 : memref<16xf32, #tpu.memory_space<hbm>>)
      tpu.yield
    }) : () -> ()
    "tpu.region"() ({
      %run_scoped3A = tpu.sem_alloc : memref<!tpu.dma_semaphore, #tpu.memory_space<semaphore_mem>>
      %dma_start3A_51 = arith.constant 32 : i32
      %dma_start3A_52 = tpu.memref_slice %arg9[%dma_start3A_51] : memref<64xf32, #tpu.memory_space<vmem>> -> memref<16xf32, #tpu.memory_space<vmem>>
      %dma_start3A_53 = arith.constant 0 : i32
      %dma_start3A_54 = tpu.memref_slice %arg5[%add3A, %dma_start3A_53] : memref<32x16xf32, #tpu.memory_space<hbm>> -> memref<1x16xf32, #tpu.memory_space<hbm>>
      %dma_start3A_55 = tpu.memref_squeeze %dma_start3A_54 : memref<1x16xf32, #tpu.memory_space<hbm>> -> memref<16xf32, #tpu.memory_space<hbm>>
      %dma_start3A_56 = arith.constant 0 : i32
      %dma_start3A_57 = tpu.memref_slice %arg5[%add3A, %dma_start3A_56] : memref<32x16xf32, #tpu.memory_space<hbm>> -> memref<1x16xf32, #tpu.memory_space<hbm>>
      %dma_start3A_58 = tpu.memref_squeeze %dma_start3A_57 : memref<1x16xf32, #tpu.memory_space<hbm>> -> memref<16xf32, #tpu.memory_space<hbm>>
      %dma_start3A_59 = arith.constant 32 : i32
      %dma_start3A_60 = tpu.memref_slice %arg9[%dma_start3A_59] : memref<64xf32, #tpu.memory_space<vmem>> -> memref<16xf32, #tpu.memory_space<vmem>>
      tpu.enqueue_dma source(%dma_start3A_60 : memref<16xf32, #tpu.memory_space<vmem>>) target(%dma_start3A_58 : memref<16xf32, #tpu.memory_space<hbm>>) target_semaphore(%run_scoped3A : memref<!tpu.dma_semaphore, #tpu.memory_space<semaphore_mem>>)
      %dma_wait3A = arith.constant 32 : i32
      %dma_wait3A_61 = tpu.memref_slice %arg9[%dma_wait3A] : memref<64xf32, #tpu.memory_space<vmem>> -> memref<16xf32, #tpu.memory_space<vmem>>
      %dma_wait3A_62 = arith.constant 0 : i32
      %dma_wait3A_63 = tpu.memref_slice %arg5[%add3A, %dma_wait3A_62] : memref<32x16xf32, #tpu.memory_space<hbm>> -> memref<1x16xf32, #tpu.memory_space<hbm>>
      %dma_wait3A_64 = tpu.memref_squeeze %dma_wait3A_63 : memref<1x16xf32, #tpu.memory_space<hbm>> -> memref<16xf32, #tpu.memory_space<hbm>>
      %dma_wait3A_65 = arith.constant 0 : i32
      %dma_wait3A_66 = tpu.memref_slice %arg5[%add3A, %dma_wait3A_65] : memref<32x16xf32, #tpu.memory_space<hbm>> -> memref<1x16xf32, #tpu.memory_space<hbm>>
      %dma_wait3A_67 = tpu.memref_squeeze %dma_wait3A_66 : memref<1x16xf32, #tpu.memory_space<hbm>> -> memref<16xf32, #tpu.memory_space<hbm>>
      %dma_wait3A_68 = arith.constant 32 : i32
      %dma_wait3A_69 = tpu.memref_slice %arg9[%dma_wait3A_68] : memref<64xf32, #tpu.memory_space<vmem>> -> memref<16xf32, #tpu.memory_space<vmem>>
      tpu.wait_dma2 semaphore(%run_scoped3A : memref<!tpu.dma_semaphore, #tpu.memory_space<semaphore_mem>>) src(%dma_wait3A_69 : memref<16xf32, #tpu.memory_space<vmem>>) dst(%dma_wait3A_67 : memref<16xf32, #tpu.memory_space<hbm>>)
      tpu.yield
    }) : () -> ()
    "tpu.region"() ({
      %run_scoped3A = tpu.sem_alloc : memref<!tpu.dma_semaphore, #tpu.memory_space<semaphore_mem>>
      %dma_start3A_51 = arith.constant 48 : i32
      %dma_start3A_52 = tpu.memref_slice %arg9[%dma_start3A_51] : memref<64xf32, #tpu.memory_space<vmem>> -> memref<16xf32, #tpu.memory_space<vmem>>
      %dma_start3A_53 = arith.constant 0 : i32
      %dma_start3A_54 = tpu.memref_slice %arg6[%add3A, %dma_start3A_53] : memref<32x16xf32, #tpu.memory_space<hbm>> -> memref<1x16xf32, #tpu.memory_space<hbm>>
      %dma_start3A_55 = tpu.memref_squeeze %dma_start3A_54 : memref<1x16xf32, #tpu.memory_space<hbm>> -> memref<16xf32, #tpu.memory_space<hbm>>
      %dma_start3A_56 = arith.constant 0 : i32
      %dma_start3A_57 = tpu.memref_slice %arg6[%add3A, %dma_start3A_56] : memref<32x16xf32, #tpu.memory_space<hbm>> -> memref<1x16xf32, #tpu.memory_space<hbm>>
      %dma_start3A_58 = tpu.memref_squeeze %dma_start3A_57 : memref<1x16xf32, #tpu.memory_space<hbm>> -> memref<16xf32, #tpu.memory_space<hbm>>
      %dma_start3A_59 = arith.constant 48 : i32
      %dma_start3A_60 = tpu.memref_slice %arg9[%dma_start3A_59] : memref<64xf32, #tpu.memory_space<vmem>> -> memref<16xf32, #tpu.memory_space<vmem>>
      tpu.enqueue_dma source(%dma_start3A_60 : memref<16xf32, #tpu.memory_space<vmem>>) target(%dma_start3A_58 : memref<16xf32, #tpu.memory_space<hbm>>) target_semaphore(%run_scoped3A : memref<!tpu.dma_semaphore, #tpu.memory_space<semaphore_mem>>)
      %dma_wait3A = arith.constant 48 : i32
      %dma_wait3A_61 = tpu.memref_slice %arg9[%dma_wait3A] : memref<64xf32, #tpu.memory_space<vmem>> -> memref<16xf32, #tpu.memory_space<vmem>>
      %dma_wait3A_62 = arith.constant 0 : i32
      %dma_wait3A_63 = tpu.memref_slice %arg6[%add3A, %dma_wait3A_62] : memref<32x16xf32, #tpu.memory_space<hbm>> -> memref<1x16xf32, #tpu.memory_space<hbm>>
      %dma_wait3A_64 = tpu.memref_squeeze %dma_wait3A_63 : memref<1x16xf32, #tpu.memory_space<hbm>> -> memref<16xf32, #tpu.memory_space<hbm>>
      %dma_wait3A_65 = arith.constant 0 : i32
      %dma_wait3A_66 = tpu.memref_slice %arg6[%add3A, %dma_wait3A_65] : memref<32x16xf32, #tpu.memory_space<hbm>> -> memref<1x16xf32, #tpu.memory_space<hbm>>
      %dma_wait3A_67 = tpu.memref_squeeze %dma_wait3A_66 : memref<1x16xf32, #tpu.memory_space<hbm>> -> memref<16xf32, #tpu.memory_space<hbm>>
      %dma_wait3A_68 = arith.constant 48 : i32
      %dma_wait3A_69 = tpu.memref_slice %arg9[%dma_wait3A_68] : memref<64xf32, #tpu.memory_space<vmem>> -> memref<16xf32, #tpu.memory_space<vmem>>
      tpu.wait_dma2 semaphore(%run_scoped3A : memref<!tpu.dma_semaphore, #tpu.memory_space<semaphore_mem>>) src(%dma_wait3A_69 : memref<16xf32, #tpu.memory_space<vmem>>) dst(%dma_wait3A_67 : memref<16xf32, #tpu.memory_space<hbm>>)
      tpu.yield
    }) : () -> ()
    "tpu.region"() ({
      %run_scoped3A = tpu.sem_alloc : memref<!tpu.dma_semaphore, #tpu.memory_space<semaphore_mem>>
      %dma_start3A_51 = arith.constant 0 : i32
      %dma_start3A_52 = tpu.memref_slice %arg7[%add3A, %dma_start3A_51] : memref<32x16xi32, #tpu.memory_space<hbm>> -> memref<1x16xi32, #tpu.memory_space<hbm>>
      %dma_start3A_53 = tpu.memref_squeeze %dma_start3A_52 : memref<1x16xi32, #tpu.memory_space<hbm>> -> memref<16xi32, #tpu.memory_space<hbm>>
      %dma_start3A_54 = arith.constant 0 : i32
      %dma_start3A_55 = tpu.memref_slice %arg7[%add3A, %dma_start3A_54] : memref<32x16xi32, #tpu.memory_space<hbm>> -> memref<1x16xi32, #tpu.memory_space<hbm>>
      %dma_start3A_56 = tpu.memref_squeeze %dma_start3A_55 : memref<1x16xi32, #tpu.memory_space<hbm>> -> memref<16xi32, #tpu.memory_space<hbm>>
      tpu.enqueue_dma source(%arg10 : memref<16xi32, #tpu.memory_space<vmem>>) target(%dma_start3A_56 : memref<16xi32, #tpu.memory_space<hbm>>) target_semaphore(%run_scoped3A : memref<!tpu.dma_semaphore, #tpu.memory_space<semaphore_mem>>)
      %dma_wait3A = arith.constant 0 : i32
      %dma_wait3A_57 = tpu.memref_slice %arg7[%add3A, %dma_wait3A] : memref<32x16xi32, #tpu.memory_space<hbm>> -> memref<1x16xi32, #tpu.memory_space<hbm>>
      %dma_wait3A_58 = tpu.memref_squeeze %dma_wait3A_57 : memref<1x16xi32, #tpu.memory_space<hbm>> -> memref<16xi32, #tpu.memory_space<hbm>>
      %dma_wait3A_59 = arith.constant 0 : i32
      %dma_wait3A_60 = tpu.memref_slice %arg7[%add3A, %dma_wait3A_59] : memref<32x16xi32, #tpu.memory_space<hbm>> -> memref<1x16xi32, #tpu.memory_space<hbm>>
      %dma_wait3A_61 = tpu.memref_squeeze %dma_wait3A_60 : memref<1x16xi32, #tpu.memory_space<hbm>> -> memref<16xi32, #tpu.memory_space<hbm>>
      tpu.wait_dma2 semaphore(%run_scoped3A : memref<!tpu.dma_semaphore, #tpu.memory_space<semaphore_mem>>) src(%arg10 : memref<16xi32, #tpu.memory_space<vmem>>) dst(%dma_wait3A_61 : memref<16xi32, #tpu.memory_space<hbm>>)
      tpu.yield
    }) : () -> ()
    return
  }
}

</mosaic_0001>

<sc_bundles>
// kernel: kernel.4.cloned.1.call-start
scs
__scs_entry_jumppad:
0x0: {  	(pc) =	sbr.rel $0x88, $3  }
0x1: {  	(tag) =	ssettag $0x0;
	lr =	simm.s32 $0x1  }
0x2: {  	[smem:$0x3FA0] =	sst lr;
	_ =	strace $0xD0000000  }
0x3: {  	_ = 	snop  }
0x4: {  	_ = 	snop  }
0x5: {  	_ = 	snop  }
0x6: {  	_ = 	snop  }
0x7: {  	_ = 	snop  }
__scs_overlays_trampoline_lowered:
0x8: {  	[smem:$0x3FAF] =	sst s0  }
0x9: {  	[smem:$0x3FB0] =	sst s1  }
0xa: {  	[smem:$0x3FB1] =	sst s2  }
0xb: {  	[smem:$0x3FB2] =	sst s3  }
0xc: {  	[smem:$0x3FB3] =	sst s4  }
0xd: {  	[smem:$0x3FB4] =	sst s5  }
0xe: {  	[smem:$0x3FB5] =	sst s6  }
0xf: {  	[smem:$0x3FB6] =	sst s7  }
0x10: {  	[smem:$0x3FB7] =	sst s8  }
0x11: {  	[smem:$0x3FB8] =	sst s9;
	s0 =	simm.s32 @!p0 $0x0  }
0x12: {  	s1 =	sld [smem:$0x3F9E];
	s0 =	simm.s32 @p0 $0x1  }
0x13: {  	[smem:$0x3FB9] =	sst s0;
	s0 =	simm.s32 @!p1 $0x0  }
0x14: {  	s2 =	sld [smem:$0x3F9D];
	s0 =	simm.s32 @p1 $0x1  }
0x15: {  	[smem:$0x3FBA] =	sst s0;
	s0 =	simm.s32 @!p2 $0x0  }
0x16: {  	s3 =	sld [smem:$0x3FDB];
	s0 =	simm.s32 @p2 $0x1  }
0x17: {  	s4 =	simm.s32 $0x1BF5;
	[smem:$0x3FBC] =	sst s0  }
0x18: {  	s0 =	sld [smem:$0x3F9F];
	_ =	swait.ge [sflag:s4], $0x0  }
0x19: {  	s7 =	sld [smem:$0x3FA0]  }
0x1a: {  	s8 =	sadd.s32 $0xFFFFE003, lr  }
0x1b: {  	s9 =	sadd.s32 $0xFFFFFEF7, lr;
	s5 =	simm.s32 $0xFFFFFFFF;
	p2 =	slt.u32 s8, $0xFFFFF086  }
0x1c: {  	p1 =	slt.u32 s9, $0xF7A;
	s5 =	simm.s32 @!p2 $0x0  }
0x1d: {  	s5 =	simm.s32 @p1 $0x1;
	p0 =	seq.s32 s7, s2  }
0x1e: {  	s7 =	smul.u32 @!p0 $0xF7A, s2;
	p2 =	seq.s32 @!p0 s5, $0x0  }
0x1f: {  	s9 =	smul.u32 $0xF7A, s1;
	s8 =	simm.s32 @!p0 $0x1BF5;
	p2 =	por !p2, p0  }
0x20: {  	[sflag:s8] =	ssyncset.s32 @!p0 $0xFFFFF086;
	s6 =	sadd.s32 @!p0 s3, s7;
	s7 =	simm.s32 @!p0 $0x108  }
0x21: {  	s3 =	sadd.s32 s3, s9;
	s6 =	sadd.s32 @!p0 $0x88, s6;
	s7 =	simm.s32 @p2 $0x1082  }
0x22: {  	[simem:s7], [sflag:s8] =	dma.local @!p0 [hbm:s6], $0xF7A  }
0x23: {  	s9 =	sor.u32 $0xD0000000, s2;
	s6 =	simm.s32 $0x108;
	_ =	swait.ge @!p0 [sflag:s8], $0x0  }
0x24: {  	s3 =	sadd.s32 $0x88, s3;
	s6 =	simm.s32 @!p1 $0x1082;
	[sflag:s4] =	ssyncset.s32 $0xFFFFF086  }
0x25: {  	[simem:s6], [sflag:s4] =	dma.local [hbm:s3], $0xF7A  }
0x26: {  	[smem:$0x3FA0] =	sst s1;
	(tag) =	ssettag s2;
	_ =	strace s9  }
0x27: {  	s1 =	sld [smem:$0x3FB0]  }
0x28: {  	s2 =	sld [smem:$0x3FB1]  }
0x29: {  	s4 =	sld [smem:$0x3FB3]  }
0x2a: {  	p0 =	seq.s32 s5, $0x0;
	s5 =	sld [smem:$0x3FB4]  }
0x2b: {  	s6 =	sld [smem:$0x3FB5]  }
0x2c: {  	s7 =	sld [smem:$0x3FB6]  }
0x2d: {  	s3 =	simm.s32 $0x108;
	s8 =	sld [smem:$0x3FB7]  }
0x2e: {  	s3 =	simm.s32 @!p0 $0x1082;
	s9 =	sld [smem:$0x3FB8]  }
0x2f: {  	lr =	sadd.s32 s0, s3;
	s0 =	sld [smem:$0x3FAF]  }
0x30: {  	s3 =	sld [smem:$0x3FB2]  }
0x31: {  	[smem:$0x3FBB] =	sst s10  }
0x32: {  	s10 =	sld [smem:$0x3FB9];
	_ =	sdelay $0x3  }
0x33: {  	p0 =	seq.s32 s10, $0x1;
	s10 =	sld [smem:$0x3FBB];
	_ =	sdelay $0x3  }
0x34: {  	[smem:$0x3FBB] =	sst s10  }
0x35: {  	s10 =	sld [smem:$0x3FBA];
	_ =	sdelay $0x3  }
0x36: {  	p1 =	seq.s32 s10, $0x1;
	s10 =	sld [smem:$0x3FBB];
	_ =	sdelay $0x3  }
0x37: {  	[smem:$0x3FBB] =	sst s10  }
0x38: {  	s10 =	sld [smem:$0x3FBC]  }
0x39: {  	_ = 	snop;
	(pc) =	sbr.ind lr, $3  }
0x3a: {  	_ = 	snop  }
0x3b: {  	_ = 	snop  }
0x3c: {  	p2 =	seq.s32 s10, $0x1;
	s10 =	sld [smem:$0x3FBB]  }
0x3d: {  	_ =	shalt  }
0x3e: {  	_ =	shalt  }
0x3f: {  	_ =	shalt  }
0x40: {  	_ =	shalt  }
0x41: {  	_ =	shalt  }
0x42: {  	_ =	shalt  }
0x43: {  	_ =	shalt  }
0x44: {  	_ =	shalt  }
0x45: {  	_ =	shalt  }
0x46: {  	_ =	shalt  }
0x47: {  	_ =	shalt  }
0x48: {  	_ =	shalt  }
0x49: {  	_ =	shalt  }
0x4a: {  	_ =	shalt  }
0x4b: {  	_ =	shalt  }
0x4c: {  	_ =	shalt  }
0x4d: {  	_ =	shalt  }
0x4e: {  	_ =	shalt  }
0x4f: {  	_ =	shalt  }
0x50: {  	_ =	shalt  }
0x51: {  	_ =	shalt  }
0x52: {  	_ =	shalt  }
0x53: {  	_ =	shalt  }
0x54: {  	_ =	shalt  }
0x55: {  	_ =	shalt  }
0x56: {  	_ =	shalt  }
0x57: {  	_ =	shalt  }
0x58: {  	_ =	shalt  }
0x59: {  	_ =	shalt  }
0x5a: {  	_ =	shalt  }
0x5b: {  	_ =	shalt  }
0x5c: {  	_ =	shalt  }
0x5d: {  	_ =	shalt  }
0x5e: {  	_ =	shalt  }
0x5f: {  	_ =	shalt  }
0x60: {  	_ =	shalt  }
0x61: {  	_ =	shalt  }
0x62: {  	_ =	shalt  }
0x63: {  	_ =	shalt  }
0x64: {  	_ =	shalt  }
0x65: {  	_ =	shalt  }
0x66: {  	_ =	shalt  }
0x67: {  	_ =	shalt  }
0x68: {  	_ =	shalt  }
0x69: {  	_ =	shalt  }
0x6a: {  	_ =	shalt  }
0x6b: {  	_ =	shalt  }
0x6c: {  	_ =	shalt  }
0x6d: {  	_ =	shalt  }
0x6e: {  	_ =	shalt  }
0x6f: {  	_ =	shalt  }
0x70: {  	_ =	shalt  }
0x71: {  	_ =	shalt  }
0x72: {  	_ =	shalt  }
0x73: {  	_ =	shalt  }
0x74: {  	_ =	shalt  }
0x75: {  	_ =	shalt  }
0x76: {  	_ =	shalt  }
0x77: {  	_ =	shalt  }
0x78: {  	_ =	shalt  }
0x79: {  	_ =	shalt  }
0x7a: {  	_ =	shalt  }
0x7b: {  	_ =	shalt  }
0x7c: {  	_ =	shalt  }
0x7d: {  	_ =	shalt  }
0x7e: {  	_ =	shalt  }
0x7f: {  	_ =	shalt  }
0x80: {  	_ =	shalt  }
0x81: {  	_ =	shalt  }
0x82: {  	_ =	shalt  }
0x83: {  	_ =	shalt  }
0x84: {  	_ =	shalt  }
0x85: {  	_ =	shalt  }
0x86: {  	_ =	shalt  }
0x87: {  	_ =	shalt  }
.Lfunc_end0:
.L_simem_size_0:
called_computation_lowered:
.L_overlay_start_0:
0x88: {  	s2 =	sld [smem:$0x3FD9]  }
0x89: {  	s3 =	sld [smem:$0x3FFE];
	_ =	sdelay $0x1  }
0x8a: {  	s1 =	srdreg.scid  }
0x8b: {  	s0 =	sand.u32 $0x1, s1  }
0x8c: {  	s17 =	sshll.u32 s0, $0xA;
	s2 =	sadd.s32 s3, s2  }
0x8d: {  	s2 =	sadd.s32 s2, s17  }
0x8e: {  	[smem:$0x3FC7] =	sst s2  }
0x8f: {  	_ = 	snop  }
0x90: {  	s2 =	sld [smem:$0x3FC9];
	(tm) =	ssettm $0x1  }
0x91: {  	s18 =	sld [smem:$0x3FFB];
	_ =	sdelay $0x3  }
0x92: {  	_ =	strace s18  }
0x93: {  	s3 =	sld [smem:$0x3FFC];
	_ =	sdelay $0x3  }
0x94: {  	_ =	strace s3  }
0x95: {  	s3 =	sld [smem:$0x3FFD];
	_ =	sdelay $0x3  }
0x96: {  	_ =	strace s3  }
0x97: {  	_ =	strace $0x8FFFFFFF  }
0x98: {  	s19 =	sld [smem:$0x3FDB];
	_ =	sdelay $0x1  }
0x99: {  	s4 =	simm.s32 $_scs_section_size  }
0x9a: {  	s5 =	simm.s32 $_size__tile_overlayer_lowered;
	s6 =	simm.s32 $_tile_overlayer_lowered  }
0x9b: {  	s22 =	simm.s32 $0x1BFF;
	s21 =	sshll.u32 s6, $0x1;
	s3 =	sadd.s32 s4, s19  }
0x9c: {  	s7 =	simm.s32 $0x0;
	s20 =	sshll.u32 s5, $0x1;
	s5 =	sadd.s32 s21, s3  }
0x9d: {  	[timem:s7], [sflag:s22] =	dma.local [hbm:s5], s20  }
0x9e: {  	_ =	swait.ge [sflag:s22], s20  }
0x9f: {  	s4 =	ssub.s32 $0x0, s20;
	[sflag:s22] =	ssyncset.done $0x0  }
0xa0: {  	[sflag:s22] =	ssyncadd.s32 s4;
	_ =	sdelay $0x1  }
0xa1: {  	s23 =	simm.s32 $0x1B8B  }
0xa2: {  	_ =	swait.ge [sflag:s23], $0x1  }
0xa3: {  	[sflag:s23] =	ssyncset.done $0x0  }
0xa4: {  	s25 =	simm.s32 $0x1B8E;
	s24 =	sld [smem:$0x3FFE];
	[sflag:s23] =	ssyncadd.s32 $0xFFFFFFFF  }
0xa5: {  	s26 =	simm.s32 $execute0_lowered;
	[smem:$0x3FD2] =	sst s25  }
0xa6: {  	s5 =	sshll.u32 s26, $0x1;
	_ =	strace $0x80000046;
	[dreg:$0x1] =	wrdreg $0xFFFFFFFF  }
0xa7: {  	s28 =	simm.s32 $_size_execute0_lowered;
	s3 =	sadd.s32 s3, s5;
	[dreg:$0x0] =	wrdreg $0x0  }
0xa8: {  	s5 =	sshll.u32 s28, $0x1;
	[dreg:$0x2] =	wrdreg s3  }
0xa9: {  	[dreg:$0x3] =	wrdreg s5  }
0xaa: {  	[dreg:$0x4] =	wrdreg $0xC0  }
0xab: {  	_ =	task [dreg:s7], $0x5FFFF  }
0xac: {  	[dreg:$0x1] =	wrdreg $0xFFFFFFFF  }
0xad: {  	[dreg:$0x0] =	wrdreg $0x60  }
0xae: {  	[dreg:$0x2] =	wrdreg s2  }
0xaf: {  	[dreg:$0x3] =	wrdreg s24  }
0xb0: {  	[dreg:$0x4] =	wrdreg $0x9  }
0xb1: {  	_ =	task.clear_ibuf [dreg:s7], $0x5FFFF;
	_ =	strace $0x90000046  }
0xb2: {  	s29 =	simm.s32 $0x9;
	_ =	strace $0x80000048  }
0xb3: {  	_ =	swait.ge [sflag:s29], $0x1  }
0xb4: {  	[sflag:s29] =	ssyncadd.s32 $0xFFFFFFFF  }
0xb5: {  	_ =	strace $0x90000048  }
0xb6: {  	_ =	sfence  }
0xb7: {  	s30 =	sld [smem:$0x0];
	_ =	sdelay $0x2  }
0xb8: {  	s31 =	sshll.u32 s1, $0xD;
	s1 =	sshrl.u32 s1, $0x2  }
0xb9: {  	s3 =	sand.u32 $0x4000, s31;
	s1 =	sadd.s32 s1, s30  }
0xba: {  	s0 =	sor.u32 s3, s0;
	s1 =	sshll.u32 s1, $0x11  }
0xbb: {  	s0 =	sor.u32 s1, s0  }
0xbc: {  	s0 =	sadd.s32 $0x8F2B, s0  }
0xbd: {  	[sflag:s0] =	ssyncadd.remote.s32 $0x1  }
0xbe: {  	_ =	sfence.sel $0xFFFF  }
0xbf: {  	[dreg:$0x0] =	wrdreg $0xFFFFFFFF;
	(pc) =	sbr.abs _section_cstart, $3  }
0xc0: {  	[dreg:$0x1] =	wrdreg $0xFFFFFFFF  }
0xc1: {  	_ =	task.clear_ibuf [dreg:s7], $0x2FFFF;
	_ =	strace $0x9FFFFFFF  }
0xc2: {  	(tm) =	ssettm $0x7FFFFFFF  }
0xc3: {  	_ =	shalt  }
tec
execute0_lowered:
.L_overlay_start_1:
0x0: {  	(tag) =	ssettag $0x1  }
0x1: {  	s1 =	rddreg [dreg:$0x0]  }
0x2: {  	s4 =	rddreg [dreg:$0x1]  }
0x3: {  	s0 =	rddreg [dreg:$0x2]  }
0x4: {  	s3 =	simm.s32 $0x0;
	s5 =	srdreg.scid;
	s2 =	stileid.u32  }
0x5: {  	s14 =	simm.s32 $0x4000;
	s15 =	simm.s32 $0x1;
	s16 =	simm.s32 $0x2  }
0x6: {  	s17 =	simm.s32 $0x8000;
	s18 =	simm.s32 $0x3;
	s19 =	simm.s32 $0x8010  }
0x7: {  	s20 =	simm.s32 $0x8020;
	s21 =	simm.s32 $0x8030;
	s22 =	simm.s32 $0x8040  }
0x8: {  	[smem:$0x7FF] =	sst s3;
	s5 =	sand.u32 $0x1, s5;
	s6 =	sshll.u32 s2, $0x1  }
0x9: {  	s23 =	simm.s32 $0x0;
	_ =	strace $0x80000047;
	s6 =	sor.u32 s5, s6  }
0xa: {  	s5 =	ssub.s32 $0x2, s5;
	s7 =	sshll.u32 s6, $0x1;
	s8 =	sshll.u32 s6, $0x10  }
.Ltmp0:
0xb: {  	s30 =	sshrl.u32 s5, $0x1;
	s31 =	sshll.u32 s6, $0x13;
	(pc) =	sbr.rel .LBB2_1-.Ltmp0, $4  }
0xc: {  	s12 =	sadd.s32 s7, s4;
	s4 =	sadd.s32 s1, s8;
	s13 =	ssub.s32 s5, s30  }
0xd: {  	s6 =	sor.u32 $0x8000, s31;
	s7 =	sor.u32 $0xC000, s31;
	s5 =	sadd.s32 $0x800, s4  }
0xe: {  	s8 =	sadd.s32 $0xE00, s12;
	s9 =	sadd.s32 $0x1000, s12;
	s10 =	sadd.s32 $0x1200, s12  }
0xf: {  	v0 =	vimm.s32 $0x0;
	s11 =	sadd.s32 $0x1400, s12;
	s12 =	sadd.s32 $0x1600, s12;
	s13 =	smax.u32 s13, $0x1  }
.LBB2_8:
0x10: {  	[tilespmem:$0x8000] =	vst v14  }
0x11: {  	[tilespmem:$0x8010] =	vst v10  }
0x12: {  	[tilespmem:$0x8020] =	vst v1  }
0x13: {  	[tilespmem:$0x8030] =	vst v15  }
0x14: {  	[tilespmem:$0x8040] =	vst v7  }
0x15: {  	[hbm4b:s8+s3] =	stream.linear.scatter [tilespmem:s17], [sflag:$0x3], $0x10, $0x38;
	[tilespmem:$0x8050] =	vst v63  }
0x16: {  	_ =	swait.ge [sflag:s18], $0x10  }
0x17: {  	[sflag:s18] =	ssyncset.done $0x0  }
0x18: {  	[sflag:s18] =	ssyncadd.s32 $0xFFFFFFF0  }
0x19: {  	[hbm4b:s9+s3] =	stream.linear.scatter [tilespmem:s19], [sflag:$0x3], $0x10, $0x38;
	[tilespmem:$0x8050] =	vst v63  }
0x1a: {  	_ =	swait.ge [sflag:s18], $0x10  }
0x1b: {  	[sflag:s18] =	ssyncset.done $0x0  }
0x1c: {  	[sflag:s18] =	ssyncadd.s32 $0xFFFFFFF0  }
0x1d: {  	[hbm4b:s10+s3] =	stream.linear.scatter [tilespmem:s20], [sflag:$0x3], $0x10, $0x38;
	[tilespmem:$0x8050] =	vst v63  }
0x1e: {  	_ =	swait.ge [sflag:s18], $0x10  }
0x1f: {  	[sflag:s18] =	ssyncset.done $0x0  }
0x20: {  	[sflag:s18] =	ssyncadd.s32 $0xFFFFFFF0  }
0x21: {  	[hbm4b:s11+s3] =	stream.linear.scatter [tilespmem:s21], [sflag:$0x3], $0x10, $0x38;
	[tilespmem:$0x8050] =	vst v63  }
0x22: {  	s23 =	sadd.s32 $0x1, s23;
	_ =	swait.ge [sflag:s18], $0x10  }
0x23: {  	p0 =	sne.s32 s23, s13;
	[sflag:s18] =	ssyncset.done $0x0  }
.Ltmp1:
0x24: {  	[sflag:s18] =	ssyncadd.s32 $0xFFFFFFF0;
	(pc) =	sbr.rel @!p0 .LBB2_9-.Ltmp1, $4  }
0x25: {  	[hbm4b:s12+s3] =	stream.linear.scatter [tilespmem:s22], [sflag:$0x3], $0x10, $0x38;
	[tilespmem:$0x8050] =	vst v63  }
0x26: {  	_ =	swait.ge [sflag:s18], $0x10  }
0x27: {  	[sflag:s18] =	ssyncset.done $0x0  }
0x28: {  	[sflag:s18] =	ssyncadd.s32 $0xFFFFFFF0  }
.LBB2_1:
0x29: {  	[tilespmem:s3], [sflag:$0x1] =	stream.linear.gather [hbm4b:s4+s3], $0x4000, $0x38;
	[tilespmem:$0x8050] =	vst v63  }
0x2a: {  	v14 =	vimm.f32 $+Inf;
	v10 =	vimm.f32 $-Inf;
	v2 =	vimm.f32 $0.0e+00;
	s24 =	simm.s32 $0x0  }
0x2b: {  	v1 =	vimm.f32 $0.0e+00;
	v7 =	vimm.s32 $0x0;
	v15 =	vimm.f32 $0.0e+00;
	[tilespmem:s14], [sflag:$0x2] =	stream.linear.gather [hbm4b:s5+s3], $0x4000, $0x38;
	[tilespmem:$0x8050] =	vst v63  }
.LBB2_2:
0x2c: {  	_ =	swait.ge [sflag:s15], $0x4000  }
0x2d: {  	[sflag:s15] =	ssyncset.done $0x0  }
0x2e: {  	s25 =	simm.s32 $0x0;
	[sflag:s15] =	ssyncadd.s32 $0xFFFFC000  }
0x2f: {  	v3 =	vld [tilespmem:s25+$0x70]  }
0x30: {  	v6 =	vld [tilespmem:s25+$0x60]  }
0x31: {  	v4 =	vld [tilespmem:s25+$0x50]  }
0x32: {  	v9 =	vld [tilespmem:s25+$0x40]  }
0x33: {  	v13 =	vld [tilespmem:s25+$0x20]  }
0x34: {  	v11 =	vld [tilespmem:s25+$0x30]  }
0x35: {  	v18 =	vimm.f32 $0.0e+00;
	v16 =	vld [tilespmem:s25+$0x10];
	v5 =	vmul.f32 v3, v3;
	vm0 =	vlt.f32 v3, $0.0e+00  }
0x36: {  	v17 =	vld [tilespmem:s25+$0x0];
	v8 =	vmul.f32 v6, v6;
	vm3 =	vlt.f32 v6, $0.0e+00;
	vm4 =	vgt.f32 v3, $0.0e+00  }
0x37: {  	vm1 =	vlt.f32 v4, $0.0e+00;
	vm2 =	vgt.f32 v4, $0.0e+00;
	vm8 =	vgt.f32 v6, $0.0e+00  }
0x38: {  	vm6 =	vlt.f32 v9, $0.0e+00;
	vm7 =	vgt.f32 v9, $0.0e+00;
	v12 =	vmul.f32 v4, v4  }
0x39: {  	s25 =	simm.s32 $0x200;
	vm5 =	vlt.f32 v13, $0.0e+00;
	vm9 =	vlt.f32 v11, $0.0e+00;
	vm10 =	vgt.f32 v11, $0.0e+00  }
.LBB2_3:
0x3a: {  	p0 =	sne.s32 s25, $0xFE00;
	vm11 =	vlt.f32 v16, $0.0e+00;
	vm12 =	vgt.f32 v13, $0.0e+00;
	v19 =	vmul.f32 v9, v9  }
0x3b: {  	vm14 =	vgt.f32 v16, $0.0e+00;
	v20 =	vmul.f32 v11, v11;
	vm13 =	vlt.f32 v17, $0.0e+00  }
0x3c: {  	v21 =	vmul.f32 v16, v16;
	v22 =	vmul.f32 v13, v13;
	vm15 =	vgt.f32 v17, $0.0e+00  }
0x3d: {  	vm3 =	vmor vm8, vm3;
	vm0 =	vmor vm4, vm0;
	v23 =	vmul.f32 v17, v17  }
0x3e: {  	vm4 =	vmor vm10, vm9;
	vm6 =	vmor vm7, vm6;
	vm1 =	vmor vm2, vm1  }
0x3f: {  	vm7 =	vmor vm14, vm11;
	vm5 =	vmor vm12, vm5;
	vm2 =	vmor vm15, vm13  }
0x40: {  	v24 =	vsel vm1, $0x1, v0;
	v25 =	vsel vm3, $0x1, v0;
	v26 =	vsel vm0, $0x1, v0  }
0x41: {  	v18 =	vadd.f32 v17, v18;
	v15 =	vadd.f32 v23, v15;
	v23 =	vsel vm6, $0x1, v0  }
0x42: {  	v14 =	vmin.f32 v14, v17;
	v28 =	vsel vm4, $0x1, v0;
	v27 =	vsel vm5, $0x1, v0  }
0x43: {  	v14 =	vmin.f32 v14, v16;
	v18 =	vadd.f32 v16, v18;
	v15 =	vadd.f32 v21, v15  }
0x44: {  	v10 =	vmax.f32 v10, v17;
	v17 =	vsel vm7, $0x1, v0;
	v14 =	vmin.f32 v14, v13  }
0x45: {  	v10 =	vmax.f32 v10, v16;
	v16 =	vadd.f32 v13, v18;
	v15 =	vadd.f32 v22, v15  }
0x46: {  	v10 =	vmax.f32 v10, v13;
	v18 =	vsel vm2, $0x1, v0;
	v13 =	vmin.f32 v14, v11  }
0x47: {  	v10 =	vmax.f32 v10, v11;
	v11 =	vadd.f32 v11, v16;
	v14 =	vadd.f32 v20, v15  }
0x48: {  	v10 =	vmax.f32 v10, v9;
	v7 =	vadd.s32 v18, v7;
	v13 =	vmin.f32 v13, v9  }
0x49: {  	s26 =	sshra.s32 s25, $0x2;
	v7 =	vadd.s32 v17, v7;
	v9 =	vadd.f32 v9, v11;
	v11 =	vadd.f32 v19, v14  }
0x4a: {  	v10 =	vmax.f32 v10, v4;
	v13 =	vmin.f32 v13, v4;
	v7 =	vadd.s32 v27, v7;
	v17 =	vld [tilespmem:s26+$0x70]  }
0x4b: {  	v7 =	vadd.s32 v28, v7;
	v14 =	vadd.f32 v4, v9;
	v11 =	vadd.f32 v12, v11;
	v19 =	vld [tilespmem:s26+$0x60]  }
0x4c: {  	v10 =	vmax.f32 v10, v6;
	v7 =	vadd.s32 v23, v7;
	v12 =	vmin.f32 v13, v6;
	v4 =	vld [tilespmem:s26+$0x50]  }
0x4d: {  	v7 =	vadd.s32 v24, v7;
	v20 =	vadd.f32 v6, v14;
	v8 =	vadd.f32 v8, v11;
	v9 =	vld [tilespmem:s26+$0x40]  }
0x4e: {  	v10 =	vmax.f32 v10, v3;
	v7 =	vadd.s32 v25, v7;
	v14 =	vmin.f32 v12, v3;
	v11 =	vld [tilespmem:s26+$0x30]  }
0x4f: {  	v7 =	vadd.s32 v26, v7;
	v18 =	vadd.f32 v3, v20;
	v15 =	vadd.f32 v5, v8;
	v13 =	vld [tilespmem:s26+$0x20];
	v3 =	vmovc v17  }
.Ltmp2:
0x50: {  	v16 =	vld [tilespmem:s26+$0x10];
	v5 =	vmul.f32 v17, v3;
	vm0 =	vlt.f32 v3, $0.0e+00;
	v6 =	vmov v19;
	(pc) =	sbr.rel @p0 .LBB2_3-.Ltmp2, $4  }
0x51: {  	vm4 =	vgt.f32 v3, $0.0e+00;
	v17 =	vld [tilespmem:s26+$0x0];
	v8 =	vmul.f32 v19, v6;
	vm3 =	vlt.f32 v6, $0.0e+00  }
0x52: {  	vm1 =	vlt.f32 v4, $0.0e+00;
	vm2 =	vgt.f32 v4, $0.0e+00;
	vm8 =	vgt.f32 v6, $0.0e+00  }
0x53: {  	v12 =	vmul.f32 v4, v4;
	vm6 =	vlt.f32 v9, $0.0e+00;
	vm7 =	vgt.f32 v9, $0.0e+00  }
0x54: {  	s25 =	sadd.s32 $0x200, s25;
	vm9 =	vlt.f32 v11, $0.0e+00;
	vm10 =	vgt.f32 v11, $0.0e+00;
	vm5 =	vlt.f32 v13, $0.0e+00  }
0x55: {  	vm11 =	vlt.f32 v16, $0.0e+00  }
0x56: {  	vm12 =	vgt.f32 v13, $0.0e+00;
	v19 =	vmul.f32 v9, v9;
	vm14 =	vgt.f32 v16, $0.0e+00  }
0x57: {  	v20 =	vmul.f32 v11, v11;
	v21 =	vmul.f32 v16, v16;
	v18 =	vadd.f32 v17, v18  }
0x58: {  	v22 =	vmul.f32 v13, v13;
	vm3 =	vmor vm8, vm3;
	vm0 =	vmor vm4, vm0  }
0x59: {  	vm4 =	vmor vm10, vm9;
	vm6 =	vmor vm7, vm6;
	v18 =	vadd.f32 v16, v18  }
0x5a: {  	vm1 =	vmor vm2, vm1;
	vm13 =	vlt.f32 v17, $0.0e+00;
	vm15 =	vgt.f32 v17, $0.0e+00  }
0x5b: {  	v23 =	vmul.f32 v17, v17;
	vm7 =	vmor vm14, vm11;
	v18 =	vadd.f32 v13, v18  }
0x5c: {  	vm5 =	vmor vm12, vm5;
	v24 =	vsel vm1, $0x1, v0;
	v25 =	vsel vm3, $0x1, v0  }
0x5d: {  	s25 =	sshll.u32 s24, $0xF;
	p0 =	seq.s32 s24, $0xF;
	v14 =	vmin.f32 v14, v17;
	v15 =	vadd.f32 v23, v15;
	v18 =	vadd.f32 v11, v18  }
0x5e: {  	v63 =	vsel vm6, $0x1, v0;
	s26 =	sadd.s32 @!p0 s25, s6;
	v10 =	vmax.f32 v10, v17;
	v14 =	vmin.f32 v14, v16  }
0x5f: {  	s26 =	sshrl.u32 @!p0 s26, $0x3;
	v10 =	vmax.f32 v10, v16;
	v15 =	vadd.f32 v21, v15;
	v18 =	vadd.f32 v9, v18  }
0x60: {  	s28 =	simm.s32 @!p0 $0x0;
	vm2 =	vmor vm15, vm13;
	v14 =	vmin.f32 v14, v13;
	s26 =	sadd.s32 @!p0 s1, s26;
	v10 =	vmax.f32 v10, v13  }
0x61: {  	[tilespmem:s28], [sflag:$0x1] =	stream.linear.gather @!p0 [hbm4b:s26+s28], $0x4000, $0x38;
	v13 =	vmin.f32 v14, v11;
	v15 =	vadd.f32 v22, v15;
	v18 =	vadd.f32 v4, v18;
	[tilespmem:$0x8050] =	vst v63  }
0x62: {  	v17 =	vsel vm7, $0x1, v0;
	v10 =	vmax.f32 v10, v11;
	_ =	swait.ge [sflag:s16], $0x4000;
	v13 =	vmin.f32 v13, v9  }
0x63: {  	[sflag:s16] =	ssyncset.done $0x0;
	v11 =	vadd.f32 v20, v15;
	v9 =	vmax.f32 v10, v9;
	v16 =	vadd.f32 v6, v18  }
0x64: {  	s31 =	simm.s32 $0x0;
	[sflag:s16] =	ssyncadd.s32 $0xFFFFC000;
	v13 =	vmin.f32 v13, v4;
	v9 =	vmax.f32 v9, v4;
	v18 =	vsel vm2, $0x1, v0  }
0x65: {  	v10 =	vadd.f32 v19, v11;
	v4 =	vld [tilespmem:s31+$0x4070];
	v7 =	vadd.s32 v18, v7;
	v14 =	vadd.f32 v3, v16  }
0x66: {  	v28 =	vsel vm4, $0x1, v0;
	v27 =	vsel vm5, $0x1, v0;
	v7 =	vadd.s32 v17, v7  }
0x67: {  	v10 =	vadd.f32 v12, v10;
	v11 =	vsub.f32 v14, v2;
	v2 =	vadd.s32 v27, v7  }
0x68: {  	v13 =	vmin.f32 v13, v6;
	v9 =	vmax.f32 v9, v6;
	v6 =	vld [tilespmem:s31+$0x4050];
	v14 =	vadd.s32 v28, v2  }
0x69: {  	v26 =	vsel vm0, $0x1, v0;
	v10 =	vadd.f32 v8, v10;
	v8 =	vld [tilespmem:s31+$0x4040];
	v12 =	vadd.s32 v63, v14  }
0x6a: {  	v18 =	vimm.f32 $0.0e+00;
	vm0 =	vlt.f32 v4, $0.0e+00;
	v7 =	vld [tilespmem:s31+$0x4060];
	v12 =	vadd.s32 v24, v12  }
0x6b: {  	v14 =	vmin.f32 v13, v3;
	v13 =	vmax.f32 v9, v3;
	v9 =	vld [tilespmem:s31+$0x4030];
	v12 =	vadd.s32 v25, v12  }
0x6c: {  	v16 =	vadd.f32 v5, v10;
	v2 =	vadd.f32 v11, v1;
	v10 =	vadd.s32 v26, v12;
	v12 =	vld [tilespmem:s31+$0x4020]  }
0x6d: {  	v15 =	vld [tilespmem:s31+$0x4010];
	vm4 =	vgt.f32 v4, $0.0e+00;
	vm1 =	vlt.f32 v6, $0.0e+00;
	vm2 =	vgt.f32 v6, $0.0e+00  }
0x6e: {  	v17 =	vld [tilespmem:s31+$0x4000];
	v3 =	vmul.f32 v4, v4;
	vm6 =	vlt.f32 v8, $0.0e+00;
	v1 =	vsub.f32 v2, v1  }
0x6f: {  	vm7 =	vgt.f32 v8, $0.0e+00;
	v5 =	vmul.f32 v7, v7;
	vm3 =	vlt.f32 v7, $0.0e+00  }
0x70: {  	vm8 =	vgt.f32 v7, $0.0e+00;
	v1 =	vsub.f32 v1, v11;
	v11 =	vmul.f32 v6, v6  }
0x71: {  	s26 =	simm.s32 $0x200;
	vm9 =	vlt.f32 v9, $0.0e+00;
	vm10 =	vgt.f32 v9, $0.0e+00;
	vm5 =	vlt.f32 v12, $0.0e+00  }
.LBB2_5:
0x72: {  	p1 =	sne.s32 s26, $0xFE00;
	vm11 =	vlt.f32 v15, $0.0e+00;
	vm12 =	vgt.f32 v12, $0.0e+00;
	v19 =	vmul.f32 v8, v8  }
0x73: {  	vm14 =	vgt.f32 v15, $0.0e+00;
	v20 =	vmul.f32 v9, v9;
	vm13 =	vlt.f32 v17, $0.0e+00  }
0x74: {  	v21 =	vmul.f32 v15, v15;
	v22 =	vmul.f32 v12, v12;
	vm15 =	vgt.f32 v17, $0.0e+00  }
0x75: {  	vm3 =	vmor vm8, vm3;
	vm0 =	vmor vm4, vm0;
	v23 =	vmul.f32 v17, v17  }
0x76: {  	vm4 =	vmor vm10, vm9;
	vm6 =	vmor vm7, vm6;
	vm1 =	vmor vm2, vm1  }
0x77: {  	vm7 =	vmor vm14, vm11;
	vm5 =	vmor vm12, vm5;
	vm2 =	vmor vm15, vm13  }
0x78: {  	v24 =	vsel vm1, $0x1, v0;
	v25 =	vsel vm3, $0x1, v0;
	v26 =	vsel vm0, $0x1, v0  }
0x79: {  	v18 =	vadd.f32 v17, v18;
	v16 =	vadd.f32 v23, v16;
	v23 =	vsel vm6, $0x1, v0  }
0x7a: {  	v14 =	vmin.f32 v14, v17;
	v28 =	vsel vm4, $0x1, v0;
	v27 =	vsel vm5, $0x1, v0  }
0x7b: {  	v14 =	vmin.f32 v14, v15;
	v18 =	vadd.f32 v15, v18;
	v16 =	vadd.f32 v21, v16  }
0x7c: {  	v13 =	vmax.f32 v13, v17;
	v17 =	vsel vm7, $0x1, v0;
	v14 =	vmin.f32 v14, v12  }
0x7d: {  	v13 =	vmax.f32 v13, v15;
	v15 =	vadd.f32 v12, v18;
	v16 =	vadd.f32 v22, v16  }
0x7e: {  	v18 =	vsel vm2, $0x1, v0;
	v12 =	vmax.f32 v13, v12;
	v13 =	vmin.f32 v14, v9  }
0x7f: {  	v12 =	vmax.f32 v12, v9;
	v9 =	vadd.f32 v9, v15;
	v14 =	vadd.f32 v20, v16  }
0x80: {  	v10 =	vadd.s32 v18, v10;
	v13 =	vmin.f32 v13, v8;
	v12 =	vmax.f32 v12, v8  }
0x81: {  	s28 =	sshra.s32 s26, $0x2;
	v10 =	vadd.s32 v17, v10;
	v8 =	vadd.f32 v8, v9;
	v9 =	vadd.f32 v19, v14  }
0x82: {  	v13 =	vmin.f32 v13, v6;
	v10 =	vadd.s32 v27, v10;
	v12 =	vmax.f32 v12, v6;
	v17 =	vld [tilespmem:s28+$0x4070]  }
0x83: {  	v10 =	vadd.s32 v28, v10;
	v14 =	vadd.f32 v6, v8;
	v9 =	vadd.f32 v11, v9;
	v19 =	vld [tilespmem:s28+$0x4060]  }
0x84: {  	v12 =	vmax.f32 v12, v7;
	v10 =	vadd.s32 v23, v10;
	v11 =	vmin.f32 v13, v7;
	v6 =	vld [tilespmem:s28+$0x4050]  }
0x85: {  	v10 =	vadd.s32 v24, v10;
	v20 =	vadd.f32 v7, v14;
	v5 =	vadd.f32 v5, v9;
	v8 =	vld [tilespmem:s28+$0x4040]  }
0x86: {  	v10 =	vadd.s32 v25, v10;
	v13 =	vmax.f32 v12, v4;
	v14 =	vmin.f32 v11, v4;
	v9 =	vld [tilespmem:s28+$0x4030]  }
0x87: {  	v10 =	vadd.s32 v26, v10;
	v18 =	vadd.f32 v4, v20;
	v16 =	vadd.f32 v3, v5;
	v12 =	vld [tilespmem:s28+$0x4020];
	v4 =	vmovc v17  }
.Ltmp3:
0x88: {  	v15 =	vld [tilespmem:s28+$0x4010];
	v3 =	vmul.f32 v17, v4;
	vm0 =	vlt.f32 v4, $0.0e+00;
	v7 =	vmov v19;
	(pc) =	sbr.rel @p1 .LBB2_5-.Ltmp3, $4  }
0x89: {  	vm4 =	vgt.f32 v4, $0.0e+00;
	v17 =	vld [tilespmem:s28+$0x4000];
	v5 =	vmul.f32 v19, v7;
	vm3 =	vlt.f32 v7, $0.0e+00  }
0x8a: {  	vm1 =	vlt.f32 v6, $0.0e+00;
	vm2 =	vgt.f32 v6, $0.0e+00;
	vm8 =	vgt.f32 v7, $0.0e+00  }
0x8b: {  	v11 =	vmul.f32 v6, v6;
	vm6 =	vlt.f32 v8, $0.0e+00;
	vm7 =	vgt.f32 v8, $0.0e+00  }
0x8c: {  	s26 =	sadd.s32 $0x200, s26;
	vm9 =	vlt.f32 v9, $0.0e+00;
	vm10 =	vgt.f32 v9, $0.0e+00;
	vm5 =	vlt.f32 v12, $0.0e+00  }
0x8d: {  	vm11 =	vlt.f32 v15, $0.0e+00;
	vm12 =	vgt.f32 v12, $0.0e+00  }
0x8e: {  	v19 =	vmul.f32 v8, v8;
	vm14 =	vgt.f32 v15, $0.0e+00;
	v20 =	vmul.f32 v9, v9  }
0x8f: {  	v21 =	vmul.f32 v15, v15;
	v22 =	vmul.f32 v12, v12;
	vm3 =	vmor vm8, vm3  }
0x90: {  	vm0 =	vmor vm4, vm0;
	vm10 =	vmor vm10, vm9;
	vm6 =	vmor vm7, vm6  }
0x91: {  	vm1 =	vmor vm2, vm1;
	vm13 =	vlt.f32 v17, $0.0e+00;
	v18 =	vadd.f32 v17, v18  }
0x92: {  	vm15 =	vgt.f32 v17, $0.0e+00;
	v23 =	vmul.f32 v17, v17;
	vm5 =	vmor vm12, vm5  }
0x93: {  	v24 =	vsel vm1, $0x1, v0;
	v25 =	vsel vm3, $0x1, v0;
	v18 =	vadd.f32 v15, v18  }
0x94: {  	v26 =	vsel vm0, $0x1, v0;
	v62 =	vsel vm6, $0x1, v0;
	v14 =	vmin.f32 v14, v17  }
0x95: {  	v28 =	vsel vm10, $0x1, v0;
	v16 =	vadd.f32 v23, v16;
	v18 =	vadd.f32 v12, v18  }
0x96: {  	v13 =	vmax.f32 v13, v17;
	vm13 =	vmor vm15, vm13;
	vm15 =	vmor vm14, vm11  }
0x97: {  	v27 =	vsel vm5, $0x1, v0;
	v16 =	vadd.f32 v21, v16;
	v18 =	vadd.f32 v9, v18  }
0x98: {  	v14 =	vmin.f32 v14, v15;
	v13 =	vmax.f32 v13, v15;
	v17 =	vsel vm15, $0x1, v0  }
0x99: {  	v14 =	vmin.f32 v14, v12;
	v15 =	vadd.f32 v22, v16;
	v16 =	vadd.f32 v8, v18  }
0x9a: {  	v63 =	vsel vm13, $0x1, v0;
	v12 =	vmax.f32 v13, v12;
	v13 =	vmin.f32 v14, v9  }
0x9b: {  	v9 =	vmax.f32 v12, v9;
	v12 =	vadd.f32 v20, v15;
	v14 =	vadd.f32 v6, v16  }
0x9c: {  	v10 =	vadd.s32 v63, v10;
	v13 =	vmin.f32 v13, v8;
	v8 =	vmax.f32 v9, v8  }
0x9d: {  	v9 =	vadd.s32 v17, v10;
	v10 =	vadd.f32 v19, v12;
	v12 =	vadd.f32 v7, v14  }
0x9e: {  	v13 =	vmin.f32 v13, v6;
	v9 =	vadd.s32 v27, v9;
	v6 =	vmax.f32 v8, v6  }
.Ltmp4:
0x9f: {  	v8 =	vadd.s32 v28, v9;
	v9 =	vadd.f32 v11, v10;
	v10 =	vadd.f32 v4, v12;
	(pc) =	sbr.rel @p0 .LBB2_8-.Ltmp4, $4  }
0xa0: {  	v8 =	vadd.s32 v62, v8;
	v6 =	vmax.f32 v6, v7;
	v11 =	vmin.f32 v13, v7  }
0xa1: {  	v7 =	vadd.s32 v24, v8;
	v8 =	vadd.f32 v5, v9;
	v5 =	vsub.f32 v10, v1  }
0xa2: {  	v14 =	vmin.f32 v11, v4;
	v1 =	vadd.s32 v25, v7;
	v10 =	vmax.f32 v6, v4  }
0xa3: {  	v15 =	vadd.f32 v3, v8;
	v7 =	vadd.s32 v26, v1;
	v1 =	vadd.f32 v5, v2  }
.Ltmp5:
0xa4: {  	(pc) =	sbr.rel .LBB2_2-.Ltmp5, $4  }
0xa5: {  	s25 =	sadd.s32 s25, s7  }
0xa6: {  	s25 =	sshrl.u32 s25, $0x3;
	v2 =	vsub.f32 v1, v2  }
0xa7: {  	s24 =	sadd.s32 $0x1, s24;
	s25 =	sadd.s32 s1, s25  }
0xa8: {  	[tilespmem:s14], [sflag:$0x2] =	stream.linear.gather [hbm4b:s25+s3], $0x4000, $0x38;
	v2 =	vsub.f32 v2, v5;
	[tilespmem:$0x8050] =	vst v63  }
.LBB2_9:
0xa9: {  	_ =	sfence.sel $0x180000  }
0xaa: {  	[bflag:$0x0] =	sbarrier.arrive $0xFFFF  }
0xab: {  	p0 =	sne.s32 s2, $0x0;
	_ =	strace $0x90000047  }
0xac: {  	s0 =	sadd.s32 @!p0 $0x100000, s0;
	[bflag:$0x2] =	sbarrier.arrive $0xFFFF  }
0xad: {  	[sflag:s0] =	ssyncadd.tile.s32 @!p0 $0x1;
	_ =	shalt  }
.Lfunc_end2:
_tile_overlayer_lowered:
.L_overlay_start_2:
0xae: {  	(tag) =	ssettag $0x2  }
0xaf: {  	s0 =	rddreg [dreg:$0x0];
	s2 =	stileid.u32  }
0xb0: {  	s1 =	rddreg [dreg:$0x1];
	p0 =	sne.s32 s2, $0x0  }
0xb1: {  	s3 =	rddreg [dreg:$0x2];
	[bflag:$0x3] =	sbarrier.arrive $0xFFFF;
	s2 =	simm.s32 @!p0 $0x1C03  }
0xb2: {  	[timem:s3], [sflag:s2] =	dma.local @!p0 [hbm:s0], s1  }
0xb3: {  	s0 =	simm.s32 @!p0 $0x3  }
0xb4: {  	_ =	swait.ge @!p0 [sflag:s0], s1  }
0xb5: {  	s1 =	ssub.s32 @!p0 $0x0, s1;
	[sflag:s0] =	ssyncset.done @!p0 $0x0  }
0xb6: {  	[sflag:s0] =	ssyncadd.s32 @!p0 s1  }
0xb7: {  	[bflag:$0x3] =	sbarrier.arrive $0xFFFF  }
0xb8: {  	_ =	shalt  }

// kernel: kernel.7.cloned.1.call-start
scs
__scs_entry_jumppad:
0x0: {  	(pc) =	sbr.rel $0x88, $3  }
0x1: {  	(tag) =	ssettag $0x0;
	lr =	simm.s32 $0x1  }
0x2: {  	[smem:$0x3FA0] =	sst lr;
	_ =	strace $0xD0000000  }
0x3: {  	_ = 	snop  }
0x4: {  	_ = 	snop  }
0x5: {  	_ = 	snop  }
0x6: {  	_ = 	snop  }
0x7: {  	_ = 	snop  }
__scs_overlays_trampoline_lowered:
0x8: {  	[smem:$0x3FAF] =	sst s0  }
0x9: {  	[smem:$0x3FB0] =	sst s1  }
0xa: {  	[smem:$0x3FB1] =	sst s2  }
0xb: {  	[smem:$0x3FB2] =	sst s3  }
0xc: {  	[smem:$0x3FB3] =	sst s4  }
0xd: {  	[smem:$0x3FB4] =	sst s5  }
0xe: {  	[smem:$0x3FB5] =	sst s6  }
0xf: {  	[smem:$0x3FB6] =	sst s7  }
0x10: {  	[smem:$0x3FB7] =	sst s8  }
0x11: {  	[smem:$0x3FB8] =	sst s9;
	s0 =	simm.s32 @!p0 $0x0  }
0x12: {  	s1 =	sld [smem:$0x3F9E];
	s0 =	simm.s32 @p0 $0x1  }
0x13: {  	[smem:$0x3FB9] =	sst s0;
	s0 =	simm.s32 @!p1 $0x0  }
0x14: {  	s2 =	sld [smem:$0x3F9D];
	s0 =	simm.s32 @p1 $0x1  }
0x15: {  	[smem:$0x3FBA] =	sst s0;
	s0 =	simm.s32 @!p2 $0x0  }
0x16: {  	s3 =	sld [smem:$0x3FDB];
	s0 =	simm.s32 @p2 $0x1  }
0x17: {  	s4 =	simm.s32 $0x1BF5;
	[smem:$0x3FBC] =	sst s0  }
0x18: {  	s0 =	sld [smem:$0x3F9F];
	_ =	swait.ge [sflag:s4], $0x0  }
0x19: {  	s7 =	sld [smem:$0x3FA0]  }
0x1a: {  	s8 =	sadd.s32 $0xFFFFE003, lr  }
0x1b: {  	s9 =	sadd.s32 $0xFFFFFEF7, lr;
	s5 =	simm.s32 $0xFFFFFFFF;
	p2 =	slt.u32 s8, $0xFFFFF086  }
0x1c: {  	p1 =	slt.u32 s9, $0xF7A;
	s5 =	simm.s32 @!p2 $0x0  }
0x1d: {  	s5 =	simm.s32 @p1 $0x1;
	p0 =	seq.s32 s7, s2  }
0x1e: {  	s7 =	smul.u32 @!p0 $0xF7A, s2;
	p2 =	seq.s32 @!p0 s5, $0x0  }
0x1f: {  	s9 =	smul.u32 $0xF7A, s1;
	s8 =	simm.s32 @!p0 $0x1BF5;
	p2 =	por !p2, p0  }
0x20: {  	[sflag:s8] =	ssyncset.s32 @!p0 $0xFFFFF086;
	s6 =	sadd.s32 @!p0 s3, s7;
	s7 =	simm.s32 @!p0 $0x108  }
0x21: {  	s3 =	sadd.s32 s3, s9;
	s6 =	sadd.s32 @!p0 $0x88, s6;
	s7 =	simm.s32 @p2 $0x1082  }
0x22: {  	[simem:s7], [sflag:s8] =	dma.local @!p0 [hbm:s6], $0xF7A  }
0x23: {  	s9 =	sor.u32 $0xD0000000, s2;
	s6 =	simm.s32 $0x108;
	_ =	swait.ge @!p0 [sflag:s8], $0x0  }
0x24: {  	s3 =	sadd.s32 $0x88, s3;
	s6 =	simm.s32 @!p1 $0x1082;
	[sflag:s4] =	ssyncset.s32 $0xFFFFF086  }
0x25: {  	[simem:s6], [sflag:s4] =	dma.local [hbm:s3], $0xF7A  }
0x26: {  	[smem:$0x3FA0] =	sst s1;
	(tag) =	ssettag s2;
	_ =	strace s9  }
0x27: {  	s1 =	sld [smem:$0x3FB0]  }
0x28: {  	s2 =	sld [smem:$0x3FB1]  }
0x29: {  	s4 =	sld [smem:$0x3FB3]  }
0x2a: {  	p0 =	seq.s32 s5, $0x0;
	s5 =	sld [smem:$0x3FB4]  }
0x2b: {  	s6 =	sld [smem:$0x3FB5]  }
0x2c: {  	s7 =	sld [smem:$0x3FB6]  }
0x2d: {  	s3 =	simm.s32 $0x108;
	s8 =	sld [smem:$0x3FB7]  }
0x2e: {  	s3 =	simm.s32 @!p0 $0x1082;
	s9 =	sld [smem:$0x3FB8]  }
0x2f: {  	lr =	sadd.s32 s0, s3;
	s0 =	sld [smem:$0x3FAF]  }
0x30: {  	s3 =	sld [smem:$0x3FB2]  }
0x31: {  	[smem:$0x3FBB] =	sst s10  }
0x32: {  	s10 =	sld [smem:$0x3FB9];
	_ =	sdelay $0x3  }
0x33: {  	p0 =	seq.s32 s10, $0x1;
	s10 =	sld [smem:$0x3FBB];
	_ =	sdelay $0x3  }
0x34: {  	[smem:$0x3FBB] =	sst s10  }
0x35: {  	s10 =	sld [smem:$0x3FBA];
	_ =	sdelay $0x3  }
0x36: {  	p1 =	seq.s32 s10, $0x1;
	s10 =	sld [smem:$0x3FBB];
	_ =	sdelay $0x3  }
0x37: {  	[smem:$0x3FBB] =	sst s10  }
0x38: {  	s10 =	sld [smem:$0x3FBC]  }
0x39: {  	_ = 	snop;
	(pc) =	sbr.ind lr, $3  }
0x3a: {  	_ = 	snop  }
0x3b: {  	_ = 	snop  }
0x3c: {  	p2 =	seq.s32 s10, $0x1;
	s10 =	sld [smem:$0x3FBB]  }
0x3d: {  	_ =	shalt  }
0x3e: {  	_ =	shalt  }
0x3f: {  	_ =	shalt  }
0x40: {  	_ =	shalt  }
0x41: {  	_ =	shalt  }
0x42: {  	_ =	shalt  }
0x43: {  	_ =	shalt  }
0x44: {  	_ =	shalt  }
0x45: {  	_ =	shalt  }
0x46: {  	_ =	shalt  }
0x47: {  	_ =	shalt  }
0x48: {  	_ =	shalt  }
0x49: {  	_ =	shalt  }
0x4a: {  	_ =	shalt  }
0x4b: {  	_ =	shalt  }
0x4c: {  	_ =	shalt  }
0x4d: {  	_ =	shalt  }
0x4e: {  	_ =	shalt  }
0x4f: {  	_ =	shalt  }
0x50: {  	_ =	shalt  }
0x51: {  	_ =	shalt  }
0x52: {  	_ =	shalt  }
0x53: {  	_ =	shalt  }
0x54: {  	_ =	shalt  }
0x55: {  	_ =	shalt  }
0x56: {  	_ =	shalt  }
0x57: {  	_ =	shalt  }
0x58: {  	_ =	shalt  }
0x59: {  	_ =	shalt  }
0x5a: {  	_ =	shalt  }
0x5b: {  	_ =	shalt  }
0x5c: {  	_ =	shalt  }
0x5d: {  	_ =	shalt  }
0x5e: {  	_ =	shalt  }
0x5f: {  	_ =	shalt  }
0x60: {  	_ =	shalt  }
0x61: {  	_ =	shalt  }
0x62: {  	_ =	shalt  }
0x63: {  	_ =	shalt  }
0x64: {  	_ =	shalt  }
0x65: {  	_ =	shalt  }
0x66: {  	_ =	shalt  }
0x67: {  	_ =	shalt  }
0x68: {  	_ =	shalt  }
0x69: {  	_ =	shalt  }
0x6a: {  	_ =	shalt  }
0x6b: {  	_ =	shalt  }
0x6c: {  	_ =	shalt  }
0x6d: {  	_ =	shalt  }
0x6e: {  	_ =	shalt  }
0x6f: {  	_ =	shalt  }
0x70: {  	_ =	shalt  }
0x71: {  	_ =	shalt  }
0x72: {  	_ =	shalt  }
0x73: {  	_ =	shalt  }
0x74: {  	_ =	shalt  }
0x75: {  	_ =	shalt  }
0x76: {  	_ =	shalt  }
0x77: {  	_ =	shalt  }
0x78: {  	_ =	shalt  }
0x79: {  	_ =	shalt  }
0x7a: {  	_ =	shalt  }
0x7b: {  	_ =	shalt  }
0x7c: {  	_ =	shalt  }
0x7d: {  	_ =	shalt  }
0x7e: {  	_ =	shalt  }
0x7f: {  	_ =	shalt  }
0x80: {  	_ =	shalt  }
0x81: {  	_ =	shalt  }
0x82: {  	_ =	shalt  }
0x83: {  	_ =	shalt  }
0x84: {  	_ =	shalt  }
0x85: {  	_ =	shalt  }
0x86: {  	_ =	shalt  }
0x87: {  	_ =	shalt  }
.Lfunc_end0:
.L_simem_size_0:
called_computation.1_lowered:
.L_overlay_start_0:
0x88: {  	s2 =	sld [smem:$0x3FD9]  }
0x89: {  	s3 =	sld [smem:$0x3FFE];
	_ =	sdelay $0x1  }
0x8a: {  	s1 =	srdreg.scid  }
0x8b: {  	s0 =	sand.u32 $0x1, s1  }
0x8c: {  	s14 =	sshll.u32 s0, $0xA;
	s2 =	sadd.s32 s3, s2  }
0x8d: {  	s2 =	sadd.s32 s2, s14  }
0x8e: {  	[smem:$0x3FC7] =	sst s2  }
0x8f: {  	_ = 	snop  }
0x90: {  	s2 =	sld [smem:$0x3FD0];
	_ =	sdelay $0x2  }
0x91: {  	s4 =	simm.s32 $0xA;
	s5 =	simm.s32 $0x10;
	s15 =	sld [smem:$0x3FC9]  }
0x92: {  	[smem:s5], [sflag:s4] =	dma.local [hbm:s2], $0x1  }
0x93: {  	_ =	swait.eq [sflag:s4], $0x1  }
0x94: {  	s16 =	sld [smem:$0x13];
	[sflag:s4] =	ssyncset.done $0x0  }
0x95: {  	s17 =	sld [smem:$0x16];
	[sflag:s4] =	ssyncadd.s32 $0xFFFFFFFF  }
0x96: {  	s18 =	sld [smem:$0x17];
	(tm) =	ssettm $0x1  }
0x97: {  	s6 =	sld [smem:$0x3FFB];
	_ =	sdelay $0x3  }
0x98: {  	_ =	strace s6  }
0x99: {  	s6 =	sld [smem:$0x3FFC];
	_ =	sdelay $0x3  }
0x9a: {  	_ =	strace s6  }
0x9b: {  	s6 =	sld [smem:$0x3FFD];
	_ =	sdelay $0x3  }
0x9c: {  	_ =	strace s6  }
0x9d: {  	_ =	strace $0x8FFFFFFF  }
0x9e: {  	s19 =	sld [smem:$0x3FDB];
	_ =	sdelay $0x1  }
0x9f: {  	s7 =	simm.s32 $_scs_section_size  }
0xa0: {  	s8 =	simm.s32 $_size__tile_overlayer_lowered;
	s9 =	simm.s32 $_tile_overlayer_lowered  }
0xa1: {  	s22 =	simm.s32 $0x1BFF;
	s21 =	sshll.u32 s9, $0x1;
	s6 =	sadd.s32 s7, s19  }
0xa2: {  	s10 =	simm.s32 $0x0;
	s20 =	sshll.u32 s8, $0x1;
	s8 =	sadd.s32 s21, s6  }
0xa3: {  	[timem:s10], [sflag:s22] =	dma.local [hbm:s8], s20  }
0xa4: {  	_ =	swait.ge [sflag:s22], s20  }
0xa5: {  	s7 =	ssub.s32 $0x0, s20;
	[sflag:s22] =	ssyncset.done $0x0  }
0xa6: {  	[sflag:s22] =	ssyncadd.s32 s7;
	_ =	sdelay $0x1  }
0xa7: {  	s23 =	simm.s32 $0x1B8B  }
0xa8: {  	_ =	swait.ge [sflag:s23], $0x1  }
0xa9: {  	[sflag:s23] =	ssyncset.done $0x0  }
0xaa: {  	s25 =	simm.s32 $0x1B8E;
	s24 =	sld [smem:$0x3FFE];
	[sflag:s23] =	ssyncadd.s32 $0xFFFFFFFF  }
0xab: {  	s26 =	simm.s32 $execute0_lowered;
	[smem:$0x3FD2] =	sst s25  }
0xac: {  	s8 =	sshll.u32 s26, $0x1;
	_ =	strace $0x80000049;
	[dreg:$0x1] =	wrdreg $0xFFFFFFFF  }
0xad: {  	s28 =	simm.s32 $_size_execute0_lowered;
	s6 =	sadd.s32 s6, s8;
	[dreg:$0x0] =	wrdreg $0x0  }
0xae: {  	s8 =	sshll.u32 s28, $0x1;
	[dreg:$0x2] =	wrdreg s6  }
0xaf: {  	[dreg:$0x3] =	wrdreg s8  }
0xb0: {  	[dreg:$0x4] =	wrdreg $0xC0  }
0xb1: {  	_ =	task [dreg:s10], $0x5FFFF  }
0xb2: {  	[dreg:$0x1] =	wrdreg $0xFFFFFFFF  }
0xb3: {  	[dreg:$0x0] =	wrdreg $0x60  }
0xb4: {  	[dreg:$0x2] =	wrdreg s15  }
0xb5: {  	[dreg:$0x3] =	wrdreg s24  }
0xb6: {  	[dreg:$0x4] =	wrdreg s18  }
0xb7: {  	[dreg:$0x5] =	wrdreg s16  }
0xb8: {  	[dreg:$0x6] =	wrdreg s17  }
0xb9: {  	[dreg:$0x7] =	wrdreg $0x9  }
0xba: {  	_ =	task.clear_ibuf [dreg:s10], $0x8FFFF;
	_ =	strace $0x90000049  }
0xbb: {  	s29 =	simm.s32 $0x9;
	_ =	strace $0x8000004B  }
0xbc: {  	_ =	swait.ge [sflag:s29], $0x1  }
0xbd: {  	[sflag:s29] =	ssyncadd.s32 $0xFFFFFFFF  }
0xbe: {  	_ =	strace $0x9000004B  }
0xbf: {  	_ =	sfence  }
0xc0: {  	s30 =	sld [smem:$0x0];
	_ =	sdelay $0x2  }
0xc1: {  	s31 =	sshll.u32 s1, $0xD;
	s1 =	sshrl.u32 s1, $0x2  }
0xc2: {  	s3 =	sand.u32 $0x4000, s31;
	s1 =	sadd.s32 s1, s30  }
0xc3: {  	s0 =	sor.u32 s3, s0;
	s1 =	sshll.u32 s1, $0x11  }
0xc4: {  	s0 =	sor.u32 s1, s0  }
0xc5: {  	s0 =	sadd.s32 $0x8F2B, s0  }
0xc6: {  	[sflag:s0] =	ssyncadd.remote.s32 $0x1  }
0xc7: {  	_ =	sfence.sel $0xFFFF  }
0xc8: {  	[dreg:$0x0] =	wrdreg $0xFFFFFFFF;
	(pc) =	sbr.abs _section_cstart, $3  }
0xc9: {  	[dreg:$0x1] =	wrdreg $0xFFFFFFFF  }
0xca: {  	_ =	task.clear_ibuf [dreg:s10], $0x2FFFF;
	_ =	strace $0x9FFFFFFF  }
0xcb: {  	(tm) =	ssettm $0x7FFFFFFF  }
tec
execute0_lowered:
.L_overlay_start_1:
0x0: {  	(tag) =	ssettag $0x1  }
0x1: {  	s1 =	rddreg [dreg:$0x0];
	s5 =	simm.s32 $0x0  }
0x2: {  	v0 =	vimm.f32 $3.100000000e+01;
	[smem:$0x7FF] =	sst s5  }
0x3: {  	s0 =	rddreg [dreg:$0x1];
	v1 =	vimm.f32 $1.500000000e+01;
	vm0 =	vcmask $0x300;
	vm1 =	vcmask $0x704;
	_ =	strace $0x8000004A  }
0x4: {  	vm2 =	vcmask $0xB08;
	(erf) = vrcp.f32 v0;
	v0 =	vsel vm0, $0x41800000, v0  }
0x5: {  	vm3 =	vcmask $0x3F04;
	v1 =	vsel vm0, $0x0, v1;
	v0 =	vsel vm1, $0x41880000, v0  }
0x6: {  	v1 =	vsel vm1, $0x3F800000, v1;
	vm0 =	vcmask $0xF0C;
	v0 =	vsel vm2, $0x41900000, v0  }
0x7: {  	v1 =	vsel vm2, $0x40000000, v1;
	vm1 =	vcmask $0x1310;
	v0 =	vsel vm0, $0x41980000, v0  }
0x8: {  	s2 =	srdreg.scid;
	s3 =	stileid.u32;
	s18 =	simm.s32 $0x4000;
	v1 =	vsel vm0, $0x40400000, v1;
	vm2 =	vcmask $0x1714;
	v0 =	vsel vm1, $0x41A00000, v0  }
0x9: {  	s19 =	simm.s32 $0x8000;
	s20 =	simm.s32 $0x3;
	s21 =	simm.s32 $0x8200;
	v1 =	vsel vm1, $0x40800000, v1;
	vm1 =	vcmask $0x1B18;
	v0 =	vsel vm2, $0x41A80000, v0  }
0xa: {  	s22 =	simm.s32 $0x8400;
	s23 =	simm.s32 $0x8600;
	s24 =	simm.s32 $0x8800;
	v1 =	vsel vm2, $0x40A00000, v1;
	vm2 =	vcmask $0x1F1C;
	v0 =	vsel vm1, $0x41B00000, v0  }
0xb: {  	s25 =	simm.s32 $0x8C00;
	s28 =	simm.s32 $0x8C30;
	s29 =	simm.s32 $0x1;
	v1 =	vsel vm1, $0x40C00000, v1;
	vm1 =	vcmask $0x2320;
	v0 =	vsel vm2, $0x41B80000, v0  }
0xc: {  	s30 =	simm.s32 $0x8A00;
	s31 =	simm.s32 $0x2;
	s2 =	sand.u32 $0x1, s2;
	v1 =	vsel vm2, $0x40E00000, v1;
	vm2 =	vcmask $0x2724;
	v0 =	vsel vm1, $0x41C00000, v0  }
0xd: {  	s3 =	sshll.u32 s3, $0x1;
	s7 =	sadd.s32 $0xE00, s0;
	s8 =	sadd.s32 $0x1000, s0;
	v1 =	vsel vm1, $0x41000000, v1;
	vm1 =	vcmask $0x2B28;
	v0 =	vsel vm2, $0x41C80000, v0  }
0xe: {  	s9 =	sadd.s32 $0x1200, s0;
	s10 =	sadd.s32 $0x1400, s0;
	s3 =	sor.u32 s2, s3;
	v1 =	vsel vm2, $0x41100000, v1;
	vm2 =	vcmask $0x2F2C;
	v0 =	vsel vm1, $0x41D00000, v0  }
0xf: {  	s11 =	sadd.s32 $0x1600, s0;
	s2 =	ssub.s32 $0x2, s2;
	s6 =	smul.u32 $0x3E, s3;
	v1 =	vsel vm1, $0x41200000, v1;
	vm1 =	vcmask $0x3330;
	v0 =	vsel vm2, $0x41D80000, v0  }
.Ltmp0:
0x10: {  	s26 =	sshll.u32 s3, $0x10;
	s13 =	sshrl.u32 s2, $0x1;
	v1 =	vsel vm2, $0x41300000, v1;
	vm2 =	vcmask $0x3734;
	v0 =	vsel vm1, $0x41E00000, v0;
	(pc) =	sbr.rel .LBB2_1-.Ltmp0, $4  }
0x11: {  	vm4 =	vmmov $0x1;
	s15 =	sshll.u32 s3, $0x13;
	p0 =	sne.s32 s3, $0x0;
	s12 =	sadd.s32 s1, s26;
	v1 =	vsel vm1, $0x41400000, v1;
	v2 =	vsel vm2, $0x41E80000, v0  }
0x12: {  	v3 =	vimm.s32 $0x0;
	s2 =	ssub.s32 s2, s13;
	s14 =	sor.u32 $0x8000, s15;
	s15 =	sor.u32 $0xC000, s15;
	v1 =	vsel vm2, $0x41500000, v1;
	vm1 =	vcmask $0x3B38  }
0x13: {  	v4 =	vlaneseq.u32;
	v5 =	vimm.s32 $0x1;
	s26 =	simm.s32 $0x8C20;
	s0 =	sadd.s32 s6, s0;
	s13 =	sadd.s32 $0x800, s12;
	v0 =	vsel vm1, $0x41600000, v1  }
0x14: {  	s17 =	smax.u32 s2, $0x1;
	s16 =	sadd.s32 $0x1800, s0;
	s0 =	simm.s32 $0x0;
	vm2 =	vcmask $0x3F08;
	v1 =	vsel vm1, $0x41F00000, v2;
	vm1 =	vcmask $0x3F0C;
	v2 =	vpop (erf)  }
.LBB2_10:
0x15: {  	v6 =	vld [tilespmem:$0x8BE0]  }
0x16: {  	v7 =	vld [tilespmem:$0x8BF0];
	_ =	sdelay $0x3  }
0x17: {  	s0 =	sadd.s32 $0x1, s0  }
0x18: {  	p1 =	sne.s32 s0, s17;
	v6 =	vadd.s32 v6, v7  }
.Ltmp1:
0x19: {  	[tilespmem:$0x8BE0] =	vst v6;
	(pc) =	sbr.rel @!p1 .LBB2_11-.Ltmp1, $4  }
0x1a: {  	[hbm4b:s16+s5] =	stream.linear.scatter [tilespmem:s30], [sflag:$0x3], $0x1F0, $0x38;
	[tilespmem:$0x8C40] =	vst v63  }
0x1b: {  	_ =	swait.ge [sflag:s20], $0x1F0  }
0x1c: {  	[sflag:s20] =	ssyncset.done $0x0  }
0x1d: {  	[sflag:s20] =	ssyncadd.s32 $0xFFFFFE10  }
.LBB2_1:
0x1e: {  	[tilespmem:s5], [sflag:$0x1] =	stream.linear.gather [hbm4b:s12+s5], $0x4000, $0x38;
	[tilespmem:$0x8C40] =	vst v63  }
0x1f: {  	_ = 	snop  }
0x20: {  	[tilespmem:s18], [sflag:$0x2] =	stream.linear.gather [hbm4b:s13+s5], $0x4000, $0x38;
	[tilespmem:$0x8C40] =	vst v63  }
0x21: {  	_ = 	snop  }
0x22: {  	[tilespmem:s19], [sflag:$0x3] =	stream.linear.gather [hbm4b:s7+s5], $0x200, $0x38;
	[tilespmem:$0x8C40] =	vst v63  }
0x23: {  	_ =	swait.ge [sflag:s20], $0x200  }
0x24: {  	[sflag:s20] =	ssyncset.done $0x0  }
0x25: {  	[sflag:s20] =	ssyncadd.s32 $0xFFFFFE00  }
0x26: {  	[tilespmem:s21], [sflag:$0x3] =	stream.linear.gather [hbm4b:s8+s5], $0x200, $0x38;
	[tilespmem:$0x8C40] =	vst v63  }
0x27: {  	_ =	swait.ge [sflag:s20], $0x200  }
0x28: {  	[sflag:s20] =	ssyncset.done $0x0  }
0x29: {  	[sflag:s20] =	ssyncadd.s32 $0xFFFFFE00  }
0x2a: {  	[tilespmem:s22], [sflag:$0x3] =	stream.linear.gather [hbm4b:s9+s5], $0x200, $0x38;
	[tilespmem:$0x8C40] =	vst v63  }
0x2b: {  	_ =	swait.ge [sflag:s20], $0x200  }
0x2c: {  	[sflag:s20] =	ssyncset.done $0x0  }
0x2d: {  	[sflag:s20] =	ssyncadd.s32 $0xFFFFFE00  }
0x2e: {  	[tilespmem:s23], [sflag:$0x3] =	stream.linear.gather [hbm4b:s10+s5], $0x200, $0x38;
	[tilespmem:$0x8C40] =	vst v63  }
0x2f: {  	_ =	swait.ge [sflag:s20], $0x200  }
0x30: {  	[sflag:s20] =	ssyncset.done $0x0  }
0x31: {  	[sflag:s20] =	ssyncadd.s32 $0xFFFFFE00  }
0x32: {  	[tilespmem:s24], [sflag:$0x3] =	stream.linear.gather [hbm4b:s11+s5], $0x200, $0x38;
	[tilespmem:$0x8C40] =	vst v63  }
0x33: {  	_ =	swait.ge [sflag:s20], $0x200  }
0x34: {  	[sflag:s20] =	ssyncset.done $0x0  }
0x35: {  	[sflag:s20] =	ssyncadd.s32 $0xFFFFFE00  }
0x36: {  	v6 =	vld [tilespmem:$0x8000]  }
0x37: {  	v7 =	vld [tilespmem:$0x8200]  }
0x38: {  	v8 =	vld [tilespmem:$0x8010]  }
0x39: {  	v9 =	vld [tilespmem:$0x8210]  }
0x3a: {  	v10 =	vld [tilespmem:$0x8020]  }
0x3b: {  	v11 =	vld [tilespmem:$0x8220]  }
0x3c: {  	v12 =	vld [tilespmem:$0x8030]  }
0x3d: {  	v13 =	vld [tilespmem:$0x8230]  }
0x3e: {  	v14 =	vld [tilespmem:$0x8040]  }
0x3f: {  	v15 =	vld [tilespmem:$0x8240]  }
0x40: {  	v16 =	vld [tilespmem:$0x8050]  }
0x41: {  	v17 =	vld [tilespmem:$0x8250]  }
0x42: {  	v18 =	vld [tilespmem:$0x8060]  }
0x43: {  	v19 =	vld [tilespmem:$0x8260]  }
0x44: {  	v20 =	vld [tilespmem:$0x8070]  }
0x45: {  	v21 =	vld [tilespmem:$0x8270]  }
0x46: {  	v22 =	vld [tilespmem:$0x8080]  }
0x47: {  	v23 =	vld [tilespmem:$0x8280]  }
0x48: {  	v24 =	vld [tilespmem:$0x8090]  }
0x49: {  	v25 =	vld [tilespmem:$0x8290]  }
0x4a: {  	v26 =	vld [tilespmem:$0x80A0]  }
0x4b: {  	v27 =	vld [tilespmem:$0x82A0]  }
0x4c: {  	v28 =	vld [tilespmem:$0x80B0]  }
0x4d: {  	v29 =	vld [tilespmem:$0x82B0]  }
0x4e: {  	v30 =	vld [tilespmem:$0x80C0]  }
0x4f: {  	v31 =	vld [tilespmem:$0x82C0]  }
0x50: {  	v32 =	vld [tilespmem:$0x80D0]  }
0x51: {  	v33 =	vld [tilespmem:$0x82D0]  }
0x52: {  	v34 =	vld [tilespmem:$0x80E0]  }
0x53: {  	v35 =	vld [tilespmem:$0x82E0]  }
0x54: {  	v36 =	vld [tilespmem:$0x80F0]  }
0x55: {  	v37 =	vld [tilespmem:$0x82F0]  }
0x56: {  	v38 =	vld [tilespmem:$0x8100]  }
0x57: {  	v39 =	vld [tilespmem:$0x8300]  }
0x58: {  	v40 =	vld [tilespmem:$0x8110]  }
0x59: {  	v41 =	vld [tilespmem:$0x8310]  }
0x5a: {  	v42 =	vld [tilespmem:$0x8120]  }
0x5b: {  	v45 =	vld [tilespmem:$0x8340];
	v6 =	vmin.f32 v6, v8  }
0x5c: {  	v46 =	vld [tilespmem:$0x8150];
	v7 =	vmax.f32 v7, v9;
	v6 =	vmin.f32 v6, v10  }
0x5d: {  	v47 =	vld [tilespmem:$0x8350];
	v7 =	vmax.f32 v7, v11;
	v6 =	vmin.f32 v6, v12  }
0x5e: {  	v48 =	vld [tilespmem:$0x8160];
	v7 =	vmax.f32 v7, v13;
	v6 =	vmin.f32 v6, v14  }
0x5f: {  	v49 =	vld [tilespmem:$0x8360];
	v7 =	vmax.f32 v7, v15;
	v6 =	vmin.f32 v6, v16  }
0x60: {  	v50 =	vld [tilespmem:$0x8170];
	v7 =	vmax.f32 v7, v17;
	v6 =	vmin.f32 v6, v18  }
0x61: {  	v51 =	vld [tilespmem:$0x8370];
	v7 =	vmax.f32 v7, v19;
	v6 =	vmin.f32 v6, v20  }
0x62: {  	v52 =	vld [tilespmem:$0x8180];
	v7 =	vmax.f32 v7, v21;
	v6 =	vmin.f32 v6, v22  }
0x63: {  	v53 =	vld [tilespmem:$0x8380];
	v7 =	vmax.f32 v7, v23;
	v6 =	vmin.f32 v6, v24  }
0x64: {  	v54 =	vld [tilespmem:$0x8190];
	v7 =	vmax.f32 v7, v25;
	v6 =	vmin.f32 v6, v26  }
0x65: {  	v55 =	vld [tilespmem:$0x8390];
	v7 =	vmax.f32 v7, v27;
	v6 =	vmin.f32 v6, v28  }
0x66: {  	v8 =	vld [tilespmem:$0x8320];
	v7 =	vmax.f32 v7, v29;
	v6 =	vmin.f32 v6, v30  }
0x67: {  	v9 =	vld [tilespmem:$0x8130];
	v7 =	vmax.f32 v7, v31;
	v6 =	vmin.f32 v6, v32  }
0x68: {  	v10 =	vld [tilespmem:$0x8330];
	v7 =	vmax.f32 v7, v33;
	v6 =	vmin.f32 v6, v34  }
0x69: {  	v11 =	vld [tilespmem:$0x8140];
	v7 =	vmax.f32 v7, v35;
	v6 =	vmin.f32 v6, v36  }
0x6a: {  	v56 =	vld [tilespmem:$0x81A0];
	v7 =	vmax.f32 v7, v37;
	v6 =	vmin.f32 v6, v38  }
0x6b: {  	v57 =	vld [tilespmem:$0x83A0];
	v7 =	vmax.f32 v7, v39;
	v6 =	vmin.f32 v6, v40  }
0x6c: {  	v58 =	vld [tilespmem:$0x81B0];
	v7 =	vmax.f32 v7, v41;
	v6 =	vmin.f32 v6, v42  }
0x6d: {  	v59 =	vld [tilespmem:$0x83D0];
	v7 =	vmax.f32 v7, v8;
	v6 =	vmin.f32 v6, v9  }
0x6e: {  	v60 =	vld [tilespmem:$0x81E0];
	v7 =	vmax.f32 v7, v10;
	v6 =	vmin.f32 v6, v11  }
0x6f: {  	v8 =	vld [tilespmem:$0x83B0];
	v7 =	vmax.f32 v7, v45;
	v6 =	vmin.f32 v6, v46  }
0x70: {  	v9 =	vld [tilespmem:$0x81C0];
	v7 =	vmax.f32 v7, v47;
	v6 =	vmin.f32 v6, v48  }
0x71: {  	v10 =	vld [tilespmem:$0x83C0];
	v7 =	vmax.f32 v7, v49;
	v6 =	vmin.f32 v6, v50  }
0x72: {  	v11 =	vld [tilespmem:$0x81D0];
	v7 =	vmax.f32 v7, v51;
	v6 =	vmin.f32 v6, v52  }
0x73: {  	v61 =	vld [tilespmem:$0x83E0];
	v7 =	vmax.f32 v7, v53;
	v6 =	vmin.f32 v6, v54  }
0x74: {  	v62 =	vld [tilespmem:$0x81F0];
	v7 =	vmax.f32 v7, v55;
	v6 =	vmin.f32 v6, v56  }
0x75: {  	v63 =	vld [tilespmem:$0x83F0];
	v7 =	vmax.f32 v7, v57;
	v6 =	vmin.f32 v6, v58  }
0x76: {  	v7 =	vmax.f32 v7, v8;
	v6 =	vmin.f32 v6, v9  }
0x77: {  	v7 =	vmax.f32 v7, v10;
	v6 =	vmin.f32 v6, v11  }
0x78: {  	v7 =	vmax.f32 v7, v59;
	v6 =	vmin.f32 v6, v60  }
0x79: {  	v7 =	vmax.f32 v7, v61;
	v6 =	vmin.f32 v6, v62  }
0x7a: {  	v7 =	vmax.f32 v7, v63;
	(xrf0) =	vmin.scan.msk.f32 $0xffff, v6  }
0x7b: {  	(xrf0) =	vmax.scan.msk.f32 $0xffff, v7;
	_ =	sdelay $0x4  }
0x7c: {  	v8, _, _ =	vpop (xrf0)  }
0x7d: {  	(v2sf) =	vpush v8, $0xF;
	v9, _, _ =	vpop (xrf0)  }
0x7e: {  	(v2sf) =	vpush v9, $0xF;
	_ =	sdelay $0xd  }
0x7f: {  	s2 =	spop (v2sf)  }
0x80: {  	s3 =	spop (v2sf)  }
0x81: {  	s6 =	ssub.f32 s3, s2  }
0x82: {  	s4 =	sadd.f32 $-5.000000000e-01, s2  }
0x83: {  	p1 =	seq.f32 s6, $0.0e+00;
	s6 =	sadd.f32 $5.000000000e-01, s3  }
0x84: {  	_ = 	snop  }
0x85: {  	s2 =	smov.u32 @p1 s4;
	s3 =	smov.u32 @p1 s6  }
0x86: {  	s3 =	ssub.f32 s3, s2;
	_ =	sdelay $0x1  }
0x87: {  	v10 =	vmov s3  }
0x88: {  	(erf) = vrcp.f32 v10;
	_ =	sdelay $0x4  }
.Ltmp2:
0x89: {  	_ = 	snop;
	(pc) =	sbr.rel @p0 .LBB2_3-.Ltmp2, $2  }
0x8a: {  	_ =	sdelay $0x2  }
0x8b: {  	v6 =	vmov s2;
	v7 =	vpop (erf)  }
0x8c: {  	v11 =	vld [tilespmem:$0x8400]  }
0x8d: {  	v12 =	vld [tilespmem:$0x8410];
	_ =	sdelay $0x4  }
0x8e: {  	v13 =	vadd.f32 v12, v11  }
0x8f: {  	v14 =	vld [tilespmem:$0x8420]  }
0x90: {  	v11 =	vsub.f32 v13, v11;
	_ =	sdelay $0x1  }
0x91: {  	v11 =	vsub.f32 v11, v12;
	_ =	sdelay $0x1  }
0x92: {  	v11 =	vsub.f32 v14, v11;
	_ =	sdelay $0x1  }
0x93: {  	v20 =	vadd.f32 v11, v13  }
0x94: {  	v21 =	vld [tilespmem:$0x8430]  }
0x95: {  	v13 =	vsub.f32 v20, v13;
	_ =	sdelay $0x1  }
0x96: {  	v11 =	vsub.f32 v13, v11;
	_ =	sdelay $0x1  }
0x97: {  	v11 =	vsub.f32 v21, v11;
	_ =	sdelay $0x1  }
0x98: {  	v22 =	vadd.f32 v11, v20  }
0x99: {  	v23 =	vld [tilespmem:$0x8440]  }
0x9a: {  	v12 =	vsub.f32 v22, v20;
	_ =	sdelay $0x1  }
0x9b: {  	v11 =	vsub.f32 v12, v11;
	_ =	sdelay $0x1  }
0x9c: {  	v11 =	vsub.f32 v23, v11;
	_ =	sdelay $0x1  }
0x9d: {  	v24 =	vadd.f32 v11, v22  }
0x9e: {  	v25 =	vld [tilespmem:$0x8450]  }
0x9f: {  	v13 =	vsub.f32 v24, v22;
	_ =	sdelay $0x1  }
0xa0: {  	v11 =	vsub.f32 v13, v11;
	_ =	sdelay $0x1  }
0xa1: {  	v11 =	vsub.f32 v25, v11;
	_ =	sdelay $0x1  }
0xa2: {  	v26 =	vadd.f32 v11, v24  }
0xa3: {  	v27 =	vld [tilespmem:$0x8460]  }
0xa4: {  	v12 =	vsub.f32 v26, v24;
	_ =	sdelay $0x1  }
0xa5: {  	v11 =	vsub.f32 v12, v11;
	_ =	sdelay $0x1  }
0xa6: {  	v11 =	vsub.f32 v27, v11;
	_ =	sdelay $0x1  }
0xa7: {  	v28 =	vadd.f32 v11, v26  }
0xa8: {  	v29 =	vld [tilespmem:$0x8470]  }
0xa9: {  	v13 =	vsub.f32 v28, v26;
	_ =	sdelay $0x1  }
0xaa: {  	v11 =	vsub.f32 v13, v11;
	_ =	sdelay $0x1  }
0xab: {  	v11 =	vsub.f32 v29, v11;
	_ =	sdelay $0x1  }
0xac: {  	v30 =	vadd.f32 v11, v28  }
0xad: {  	v31 =	vld [tilespmem:$0x8480]  }
0xae: {  	v12 =	vsub.f32 v30, v28;
	_ =	sdelay $0x1  }
0xaf: {  	v11 =	vsub.f32 v12, v11;
	_ =	sdelay $0x1  }
0xb0: {  	v11 =	vsub.f32 v31, v11;
	_ =	sdelay $0x1  }
0xb1: {  	v32 =	vadd.f32 v11, v30  }
0xb2: {  	v33 =	vld [tilespmem:$0x8490]  }
0xb3: {  	v13 =	vsub.f32 v32, v30;
	_ =	sdelay $0x1  }
0xb4: {  	v11 =	vsub.f32 v13, v11;
	_ =	sdelay $0x1  }
0xb5: {  	v11 =	vsub.f32 v33, v11;
	_ =	sdelay $0x1  }
0xb6: {  	v34 =	vadd.f32 v11, v32  }
0xb7: {  	v35 =	vld [tilespmem:$0x84A0]  }
0xb8: {  	v12 =	vsub.f32 v34, v32;
	_ =	sdelay $0x1  }
0xb9: {  	v11 =	vsub.f32 v12, v11;
	_ =	sdelay $0x1  }
0xba: {  	v11 =	vsub.f32 v35, v11;
	_ =	sdelay $0x1  }
0xbb: {  	v36 =	vadd.f32 v11, v34  }
0xbc: {  	v37 =	vld [tilespmem:$0x84B0]  }
0xbd: {  	v13 =	vsub.f32 v36, v34;
	_ =	sdelay $0x1  }
0xbe: {  	v11 =	vsub.f32 v13, v11;
	_ =	sdelay $0x1  }
0xbf: {  	v11 =	vsub.f32 v37, v11;
	_ =	sdelay $0x1  }
0xc0: {  	v38 =	vadd.f32 v11, v36  }
0xc1: {  	v39 =	vld [tilespmem:$0x84C0]  }
0xc2: {  	v12 =	vsub.f32 v38, v36;
	_ =	sdelay $0x1  }
0xc3: {  	v11 =	vsub.f32 v12, v11;
	_ =	sdelay $0x1  }
0xc4: {  	v11 =	vsub.f32 v39, v11;
	_ =	sdelay $0x1  }
0xc5: {  	v40 =	vadd.f32 v11, v38  }
0xc6: {  	v41 =	vld [tilespmem:$0x84D0]  }
0xc7: {  	v13 =	vsub.f32 v40, v38;
	_ =	sdelay $0x1  }
0xc8: {  	v11 =	vsub.f32 v13, v11;
	_ =	sdelay $0x1  }
0xc9: {  	v11 =	vsub.f32 v41, v11;
	_ =	sdelay $0x1  }
0xca: {  	v42 =	vadd.f32 v11, v40  }
0xcb: {  	v43 =	vld [tilespmem:$0x84E0]  }
0xcc: {  	v12 =	vsub.f32 v42, v40;
	_ =	sdelay $0x1  }
0xcd: {  	v11 =	vsub.f32 v12, v11;
	_ =	sdelay $0x1  }
0xce: {  	v11 =	vsub.f32 v43, v11;
	_ =	sdelay $0x1  }
0xcf: {  	v44 =	vadd.f32 v11, v42  }
0xd0: {  	v45 =	vld [tilespmem:$0x84F0]  }
0xd1: {  	v13 =	vsub.f32 v44, v42;
	_ =	sdelay $0x1  }
0xd2: {  	v11 =	vsub.f32 v13, v11;
	_ =	sdelay $0x1  }
0xd3: {  	v11 =	vsub.f32 v45, v11;
	_ =	sdelay $0x1  }
0xd4: {  	v46 =	vadd.f32 v11, v44  }
0xd5: {  	v47 =	vld [tilespmem:$0x8500]  }
0xd6: {  	v12 =	vsub.f32 v46, v44;
	_ =	sdelay $0x1  }
0xd7: {  	v11 =	vsub.f32 v12, v11;
	_ =	sdelay $0x1  }
0xd8: {  	v11 =	vsub.f32 v47, v11;
	_ =	sdelay $0x1  }
0xd9: {  	v48 =	vadd.f32 v11, v46  }
0xda: {  	v49 =	vld [tilespmem:$0x8510]  }
0xdb: {  	v13 =	vsub.f32 v48, v46;
	_ =	sdelay $0x1  }
0xdc: {  	v11 =	vsub.f32 v13, v11;
	_ =	sdelay $0x1  }
0xdd: {  	v11 =	vsub.f32 v49, v11;
	_ =	sdelay $0x1  }
0xde: {  	v50 =	vadd.f32 v11, v48  }
0xdf: {  	v51 =	vld [tilespmem:$0x8520]  }
0xe0: {  	v12 =	vsub.f32 v50, v48;
	_ =	sdelay $0x1  }
0xe1: {  	v11 =	vsub.f32 v12, v11;
	_ =	sdelay $0x1  }
0xe2: {  	v11 =	vsub.f32 v51, v11;
	_ =	sdelay $0x1  }
0xe3: {  	v52 =	vadd.f32 v11, v50  }
0xe4: {  	v53 =	vld [tilespmem:$0x8530]  }
0xe5: {  	v13 =	vsub.f32 v52, v50;
	_ =	sdelay $0x1  }
0xe6: {  	v11 =	vsub.f32 v13, v11;
	_ =	sdelay $0x1  }
0xe7: {  	v11 =	vsub.f32 v53, v11;
	_ =	sdelay $0x1  }
0xe8: {  	v54 =	vadd.f32 v11, v52  }
0xe9: {  	v55 =	vld [tilespmem:$0x8540]  }
0xea: {  	v12 =	vsub.f32 v54, v52;
	_ =	sdelay $0x1  }
0xeb: {  	v11 =	vsub.f32 v12, v11;
	_ =	sdelay $0x1  }
0xec: {  	v11 =	vsub.f32 v55, v11;
	_ =	sdelay $0x1  }
0xed: {  	v56 =	vadd.f32 v11, v54  }
0xee: {  	v57 =	vld [tilespmem:$0x8550]  }
0xef: {  	v13 =	vsub.f32 v56, v54;
	_ =	sdelay $0x1  }
0xf0: {  	v11 =	vsub.f32 v13, v11;
	_ =	sdelay $0x1  }
0xf1: {  	v11 =	vsub.f32 v57, v11;
	_ =	sdelay $0x1  }
0xf2: {  	v58 =	vadd.f32 v11, v56  }
0xf3: {  	v59 =	vld [tilespmem:$0x8560]  }
0xf4: {  	v12 =	vsub.f32 v58, v56;
	_ =	sdelay $0x1  }
0xf5: {  	v11 =	vsub.f32 v12, v11;
	_ =	sdelay $0x1  }
0xf6: {  	v11 =	vsub.f32 v59, v11;
	_ =	sdelay $0x1  }
0xf7: {  	v60 =	vadd.f32 v11, v58  }
0xf8: {  	v61 =	vld [tilespmem:$0x8570]  }
0xf9: {  	v13 =	vsub.f32 v60, v58  }
0xfa: {  	v15 =	vld [tilespmem:$0x8800]  }
0xfb: {  	v62 =	vld [tilespmem:$0x8600];
	v11 =	vsub.f32 v13, v11  }
0xfc: {  	v16 =	vld [tilespmem:$0x8610]  }
0xfd: {  	v63 =	vld [tilespmem:$0x8810];
	v11 =	vsub.f32 v61, v11;
	_ =	sdelay $0x1  }
0xfe: {  	v17 =	vld [tilespmem:$0x8620];
	v18 =	vadd.f32 v11, v60  }
0xff: {  	v19 =	vld [tilespmem:$0x8580]  }
0x100: {  	v20 =	vld [tilespmem:$0x8630];
	v12 =	vsub.f32 v18, v60  }
0x101: {  	v14 =	vadd.s32 v15, v63;
	v63 =	vld [tilespmem:$0x8910];
	v13 =	vadd.f32 v16, v62  }
0x102: {  	v34 =	vld [tilespmem:$0x8640];
	v11 =	vsub.f32 v12, v11  }
0x103: {  	v21 =	vld [tilespmem:$0x8820];
	v13 =	vadd.f32 v17, v13  }
0x104: {  	v35 =	vld [tilespmem:$0x8650];
	v11 =	vsub.f32 v19, v11  }
0x105: {  	v23 =	vld [tilespmem:$0x8670];
	v13 =	vadd.f32 v20, v13  }
0x106: {  	v36 =	vld [tilespmem:$0x8660];
	v22 =	vadd.f32 v11, v18  }
0x107: {  	v37 =	vld [tilespmem:$0x8590];
	v13 =	vadd.f32 v34, v13  }
0x108: {  	v24 =	vld [tilespmem:$0x8850];
	v18 =	vsub.f32 v22, v18  }
0x109: {  	v27 =	vld [tilespmem:$0x8880];
	v13 =	vadd.f32 v35, v13  }
0x10a: {  	v38 =	vld [tilespmem:$0x8680];
	v11 =	vsub.f32 v18, v11  }
0x10b: {  	v26 =	vld [tilespmem:$0x86B0];
	v13 =	vadd.f32 v36, v13  }
0x10c: {  	v40 =	vld [tilespmem:$0x8690];
	v11 =	vsub.f32 v37, v11  }
0x10d: {  	v29 =	vld [tilespmem:$0x86F0];
	v13 =	vadd.f32 v23, v13  }
0x10e: {  	v42 =	vld [tilespmem:$0x86A0];
	v25 =	vadd.f32 v11, v22  }
0x10f: {  	v43 =	vld [tilespmem:$0x85A0];
	v13 =	vadd.f32 v38, v13  }
0x110: {  	v30 =	vld [tilespmem:$0x88B0];
	v22 =	vsub.f32 v25, v22  }
0x111: {  	v33 =	vld [tilespmem:$0x88E0];
	v13 =	vadd.f32 v40, v13  }
0x112: {  	v44 =	vld [tilespmem:$0x86C0];
	v11 =	vsub.f32 v22, v11  }
0x113: {  	v32 =	vld [tilespmem:$0x8730];
	v13 =	vadd.f32 v42, v13  }
0x114: {  	v46 =	vld [tilespmem:$0x86D0];
	v11 =	vsub.f32 v43, v11  }
0x115: {  	v39 =	vld [tilespmem:$0x8860];
	v13 =	vadd.f32 v26, v13  }
0x116: {  	v48 =	vld [tilespmem:$0x86E0];
	v28 =	vadd.f32 v11, v25  }
0x117: {  	v49 =	vld [tilespmem:$0x85B0];
	v13 =	vadd.f32 v44, v13  }
0x118: {  	v41 =	vld [tilespmem:$0x8870];
	v25 =	vsub.f32 v28, v25  }
0x119: {  	v45 =	vld [tilespmem:$0x8890];
	v13 =	vadd.f32 v46, v13  }
0x11a: {  	v50 =	vld [tilespmem:$0x8700];
	v11 =	vsub.f32 v25, v11  }
0x11b: {  	v47 =	vld [tilespmem:$0x88A0];
	v13 =	vadd.f32 v48, v13  }
0x11c: {  	v52 =	vld [tilespmem:$0x8710];
	v11 =	vsub.f32 v49, v11  }
0x11d: {  	v51 =	vld [tilespmem:$0x88C0];
	v13 =	vadd.f32 v29, v13  }
0x11e: {  	v54 =	vld [tilespmem:$0x8720];
	v31 =	vadd.f32 v11, v28  }
0x11f: {  	v55 =	vld [tilespmem:$0x85C0];
	v13 =	vadd.f32 v50, v13  }
0x120: {  	v53 =	vld [tilespmem:$0x88D0];
	v28 =	vsub.f32 v31, v28  }
0x121: {  	v57 =	vld [tilespmem:$0x88F0];
	v13 =	vadd.f32 v52, v13  }
0x122: {  	v56 =	vld [tilespmem:$0x8740];
	v11 =	vsub.f32 v28, v11  }
0x123: {  	v58 =	vld [tilespmem:$0x8750];
	v13 =	vadd.f32 v54, v13  }
0x124: {  	v60 =	vld [tilespmem:$0x8760];
	v11 =	vsub.f32 v55, v11  }
0x125: {  	v12 =	vld [tilespmem:$0x8830];
	v13 =	vadd.f32 v32, v13  }
0x126: {  	v19 =	vld [tilespmem:$0x8840];
	v34 =	vadd.f32 v11, v31  }
0x127: {  	v61 =	vld [tilespmem:$0x85D0];
	v13 =	vadd.f32 v56, v13  }
0x128: {  	v62 =	vld [tilespmem:$0x8770];
	v31 =	vsub.f32 v34, v31  }
0x129: {  	v14 =	vadd.s32 v21, v14;
	v59 =	vld [tilespmem:$0x8900];
	v13 =	vadd.f32 v58, v13  }
0x12a: {  	v12 =	vadd.s32 v12, v14;
	v29 =	vld [tilespmem:$0x8780];
	v11 =	vsub.f32 v31, v11  }
0x12b: {  	v35 =	vld [tilespmem:$0x8930];
	v12 =	vadd.s32 v19, v12;
	v13 =	vadd.f32 v60, v13  }
0x12c: {  	v12 =	vadd.s32 v24, v12;
	v32 =	vld [tilespmem:$0x8790];
	v11 =	vsub.f32 v61, v11  }
0x12d: {  	v36 =	vld [tilespmem:$0x87A0];
	v12 =	vadd.s32 v39, v12;
	v13 =	vadd.f32 v62, v13  }
0x12e: {  	v38 =	vld [tilespmem:$0x85E0];
	v12 =	vadd.s32 v41, v12;
	v37 =	vadd.f32 v11, v34  }
0x12f: {  	v39 =	vld [tilespmem:$0x87B0];
	v12 =	vadd.s32 v27, v12;
	v13 =	vadd.f32 v29, v13  }
0x130: {  	v41 =	vld [tilespmem:$0x8940];
	v12 =	vadd.s32 v45, v12;
	v40 =	vsub.f32 v37, v34  }
0x131: {  	v42 =	vld [tilespmem:$0x87C0];
	v12 =	vadd.s32 v47, v12;
	v13 =	vadd.f32 v32, v13  }
0x132: {  	v45 =	vld [tilespmem:$0x8960];
	v12 =	vadd.s32 v30, v12;
	v11 =	vsub.f32 v40, v11  }
0x133: {  	v44 =	vld [tilespmem:$0x87D0];
	v12 =	vadd.s32 v51, v12;
	v13 =	vadd.f32 v36, v13  }
0x134: {  	v12 =	vadd.s32 v53, v12;
	v31 =	vld [tilespmem:$0x8920];
	v11 =	vsub.f32 v38, v11  }
0x135: {  	v46 =	vld [tilespmem:$0x87E0];
	v12 =	vadd.s32 v33, v12;
	v13 =	vadd.f32 v39, v13  }
0x136: {  	v43 =	vld [tilespmem:$0x8950];
	v12 =	vadd.s32 v57, v12;
	v47 =	vadd.f32 v11, v37  }
0x137: {  	v48 =	vld [tilespmem:$0x85F0];
	v12 =	vadd.s32 v59, v12;
	v13 =	vadd.f32 v42, v13  }
0x138: {  	v12 =	vadd.s32 v63, v12;
	v49 =	vld [tilespmem:$0x87F0];
	v16 =	vsub.f32 v47, v37  }
0x139: {  	v50 =	vld [tilespmem:$0x8970];
	v12 =	vadd.s32 v31, v12;
	v13 =	vadd.f32 v44, v13  }
0x13a: {  	v51 =	vld [tilespmem:$0x8980];
	v12 =	vadd.s32 v35, v12;
	v11 =	vsub.f32 v16, v11  }
0x13b: {  	v52 =	vld [tilespmem:$0x8990];
	v12 =	vadd.s32 v41, v12;
	v13 =	vadd.f32 v46, v13  }
0x13c: {  	v53 =	vld [tilespmem:$0x89A0];
	v12 =	vadd.s32 v43, v12;
	v11 =	vsub.f32 v48, v11  }
0x13d: {  	v54 =	vld [tilespmem:$0x89B0];
	v12 =	vadd.s32 v45, v12;
	v13 =	vadd.f32 v49, v13  }
0x13e: {  	v55 =	vld [tilespmem:$0x89C0];
	v12 =	vadd.s32 v50, v12;
	v11 =	vadd.f32 v11, v47  }
0x13f: {  	v56 =	vld [tilespmem:$0x89D0];
	v12 =	vadd.s32 v51, v12;
	(xrf2) =	vadd.scan.msk.f32 $0xffff, v13  }
0x140: {  	v57 =	vld [tilespmem:$0x89E0];
	v12 =	vadd.s32 v52, v12;
	(xrf2) =	vadd.scan.msk.f32 $0xffff, v11  }
0x141: {  	v58 =	vld [tilespmem:$0x89F0];
	v12 =	vadd.s32 v53, v12  }
0x142: {  	v12 =	vadd.s32 v54, v12  }
0x143: {  	v12 =	vadd.s32 v55, v12  }
0x144: {  	v12 =	vadd.s32 v56, v12  }
0x145: {  	v11 =	vadd.s32 v57, v12  }
0x146: {  	v11 =	vadd.s32 v58, v11  }
0x147: {  	v10 =	vmul.f32 v10, v2;
	(xrf0) =	vadd.scan.msk.s32 $0xffff, v11;
	_ =	sdelay $0x1  }
0x148: {  	v61 =	vmul.f32 v0, v10;
	v59, _, _ =	vpop (xrf2)  }
0x149: {  	v10 =	vmul.f32 v1, v10;
	v11 =	vbroadcast v59, $0xF;
	v60, _, _ =	vpop (xrf2)  }
0x14a: {  	v12 =	vbroadcast v60, $0xF  }
0x14b: {  	v9 =	vbroadcast v9, $0xF;
	v10 =	vadd.f32 v10, v6;
	v11 =	vnsel vm0, $0x0, v11  }
0x14c: {  	v8 =	vbroadcast v8, $0xF;
	v13 =	vadd.f32 v61, v6;
	v62, _, _ =	vpop (xrf0);
	v11 =	vsel vm1, v11, v12  }
0x14d: {  	[tilespmem:$0x8C10] =	vst v10;
	v63 =	vbroadcast v62, $0xF;
	v9 =	vsel vm2, v11, v9  }
0x14e: {  	[tilespmem:$0x8C00] =	vst v13;
	v8 =	vsel vm3, v9, v8  }
0x14f: {  	[tilespmem:$0x8C20] =	vst v8;
	v8 =	vnsel vm4, $0x0, v63  }
0x150: {  	s2 =	rddreg [dreg:$0x4];
	[tilespmem:$0x8C30] =	vst v8  }
0x151: {  	[hbm4b:s2+s5] =	stream.linear.scatter [tilespmem:s25], [sflag:$0x3], $0x20, $0x38;
	[tilespmem:$0x8C40] =	vst v63  }
0x152: {  	_ =	swait.ge [sflag:s20], $0x20  }
0x153: {  	[sflag:s20] =	ssyncset.done $0x0  }
0x154: {  	[sflag:s20] =	ssyncadd.s32 $0xFFFFFFE0  }
0x155: {  	s4 =	rddreg [dreg:$0x2]  }
0x156: {  	[hbm4b:s4+s5] =	stream.linear.scatter [tilespmem:s26], [sflag:$0x3], $0x10, $0x38;
	[tilespmem:$0x8C40] =	vst v63  }
0x157: {  	_ =	swait.ge [sflag:s20], $0x10  }
0x158: {  	[sflag:s20] =	ssyncset.done $0x0  }
0x159: {  	[sflag:s20] =	ssyncadd.s32 $0xFFFFFFF0  }
0x15a: {  	s6 =	rddreg [dreg:$0x3]  }
0x15b: {  	[hbm4b:s6+s5] =	stream.linear.scatter [tilespmem:s28], [sflag:$0x3], $0x10, $0x38;
	[tilespmem:$0x8C40] =	vst v63  }
0x15c: {  	_ =	swait.ge [sflag:s20], $0x10  }
0x15d: {  	[sflag:s20] =	ssyncset.done $0x0  }
0x15e: {  	[sflag:s20] =	ssyncadd.s32 $0xFFFFFFF0  }
.LBB2_3:
0x15f: {  	[tilespmem:$0x8A00] =	vst v3  }
0x160: {  	[tilespmem:$0x8A10] =	vst v3  }
0x161: {  	[tilespmem:$0x8A20] =	vst v3  }
0x162: {  	[tilespmem:$0x8A30] =	vst v3  }
0x163: {  	[tilespmem:$0x8A40] =	vst v3  }
0x164: {  	[tilespmem:$0x8A50] =	vst v3  }
0x165: {  	[tilespmem:$0x8A60] =	vst v3  }
0x166: {  	[tilespmem:$0x8A70] =	vst v3  }
0x167: {  	[tilespmem:$0x8A80] =	vst v3  }
0x168: {  	[tilespmem:$0x8A90] =	vst v3  }
0x169: {  	[tilespmem:$0x8AA0] =	vst v3  }
0x16a: {  	[tilespmem:$0x8AB0] =	vst v3  }
0x16b: {  	[tilespmem:$0x8AC0] =	vst v3  }
0x16c: {  	[tilespmem:$0x8AD0] =	vst v3  }
0x16d: {  	[tilespmem:$0x8AE0] =	vst v3  }
0x16e: {  	[tilespmem:$0x8AF0] =	vst v3  }
0x16f: {  	[tilespmem:$0x8B00] =	vst v3  }
0x170: {  	[tilespmem:$0x8B10] =	vst v3  }
0x171: {  	[tilespmem:$0x8B20] =	vst v3  }
0x172: {  	[tilespmem:$0x8B30] =	vst v3  }
0x173: {  	[tilespmem:$0x8B40] =	vst v3  }
0x174: {  	[tilespmem:$0x8B50] =	vst v3  }
0x175: {  	[tilespmem:$0x8B60] =	vst v3  }
0x176: {  	[tilespmem:$0x8B70] =	vst v3  }
0x177: {  	[tilespmem:$0x8B80] =	vst v3  }
0x178: {  	[tilespmem:$0x8B90] =	vst v3  }
0x179: {  	[tilespmem:$0x8BA0] =	vst v3  }
0x17a: {  	[tilespmem:$0x8BB0] =	vst v3  }
0x17b: {  	[tilespmem:$0x8BC0] =	vst v3  }
0x17c: {  	[tilespmem:$0x8BD0] =	vst v3  }
0x17d: {  	[tilespmem:$0x8BE0] =	vst v3;
	v7 =	vmul.f32 $3.100000000e+01, v7  }
0x17e: {  	[tilespmem:$0x8BF0] =	vst v3;
	s6 =	simm.s32 $0x0  }
.LBB2_4:
0x17f: {  	_ =	swait.ge [sflag:s29], $0x4000  }
0x180: {  	[sflag:s29] =	ssyncset.done $0x0  }
0x181: {  	s2 =	simm.s32 $0x0;
	[sflag:s29] =	ssyncadd.s32 $0xFFFFC000  }
0x182: {  	v8 =	vld [tilespmem:s2+$0x10]  }
0x183: {  	v9 =	vld [tilespmem:s2+$0x20]  }
0x184: {  	v10 =	vld [tilespmem:s2+$0x0];
	_ =	sdelay $0x2  }
0x185: {  	v11 =	vld [tilespmem:s2+$0x70]  }
0x186: {  	v12 =	vld [tilespmem:s2+$0x30];
	v8 =	vsub.f32 v8, v6  }
0x187: {  	v13 =	vld [tilespmem:s2+$0x40];
	v9 =	vsub.f32 v9, v6;
	v10 =	vsub.f32 v10, v6  }
0x188: {  	v14 =	vld [tilespmem:s2+$0x50];
	v15 =	vmul.f32 v8, v7  }
0x189: {  	v9 =	vmul.f32 v9, v7;
	v10 =	vmul.f32 v10, v7  }
0x18a: {  	v8 =	vsub.f32 v11, v6;
	v11 =	vtrunc.f32 v15  }
0x18b: {  	v12 =	vsub.f32 v12, v6;
	v15 =	vld [tilespmem:s2+$0x60];
	v9 =	vtrunc.f32 v9;
	v10 =	vtrunc.f32 v10  }
0x18c: {  	v13 =	vsub.f32 v13, v6;
	v11 =	vcvt.f32.s32 v11;
	v9 =	vcvt.f32.s32 v9  }
0x18d: {  	v14 =	vsub.f32 v14, v6;
	v17 =	vmul.f32 v12, v7;
	v16 =	vcvt.f32.s32 v10  }
0x18e: {  	v10 =	vmul.f32 v13, v7;
	v12 =	vshll.u32 v11, $0x4;
	v13 =	vshll.u32 v9, $0x4  }
0x18f: {  	v9 =	vtrunc.f32 v17;
	v11 =	vmul.f32 v14, v7;
	v16 =	vshll.u32 v16, $0x4  }
0x190: {  	s2 =	simm.s32 $0x200;
	v14 =	vcvt.f32.s32 v9;
	v9 =	vor.u32 v4, v16;
	v15 =	vsub.f32 v15, v6  }
.LBB2_5:
0x191: {  	p1 =	sne.s32 s2, $0xFE00;
	v8 =	vmul.f32 v8, v7;
	v12 =	vor.u32 v4, v12;
	v13 =	vor.u32 v4, v13;
	s3 =	smov.u32 s2;
	s2 =	sadd.s32 $0x200, s2  }
0x192: {  	v10 =	vtrunc.f32 v10;
	v15 =	vmul.f32 v15, v7;
	v14 =	vshll.u32 v14, $0x4  }
0x193: {  	v11 =	vtrunc.f32 v11;
	v10 =	vcvt.f32.s32 v10;
	v14 =	vor.u32 v4, v14  }
0x194: {  	v11 =	vcvt.f32.s32 v11;
	v15 =	vtrunc.f32 v15  }
0x195: {  	s3 =	sshra.s32 s3, $0x2;
	v8 =	vtrunc.f32 v8;
	v15 =	vcvt.f32.s32 v15;
	[tilespmem:v9+s30+$0x0] =	vst.idx.add.s32.msk $0xffff, v5;
	v9 =	vshll.u32 v10, $0x4  }
0x196: {  	v8 =	vcvt.f32.s32 v8;
	v10 =	vshll.u32 v11, $0x4;
	[tilespmem:v12+s30+$0x0] =	vst.idx.add.s32.msk $0xffff, v5;
	v9 =	vor.u32 v4, v9  }
0x197: {  	v10 =	vor.u32 v4, v10;
	[tilespmem:v13+s30+$0x0] =	vst.idx.add.s32.msk $0xffff, v5;
	v11 =	vshll.u32 v15, $0x4  }
0x198: {  	v8 =	vshll.u32 v8, $0x4;
	[tilespmem:v14+s30+$0x0] =	vst.idx.add.s32.msk $0xffff, v5;
	v11 =	vor.u32 v4, v11  }
0x199: {  	v8 =	vor.u32 v4, v8;
	_ =	sdelay $0x1  }
0x19a: {  	[tilespmem:v9+s30+$0x0] =	vst.idx.add.s32.msk $0xffff, v5  }
0x19b: {  	[tilespmem:v10+s30+$0x0] =	vst.idx.add.s32.msk $0xffff, v5  }
0x19c: {  	[tilespmem:v11+s30+$0x0] =	vst.idx.add.s32.msk $0xffff, v5  }
0x19d: {  	[tilespmem:v8+s30+$0x0] =	vst.idx.add.s32.msk $0xffff, v5  }
0x19e: {  	v8 =	vld [tilespmem:s3+$0x10]  }
0x19f: {  	v9 =	vld [tilespmem:s3+$0x20]  }
0x1a0: {  	v10 =	vld [tilespmem:s3+$0x0]  }
0x1a1: {  	v11 =	vld [tilespmem:s3+$0x70];
	_ =	sdelay $0x1  }
0x1a2: {  	v12 =	vld [tilespmem:s3+$0x30];
	v8 =	vsub.f32 v8, v6  }
0x1a3: {  	v13 =	vld [tilespmem:s3+$0x40];
	v9 =	vsub.f32 v9, v6  }
0x1a4: {  	v14 =	vld [tilespmem:s3+$0x50];
	v10 =	vsub.f32 v10, v6;
	v15 =	vmul.f32 v8, v7  }
0x1a5: {  	v9 =	vmul.f32 v9, v7;
	v8 =	vsub.f32 v11, v6  }
0x1a6: {  	v10 =	vmul.f32 v10, v7;
	v11 =	vtrunc.f32 v15  }
0x1a7: {  	v15 =	vld [tilespmem:s3+$0x60];
	v11 =	vcvt.f32.s32 v11;
	v9 =	vtrunc.f32 v9;
	v12 =	vsub.f32 v12, v6  }
.Ltmp3:
0x1a8: {  	v10 =	vtrunc.f32 v10;
	v9 =	vcvt.f32.s32 v9;
	v13 =	vsub.f32 v13, v6;
	(pc) =	sbr.rel @p1 .LBB2_5-.Ltmp3, $4  }
0x1a9: {  	v16 =	vcvt.f32.s32 v10;
	v17 =	vmul.f32 v12, v7;
	v14 =	vsub.f32 v14, v6  }
0x1aa: {  	v12 =	vshll.u32 v11, $0x4;
	v10 =	vmul.f32 v13, v7;
	v13 =	vshll.u32 v9, $0x4  }
0x1ab: {  	v9 =	vtrunc.f32 v17;
	v11 =	vmul.f32 v14, v7;
	v16 =	vshll.u32 v16, $0x4  }
0x1ac: {  	v14 =	vcvt.f32.s32 v9;
	v15 =	vsub.f32 v15, v6;
	v9 =	vor.u32 v4, v16  }
0x1ad: {  	v8 =	vmul.f32 v8, v7;
	v12 =	vor.u32 v4, v12  }
0x1ae: {  	v13 =	vor.u32 v4, v13;
	v10 =	vtrunc.f32 v10;
	v15 =	vmul.f32 v15, v7  }
0x1af: {  	v11 =	vtrunc.f32 v11;
	v14 =	vshll.u32 v14, $0x4;
	v10 =	vcvt.f32.s32 v10  }
0x1b0: {  	v11 =	vcvt.f32.s32 v11;
	v14 =	vor.u32 v4, v14;
	v15 =	vtrunc.f32 v15  }
0x1b1: {  	v8 =	vtrunc.f32 v8;
	v10 =	vshll.u32 v10, $0x4;
	v15 =	vcvt.f32.s32 v15  }
0x1b2: {  	v8 =	vcvt.f32.s32 v8;
	v11 =	vshll.u32 v11, $0x4;
	v10 =	vor.u32 v4, v10  }
0x1b3: {  	[tilespmem:v9+s30+$0x0] =	vst.idx.add.s32.msk $0xffff, v5;
	v9 =	vor.u32 v4, v11;
	v11 =	vshll.u32 v15, $0x4  }
0x1b4: {  	[tilespmem:v12+s30+$0x0] =	vst.idx.add.s32.msk $0xffff, v5;
	v8 =	vshll.u32 v8, $0x4;
	v11 =	vor.u32 v4, v11  }
0x1b5: {  	[tilespmem:v13+s30+$0x0] =	vst.idx.add.s32.msk $0xffff, v5;
	v8 =	vor.u32 v4, v8  }
0x1b6: {  	[tilespmem:v14+s30+$0x0] =	vst.idx.add.s32.msk $0xffff, v5  }
0x1b7: {  	s2 =	sshll.u32 s6, $0xF;
	p1 =	seq.s32 s6, $0xF;
	[tilespmem:v10+s30+$0x0] =	vst.idx.add.s32.msk $0xffff, v5  }
0x1b8: {  	s3 =	sadd.s32 @!p1 s2, s14;
	[tilespmem:v9+s30+$0x0] =	vst.idx.add.s32.msk $0xffff, v5  }
0x1b9: {  	s3 =	sshrl.u32 @!p1 s3, $0x3;
	[tilespmem:v11+s30+$0x0] =	vst.idx.add.s32.msk $0xffff, v5  }
0x1ba: {  	s4 =	simm.s32 @!p1 $0x0;
	s3 =	sadd.s32 @!p1 s1, s3;
	[tilespmem:v8+s30+$0x0] =	vst.idx.add.s32.msk $0xffff, v5  }
0x1bb: {  	[tilespmem:s4], [sflag:$0x1] =	stream.linear.gather @!p1 [hbm4b:s3+s4], $0x4000, $0x38;
	[tilespmem:$0x8C40] =	vst v63  }
0x1bc: {  	_ =	swait.ge [sflag:s31], $0x4000  }
0x1bd: {  	[sflag:s31] =	ssyncset.done $0x0  }
0x1be: {  	s4 =	simm.s32 $0x0;
	[sflag:s31] =	ssyncadd.s32 $0xFFFFC000  }
0x1bf: {  	v8 =	vld [tilespmem:s4+$0x4010]  }
0x1c0: {  	v9 =	vld [tilespmem:s4+$0x4020]  }
0x1c1: {  	v10 =	vld [tilespmem:s4+$0x4000];
	_ =	sdelay $0x2  }
0x1c2: {  	v11 =	vld [tilespmem:s4+$0x4070]  }
0x1c3: {  	v12 =	vld [tilespmem:s4+$0x4030];
	v8 =	vsub.f32 v8, v6  }
0x1c4: {  	v13 =	vld [tilespmem:s4+$0x4040];
	v9 =	vsub.f32 v9, v6;
	v10 =	vsub.f32 v10, v6  }
0x1c5: {  	v14 =	vld [tilespmem:s4+$0x4050];
	v15 =	vmul.f32 v8, v7  }
0x1c6: {  	v9 =	vmul.f32 v9, v7;
	v10 =	vmul.f32 v10, v7  }
0x1c7: {  	v8 =	vsub.f32 v11, v6;
	v11 =	vtrunc.f32 v15  }
0x1c8: {  	v12 =	vsub.f32 v12, v6;
	v15 =	vld [tilespmem:s4+$0x4060];
	v9 =	vtrunc.f32 v9;
	v10 =	vtrunc.f32 v10  }
0x1c9: {  	v13 =	vsub.f32 v13, v6;
	v11 =	vcvt.f32.s32 v11;
	v9 =	vcvt.f32.s32 v9  }
0x1ca: {  	v14 =	vsub.f32 v14, v6;
	v17 =	vmul.f32 v12, v7;
	v16 =	vcvt.f32.s32 v10  }
0x1cb: {  	v10 =	vmul.f32 v13, v7;
	v12 =	vshll.u32 v11, $0x4;
	v13 =	vshll.u32 v9, $0x4  }
0x1cc: {  	v9 =	vtrunc.f32 v17;
	v11 =	vmul.f32 v14, v7;
	v16 =	vshll.u32 v16, $0x4  }
0x1cd: {  	s3 =	simm.s32 $0x200;
	v14 =	vcvt.f32.s32 v9;
	v9 =	vor.u32 v4, v16;
	v15 =	vsub.f32 v15, v6  }
.LBB2_7:
0x1ce: {  	p2 =	sne.s32 s3, $0xFE00;
	v8 =	vmul.f32 v8, v7;
	v12 =	vor.u32 v4, v12;
	v13 =	vor.u32 v4, v13;
	s4 =	smov.u32 s3;
	s3 =	sadd.s32 $0x200, s3  }
0x1cf: {  	v10 =	vtrunc.f32 v10;
	v15 =	vmul.f32 v15, v7;
	v14 =	vshll.u32 v14, $0x4  }
0x1d0: {  	v11 =	vtrunc.f32 v11;
	v10 =	vcvt.f32.s32 v10;
	v14 =	vor.u32 v4, v14  }
0x1d1: {  	v11 =	vcvt.f32.s32 v11;
	v15 =	vtrunc.f32 v15  }
0x1d2: {  	s4 =	sshra.s32 s4, $0x2;
	v8 =	vtrunc.f32 v8;
	v15 =	vcvt.f32.s32 v15;
	[tilespmem:v9+s30+$0x0] =	vst.idx.add.s32.msk $0xffff, v5;
	v9 =	vshll.u32 v10, $0x4  }
0x1d3: {  	v8 =	vcvt.f32.s32 v8;
	v10 =	vshll.u32 v11, $0x4;
	[tilespmem:v12+s30+$0x0] =	vst.idx.add.s32.msk $0xffff, v5;
	v9 =	vor.u32 v4, v9  }
0x1d4: {  	v10 =	vor.u32 v4, v10;
	[tilespmem:v13+s30+$0x0] =	vst.idx.add.s32.msk $0xffff, v5;
	v11 =	vshll.u32 v15, $0x4  }
0x1d5: {  	v8 =	vshll.u32 v8, $0x4;
	[tilespmem:v14+s30+$0x0] =	vst.idx.add.s32.msk $0xffff, v5;
	v11 =	vor.u32 v4, v11  }
0x1d6: {  	v8 =	vor.u32 v4, v8;
	_ =	sdelay $0x1  }
0x1d7: {  	[tilespmem:v9+s30+$0x0] =	vst.idx.add.s32.msk $0xffff, v5  }
0x1d8: {  	[tilespmem:v10+s30+$0x0] =	vst.idx.add.s32.msk $0xffff, v5  }
0x1d9: {  	[tilespmem:v11+s30+$0x0] =	vst.idx.add.s32.msk $0xffff, v5  }
0x1da: {  	[tilespmem:v8+s30+$0x0] =	vst.idx.add.s32.msk $0xffff, v5  }
0x1db: {  	v8 =	vld [tilespmem:s4+$0x4010]  }
0x1dc: {  	v9 =	vld [tilespmem:s4+$0x4020]  }
0x1dd: {  	v10 =	vld [tilespmem:s4+$0x4000]  }
0x1de: {  	v11 =	vld [tilespmem:s4+$0x4070];
	_ =	sdelay $0x1  }
0x1df: {  	v12 =	vld [tilespmem:s4+$0x4030];
	v8 =	vsub.f32 v8, v6  }
0x1e0: {  	v13 =	vld [tilespmem:s4+$0x4040];
	v9 =	vsub.f32 v9, v6  }
0x1e1: {  	v14 =	vld [tilespmem:s4+$0x4050];
	v10 =	vsub.f32 v10, v6;
	v15 =	vmul.f32 v8, v7  }
0x1e2: {  	v9 =	vmul.f32 v9, v7;
	v8 =	vsub.f32 v11, v6  }
0x1e3: {  	v10 =	vmul.f32 v10, v7;
	v11 =	vtrunc.f32 v15  }
0x1e4: {  	v15 =	vld [tilespmem:s4+$0x4060];
	v11 =	vcvt.f32.s32 v11;
	v9 =	vtrunc.f32 v9;
	v12 =	vsub.f32 v12, v6  }
.Ltmp4:
0x1e5: {  	v10 =	vtrunc.f32 v10;
	v9 =	vcvt.f32.s32 v9;
	v13 =	vsub.f32 v13, v6;
	(pc) =	sbr.rel @p2 .LBB2_7-.Ltmp4, $4  }
0x1e6: {  	v16 =	vcvt.f32.s32 v10;
	v17 =	vmul.f32 v12, v7;
	v14 =	vsub.f32 v14, v6  }
0x1e7: {  	v12 =	vshll.u32 v11, $0x4;
	v10 =	vmul.f32 v13, v7;
	v13 =	vshll.u32 v9, $0x4  }
0x1e8: {  	v9 =	vtrunc.f32 v17;
	v11 =	vmul.f32 v14, v7;
	v16 =	vshll.u32 v16, $0x4  }
0x1e9: {  	v14 =	vcvt.f32.s32 v9;
	v15 =	vsub.f32 v15, v6;
	v9 =	vor.u32 v4, v16  }
0x1ea: {  	v8 =	vmul.f32 v8, v7;
	v12 =	vor.u32 v4, v12  }
0x1eb: {  	v13 =	vor.u32 v4, v13;
	v10 =	vtrunc.f32 v10;
	v15 =	vmul.f32 v15, v7  }
0x1ec: {  	v11 =	vtrunc.f32 v11;
	v14 =	vshll.u32 v14, $0x4;
	v10 =	vcvt.f32.s32 v10  }
0x1ed: {  	v11 =	vcvt.f32.s32 v11;
	v14 =	vor.u32 v4, v14;
	v15 =	vtrunc.f32 v15  }
0x1ee: {  	v8 =	vtrunc.f32 v8;
	v10 =	vshll.u32 v10, $0x4;
	v15 =	vcvt.f32.s32 v15  }
0x1ef: {  	v8 =	vcvt.f32.s32 v8;
	v11 =	vshll.u32 v11, $0x4;
	v10 =	vor.u32 v4, v10  }
0x1f0: {  	[tilespmem:v9+s30+$0x0] =	vst.idx.add.s32.msk $0xffff, v5;
	v62 =	vor.u32 v4, v11;
	v63 =	vshll.u32 v15, $0x4  }
0x1f1: {  	[tilespmem:v12+s30+$0x0] =	vst.idx.add.s32.msk $0xffff, v5;
	v8 =	vshll.u32 v8, $0x4;
	v11 =	vor.u32 v4, v63  }
0x1f2: {  	[tilespmem:v13+s30+$0x0] =	vst.idx.add.s32.msk $0xffff, v5;
	v8 =	vor.u32 v4, v8  }
.Ltmp5:
0x1f3: {  	[tilespmem:v14+s30+$0x0] =	vst.idx.add.s32.msk $0xffff, v5;
	(pc) =	sbr.rel @p1 .LBB2_10-.Ltmp5, $4  }
0x1f4: {  	[tilespmem:v10+s30+$0x0] =	vst.idx.add.s32.msk $0xffff, v5  }
0x1f5: {  	[tilespmem:v62+s30+$0x0] =	vst.idx.add.s32.msk $0xffff, v5  }
0x1f6: {  	[tilespmem:v11+s30+$0x0] =	vst.idx.add.s32.msk $0xffff, v5  }
0x1f7: {  	[tilespmem:v8+s30+$0x0] =	vst.idx.add.s32.msk $0xffff, v5  }
.Ltmp6:
0x1f8: {  	(pc) =	sbr.rel .LBB2_4-.Ltmp6, $4  }
0x1f9: {  	s2 =	sadd.s32 s2, s15  }
0x1fa: {  	s2 =	sshrl.u32 s2, $0x3  }
0x1fb: {  	s6 =	sadd.s32 $0x1, s6;
	s2 =	sadd.s32 s1, s2  }
0x1fc: {  	[tilespmem:s18], [sflag:$0x2] =	stream.linear.gather [hbm4b:s2+s5], $0x4000, $0x38;
	[tilespmem:$0x8C40] =	vst v63  }
.LBB2_11:
0x1fd: {  	_ =	sfence.sel $0x180000  }
0x1fe: {  	[bflag:$0x0] =	sbarrier.arrive $0xFFFF  }
0x1ff: {  	_ =	strace $0x9000004A  }
0x200: {  	s0 =	stileid.u32;
	[bflag:$0x2] =	sbarrier.arrive $0xFFFF  }
0x201: {  	p0 =	sne.s32 s0, $0x0;
	s0 =	rddreg [dreg:$0x5]  }
0x202: {  	s0 =	sadd.s32 @!p0 $0x100000, s0  }
0x203: {  	[sflag:s0] =	ssyncadd.tile.s32 @!p0 $0x1;
	_ =	shalt  }
.Lfunc_end2:
_tile_overlayer_lowered:
.L_overlay_start_2:
0x204: {  	(tag) =	ssettag $0x2  }
0x205: {  	s0 =	rddreg [dreg:$0x0];
	s2 =	stileid.u32  }
0x206: {  	s1 =	rddreg [dreg:$0x1];
	p0 =	sne.s32 s2, $0x0  }
0x207: {  	s3 =	rddreg [dreg:$0x2];
	[bflag:$0x3] =	sbarrier.arrive $0xFFFF;
	s2 =	simm.s32 @!p0 $0x1C03  }
0x208: {  	[timem:s3], [sflag:s2] =	dma.local @!p0 [hbm:s0], s1  }
0x209: {  	s0 =	simm.s32 @!p0 $0x3  }
0x20a: {  	_ =	swait.ge @!p0 [sflag:s0], s1  }
0x20b: {  	s1 =	ssub.s32 @!p0 $0x0, s1;
	[sflag:s0] =	ssyncset.done @!p0 $0x0  }
0x20c: {  	[sflag:s0] =	ssyncadd.s32 @!p0 s1  }
0x20d: {  	[bflag:$0x3] =	sbarrier.arrive $0xFFFF  }
0x20e: {  	_ =	shalt  }

</sc_bundles>
